<compile_context>
chip_gen: v7x
topology: tpu7x:2x2x1
jax: 0.10.2.dev20260603
libtpu: 0.0.44.dev20260713+nightly
codegen_flags: <defaults>
</compile_context>

<pallas_src>
import functools
import jax
import jax.numpy as jnp
from jax import lax
from jax.experimental import pallas as pl
from jax.experimental.pallas import tpu as pltpu, tpu_sc as plsc

N_NODES = 10000
N_EDGES = 320000
EMB_DIM = 128
FEAT_DIM = 256
NUM_LAYERS = 5
NUM_GRAPHS = 256
EPS = 1e-5

NC = 2
NS = 16
NW = NC * NS
CH = 128
GCH = -(-N_EDGES // (NW * CH))
E_PAD = NW * CH * GCH
TILE_ROWS = 632
ACC_ROWS = TILE_ROWS * NS
DUMMY_ROW = N_NODES
ROWS_OUT = 624
TAIL_OFF = ROWS_OUT * NS
TAIL_ROWS = N_NODES - TAIL_OFF

ROW_BLK = 2000
NBLK = N_NODES // ROW_BLK


@functools.lru_cache(maxsize=None)
def _make_sc_scatter(d):
  mesh = plsc.VectorSubcoreMesh(core_axis_name="c", subcore_axis_name="s",
                                num_cores=NC, num_subcores=NS)

  @functools.partial(
      pl.kernel,
      out_type=jax.ShapeDtypeStruct((NC, N_NODES, d), jnp.float32),
      mesh=mesh,
      scratch_types=[
          pltpu.VMEM((GCH, CH), jnp.int32),
          pltpu.VMEM((GCH, CH), jnp.int32),
          pltpu.VMEM((CH, d), jnp.float32),
          pltpu.VMEM_SHARED((ACC_ROWS, d), jnp.float32),
          pltpu.SemaphoreType.DMA,
      ],
  )
  def k(table_hbm, srcg_hbm, dstg_hbm, zeros_hbm, out_hbm,
        src_v, dst_v, rows_v, acc_sh, sem):
    c = lax.axis_index("c")
    s = lax.axis_index("s")
    wid = c * NS + s
    pltpu.sync_copy(srcg_hbm.at[wid], src_v)
    pltpu.sync_copy(dstg_hbm.at[wid], dst_v)
    pltpu.sync_copy(zeros_hbm, acc_sh.at[pl.ds(s * TILE_ROWS, TILE_ROWS)])
    plsc.subcore_barrier()

    def body(j, carry):
      pltpu.async_copy(table_hbm.at[src_v.at[j]], rows_v, sem).wait()
      pltpu.sync_copy(rows_v, acc_sh.at[dst_v.at[j]], add=True)
      return carry

    lax.fori_loop(0, GCH, body, 0)
    plsc.subcore_barrier()
    pltpu.sync_copy(acc_sh.at[pl.ds(s * ROWS_OUT, ROWS_OUT)],
                    out_hbm.at[c, pl.ds(s * ROWS_OUT, ROWS_OUT)])

    @pl.when(s == NS - 1)
    def _():
      pltpu.sync_copy(acc_sh.at[pl.ds(TAIL_OFF, TAIL_ROWS)],
                      out_hbm.at[c, pl.ds(TAIL_OFF, TAIL_ROWS)])

  return k


def _sc_scatter_feat(*args):
  return _make_sc_scatter(EMB_DIM)(*args)


def _sc_scatter_cnt(*args):
  return _make_sc_scatter(EMB_DIM)(*args)


def _softplus(x):
  return jnp.maximum(x, 0.0) + jnp.log1p(jnp.exp(-jnp.abs(x)))


def _embed_body(atom_ref, pos_ref, emb_ref, posw_ref, posb_ref, out_ref):
  oh = (atom_ref[...] == lax.broadcasted_iota(jnp.int32, (ROW_BLK, 128), 1))
  oh = oh.astype(jnp.float32)
  out_ref[...] = (jnp.dot(oh, emb_ref[...], preferred_element_type=jnp.float32)
                  + jnp.dot(pos_ref[...], posw_ref[...],
                            preferred_element_type=jnp.float32)
                  + posb_ref[...])


def _embed(atomics2d, pos8, emb1p, posw8, posb):
  return pl.pallas_call(
      _embed_body,
      grid=(NBLK,),
      in_specs=[
          pl.BlockSpec((ROW_BLK, 1), lambda i: (i, 0)),
          pl.BlockSpec((ROW_BLK, 8), lambda i: (i, 0)),
          pl.BlockSpec((128, 128), lambda i: (0, 0)),
          pl.BlockSpec((8, 128), lambda i: (0, 0)),
          pl.BlockSpec((1, 128), lambda i: (0, 0)),
      ],
      out_specs=pl.BlockSpec((ROW_BLK, 128), lambda i: (i, 0)),
      out_shape=jax.ShapeDtypeStruct((N_NODES, EMB_DIM), jnp.float32),
  )(atomics2d, pos8, emb1p, posw8, posb)


def _layer_mm_body(parts_ref, h_ref, cnt_ref, ee_ref, w1_ref, b1_ref,
                   w2_ref, b2_ref, h2_ref, mom_ref, acc_ref):
  i = pl.program_id(0)
  cnt = cnt_ref[0] + cnt_ref[1]
  ctot = cnt[:, 0:1]
  c1 = cnt[:, 1:2]
  e0 = ee_ref[0:1, :]
  e1 = ee_ref[1:2, :]
  agg = (parts_ref[0] + parts_ref[1] + h_ref[...]
         + ctot * e0 + c1 * (e1 - e0) + e1)
  t = _softplus(jnp.dot(agg, w1_ref[...], preferred_element_type=jnp.float32)
                + b1_ref[...])
  h2 = jnp.dot(t, w2_ref[...], preferred_element_type=jnp.float32) + b2_ref[...]
  h2_ref[...] = h2

  @pl.when(i == 0)
  def _():
    acc_ref[...] = jnp.zeros_like(acc_ref)

  acc_ref[0:1, :] += jnp.sum(h2, axis=0)[None, :]
  acc_ref[1:2, :] += jnp.sum(h2 * h2, axis=0)[None, :]

  @pl.when(i == NBLK - 1)
  def _():
    mom_ref[...] = acc_ref[...]


def _layer_mm(parts, h, cntp, ee, w1, b1, w2, b2):
  return pl.pallas_call(
      _layer_mm_body,
      grid=(NBLK,),
      in_specs=[
          pl.BlockSpec((2, ROW_BLK, 128), lambda i: (0, i, 0)),
          pl.BlockSpec((ROW_BLK, 128), lambda i: (i, 0)),
          pl.BlockSpec((2, ROW_BLK, 128), lambda i: (0, i, 0)),
          pl.BlockSpec((2, 128), lambda i: (0, 0)),
          pl.BlockSpec((128, 256), lambda i: (0, 0)),
          pl.BlockSpec((1, 256), lambda i: (0, 0)),
          pl.BlockSpec((256, 128), lambda i: (0, 0)),
          pl.BlockSpec((1, 128), lambda i: (0, 0)),
      ],
      out_specs=[
          pl.BlockSpec((ROW_BLK, 128), lambda i: (i, 0)),
          pl.BlockSpec((8, 128), lambda i: (0, 0)),
      ],
      out_shape=[
          jax.ShapeDtypeStruct((N_NODES, EMB_DIM), jnp.float32),
          jax.ShapeDtypeStruct((8, EMB_DIM), jnp.float32),
      ],
      scratch_shapes=[pltpu.VMEM((8, 128), jnp.float32)],
  )(parts, h, cntp, ee, w1, b1, w2, b2)


def _make_bn_body(last):
  def body(h2_ref, mom_ref, g_ref, b_ref, out_ref):
    n = jnp.float32(N_NODES)
    mean = mom_ref[0:1, :] / n
    var = mom_ref[1:2, :] / n - mean * mean
    rstd = lax.rsqrt(var + EPS)
    y = (h2_ref[...] - mean) * (rstd * g_ref[...]) + b_ref[...]
    if not last:
      y = _softplus(y)
    out_ref[...] = y
  return body


def _bn(h2, mom, g, b, last):
  return pl.pallas_call(
      _make_bn_body(last),
      grid=(NBLK,),
      in_specs=[
          pl.BlockSpec((ROW_BLK, 128), lambda i: (i, 0)),
          pl.BlockSpec((8, 128), lambda i: (0, 0)),
          pl.BlockSpec((1, 128), lambda i: (0, 0)),
          pl.BlockSpec((1, 128), lambda i: (0, 0)),
      ],
      out_specs=pl.BlockSpec((ROW_BLK, 128), lambda i: (i, 0)),
      out_shape=jax.ShapeDtypeStruct((N_NODES, EMB_DIM), jnp.float32),
  )(h2, mom, g, b)


def _pool_head_body(h_ref, batch_ref, fw_ref, fb_ref, hw1_ref, hb1_ref,
                    hw2_ref, hb2_ref, out_ref, pool_ref, cnt_ref):
  i = pl.program_id(0)

  @pl.when(i == 0)
  def _():
    pool_ref[...] = jnp.zeros_like(pool_ref)
    cnt_ref[...] = jnp.zeros_like(cnt_ref)

  feat = (jnp.dot(h_ref[...], fw_ref[...], preferred_element_type=jnp.float32)
          + fb_ref[...])
  oh = (batch_ref[...] == lax.broadcasted_iota(jnp.int32, (ROW_BLK, 256), 1))
  oh = oh.astype(jnp.float32)
  dn = (((0,), (0,)), ((), ()))
  pool_ref[...] += lax.dot_general(oh, feat, dimension_numbers=dn,
                                   preferred_element_type=jnp.float32)
  ones = jnp.ones((ROW_BLK, 128), jnp.float32)
  cnt_ref[...] += lax.dot_general(oh, ones, dimension_numbers=dn,
                                  preferred_element_type=jnp.float32)

  @pl.when(i == NBLK - 1)
  def _():
    counts = jnp.maximum(cnt_ref[:, 0:1], 1.0)
    pooled = pool_ref[...] / counts
    u = _softplus(jnp.dot(pooled, hw1_ref[...],
                          preferred_element_type=jnp.float32) + hb1_ref[...])
    out_ref[...] = (jnp.dot(u, hw2_ref[...],
                            preferred_element_type=jnp.float32) + hb2_ref[...])


def _pool_head(h, batch2d, fw, fb, hw1, hb1, hw2p, hb2p):
  return pl.pallas_call(
      _pool_head_body,
      grid=(NBLK,),
      in_specs=[
          pl.BlockSpec((ROW_BLK, 128), lambda i: (i, 0)),
          pl.BlockSpec((ROW_BLK, 1), lambda i: (i, 0)),
          pl.BlockSpec((128, 256), lambda i: (0, 0)),
          pl.BlockSpec((1, 256), lambda i: (0, 0)),
          pl.BlockSpec((256, 128), lambda i: (0, 0)),
          pl.BlockSpec((1, 128), lambda i: (0, 0)),
          pl.BlockSpec((128, 128), lambda i: (0, 0)),
          pl.BlockSpec((1, 128), lambda i: (0, 0)),
      ],
      out_specs=pl.BlockSpec((256, 128), lambda i: (0, 0)),
      out_shape=jax.ShapeDtypeStruct((NUM_GRAPHS, 128), jnp.float32),
      scratch_shapes=[
          pltpu.VMEM((256, 256), jnp.float32),
          pltpu.VMEM((256, 128), jnp.float32),
      ],
  )(h, batch2d, fw, fb, hw1, hb1, hw2p, hb2p)


def kernel(atomics, pos, edge_index, edge_attr, batch, emb1, pos_W, pos_b,
           mlp_W1, mlp_b1, mlp_W2, mlp_b2, edge_emb, bn_g, bn_b,
           feat_W, feat_b, head_W1, head_b1, head_W2, head_b2):
  f32 = jnp.float32
  i32 = jnp.int32

  npad = E_PAD - N_EDGES
  src = jnp.concatenate([edge_index[0].astype(i32),
                         jnp.zeros((npad,), i32)])
  dst = jnp.concatenate([edge_index[1].astype(i32),
                         jnp.full((npad,), DUMMY_ROW, i32)])
  ea = jnp.concatenate([edge_attr.astype(i32), jnp.zeros((npad,), i32)])
  srcg = src.reshape(NW, GCH, CH)
  dstg = dst.reshape(NW, GCH, CH)
  eag = ea.reshape(NW, GCH, CH)
  zeros_feat = jnp.zeros((TILE_ROWS, EMB_DIM), f32)
  cnt_table = jnp.zeros((2, EMB_DIM), f32).at[:, 0].set(1.0).at[1, 1].set(1.0)

  atomics2d = atomics.astype(i32).reshape(N_NODES, 1)
  batch2d = batch.astype(i32).reshape(N_NODES, 1)
  pos8 = jnp.pad(pos.astype(f32), ((0, 0), (0, 5)))
  emb1p = jnp.pad(emb1, ((0, 128 - emb1.shape[0]), (0, 0)))
  posw8 = jnp.pad(pos_W, ((0, 5), (0, 0)))
  posb = pos_b.reshape(1, EMB_DIM)
  hw2p = jnp.pad(head_W2, ((0, 0), (0, 127)))
  hb2p = jnp.pad(head_b2, ((0, 127),)).reshape(1, 128)

  cntp = _sc_scatter_cnt(cnt_table, eag, dstg, zeros_feat)

  h = _embed(atomics2d, pos8, emb1p, posw8, posb)

  for l in range(NUM_LAYERS):
    parts = _sc_scatter_feat(h, srcg, dstg, zeros_feat)
    h2, mom = _layer_mm(parts, h, cntp, edge_emb[l],
                        mlp_W1[l], mlp_b1[l].reshape(1, 2 * EMB_DIM),
                        mlp_W2[l], mlp_b2[l].reshape(1, EMB_DIM))
    h = _bn(h2, mom, bn_g[l].reshape(1, EMB_DIM), bn_b[l].reshape(1, EMB_DIM),
            last=(l == NUM_LAYERS - 1))

  out = _pool_head(h, batch2d, feat_W, feat_b.reshape(1, FEAT_DIM),
                   head_W1, head_b1.reshape(1, FEAT_DIM // 2), hw2p, hb2p)
  return out[:, :1]

# --- scband reference (transcript-rebuilt; emitter-appended) ---
"""Pipeline reference for scband-ginet-34660386078855 (READ-ONLY COPY).

The authoritative reference and input builder live on the scoring server;
editing this copy changes nothing except your own understanding.
"""

import jax, jax.numpy as jnp
import numpy as np

N_NODES = 10000
N_EDGES = 320000
EMB_DIM = 128
FEAT_DIM = 256
NUM_LAYERS = 5
NUM_ATOM_TYPE = 100
NUM_BOND_TYPE = 2
NUM_GRAPHS = 256
EPS = 1e-5


def setup_inputs(seed: int = 0) -> dict:
    key = jax.random.key(seed)
    ks = jax.random.split(key, 16)
    s = 0.05
    inp = {}
    inp["atomics"] = jax.random.randint(ks[0], (N_NODES,), 0, NUM_ATOM_TYPE)
    inp["pos"] = jax.random.normal(ks[1], (N_NODES, 3), dtype=jnp.float32)
    inp["edge_index"] = jax.random.randint(ks[2], (2, N_EDGES), 0, N_NODES)
    inp["edge_attr"] = jax.random.randint(ks[3], (N_EDGES,), 0, NUM_BOND_TYPE)
    inp["batch"] = jnp.sort(jax.random.randint(ks[4], (N_NODES,), 0, NUM_GRAPHS))
    inp["emb1"] = jax.random.normal(ks[5], (NUM_ATOM_TYPE, EMB_DIM), dtype=jnp.float32) * s
    inp["pos_W"] = jax.random.normal(ks[6], (3, EMB_DIM), dtype=jnp.float32) * s
    inp["pos_b"] = jnp.zeros((EMB_DIM,), jnp.float32)
    inp["mlp_W1"] = jax.random.normal(ks[7], (NUM_LAYERS, EMB_DIM, 2 * EMB_DIM), dtype=jnp.float32) * s
    inp["mlp_b1"] = jnp.zeros((NUM_LAYERS, 2 * EMB_DIM), jnp.float32)
    inp["mlp_W2"] = jax.random.normal(ks[8], (NUM_LAYERS, 2 * EMB_DIM, EMB_DIM), dtype=jnp.float32) * s
    inp["mlp_b2"] = jnp.zeros((NUM_LAYERS, EMB_DIM), jnp.float32)
    inp["edge_emb"] = jax.random.normal(ks[9], (NUM_LAYERS, NUM_BOND_TYPE, EMB_DIM), dtype=jnp.float32) * s
    inp["bn_g"] = jnp.ones((NUM_LAYERS, EMB_DIM), jnp.float32)
    inp["bn_b"] = jnp.zeros((NUM_LAYERS, EMB_DIM), jnp.float32)
    inp["feat_W"] = jax.random.normal(ks[10], (EMB_DIM, FEAT_DIM), dtype=jnp.float32) * s
    inp["feat_b"] = jnp.zeros((FEAT_DIM,), jnp.float32)
    inp["head_W1"] = jax.random.normal(ks[11], (FEAT_DIM, FEAT_DIM // 2), dtype=jnp.float32) * s
    inp["head_b1"] = jnp.zeros((FEAT_DIM // 2,), jnp.float32)
    inp["head_W2"] = jax.random.normal(ks[12], (FEAT_DIM // 2, 1), dtype=jnp.float32) * s
    inp["head_b2"] = jnp.zeros((1,), jnp.float32)
    return inp


def _forward(atomics, pos, edge_index, edge_attr, batch, emb1, pos_W, pos_b,
             mlp_W1, mlp_b1, mlp_W2, mlp_b2, edge_emb, bn_g, bn_b,
             feat_W, feat_b, head_W1, head_b1, head_W2, head_b2):
    N = atomics.shape[0]
    self_idx = jnp.arange(N, dtype=edge_index.dtype)
    src = jnp.concatenate([edge_index[0], self_idx])
    dst = jnp.concatenate([edge_index[1], self_idx])
    ea = jnp.concatenate([edge_attr, jnp.full((N,), NUM_BOND_TYPE - 1, dtype=edge_attr.dtype)])
    # input embedding: atom-type embedding + linear on 3d coords
    h = jnp.take(emb1, atomics, axis=0) + pos @ pos_W + pos_b
    for l in range(NUM_LAYERS):
        # GINEConv with self-loops (self-loop bond type = num_bond_type - 1)
        e = jnp.take(edge_emb[l], ea, axis=0)
        msg = jnp.take(h, src, axis=0) + e
        agg = jax.ops.segment_sum(msg, dst, num_segments=N)
        t = jax.nn.softplus(agg @ mlp_W1[l] + mlp_b1[l])
        h = t @ mlp_W2[l] + mlp_b2[l]
        # BatchNorm1d in training mode (batch statistics)
        mean = jnp.mean(h, axis=0)
        var = jnp.var(h, axis=0)
        h = (h - mean) / jnp.sqrt(var + EPS) * bn_g[l] + bn_b[l]
        if l < NUM_LAYERS - 1:
            h = jax.nn.softplus(h)
        # dropout with drop_ratio=0 is identity
    feat = h @ feat_W + feat_b
    summed = jax.ops.segment_sum(feat, batch, num_segments=NUM_GRAPHS)
    counts = jax.ops.segment_sum(jnp.ones((N,), feat.dtype), batch, num_segments=NUM_GRAPHS)
    pooled = summed / jnp.maximum(counts, 1.0)[:, None]
    out = jax.nn.softplus(pooled @ head_W1 + head_b1) @ head_W2 + head_b2
    return out


def reference(atomics, pos, edge_index, edge_attr, batch, emb1, pos_W, pos_b,
              mlp_W1, mlp_b1, mlp_W2, mlp_b2, edge_emb, bn_g, bn_b,
              feat_W, feat_b, head_W1, head_b1, head_W2, head_b2):
    return _forward(
        atomics, pos, edge_index, edge_attr, batch,
        emb1, pos_W, pos_b,
        mlp_W1, mlp_b1, mlp_W2, mlp_b2,
        edge_emb, bn_g, bn_b,
        feat_W, feat_b, head_W1, head_b1, head_W2, head_b2)

if __name__ == "__main__":
    import jax
    _d = setup_inputs()
    print(jax.jit(kernel)(*tuple(_d.values())))

</pallas_src>

<mosaic_0001>
#map = affine_map<(d0, d1) -> (0, 0)>
#map1 = affine_map<(d0, d1) -> (0, 0, 0)>
module attributes {stable_mosaic.version = 14 : i64} {
  func.func @k(%arg0: i32, %arg1: i32, %arg2: memref<10000x128xf32, #tpu.memory_space<hbm>>, %arg3: memref<32x79x128xi32, #tpu.memory_space<hbm>>, %arg4: memref<32x79x128xi32, #tpu.memory_space<hbm>>, %arg5: memref<632x128xf32, #tpu.memory_space<hbm>>, %arg6: memref<2x10000x128xf32, #tpu.memory_space<hbm>>, %arg7: memref<79x128xi32, #tpu.memory_space<vmem>>, %arg8: memref<79x128xi32, #tpu.memory_space<vmem>>, %arg9: memref<128x128xf32, #tpu.memory_space<vmem>>, %arg10: memref<10112x128xf32, #tpu.memory_space<vmem_shared>>, %arg11: memref<!tpu.dma_semaphore, #tpu.memory_space<semaphore_mem>>) attributes {dimension_semantics = [#tpu.dimension_semantics<core_parallel>, #tpu.dimension_semantics<subcore_parallel>], iteration_bounds = array<i64: 2, 16>, scalar_prefetch = 0 : i64, scratch_operands = 5 : i64, tpu.core_type = #tpu.core_type<sc_vector_subcore>, window_params = [{transform_indices = #map}, {transform_indices = #map1}, {transform_indices = #map1}, {transform_indices = #map}, {transform_indices = #map1}]} {
    %mul3A = arith.constant 16 : i32
    %mul3A_0 = arith.muli %arg0, %mul3A : i32
    %add3A = arith.addi %mul3A_0, %arg1 : i32
    "tpu.region"() ({
      %run_scoped3A = tpu.sem_alloc : memref<!tpu.dma_semaphore, #tpu.memory_space<semaphore_mem>>
      %dma_start3A = arith.constant 0 : i32
      %dma_start3A_15 = arith.constant 0 : i32
      %dma_start3A_16 = tpu.memref_slice %arg3[%add3A, %dma_start3A, %dma_start3A_15] : memref<32x79x128xi32, #tpu.memory_space<hbm>> -> memref<1x79x128xi32, #tpu.memory_space<hbm>>
      %dma_start3A_17 = tpu.memref_squeeze %dma_start3A_16 : memref<1x79x128xi32, #tpu.memory_space<hbm>> -> memref<79x128xi32, #tpu.memory_space<hbm>>
      %dma_start3A_18 = arith.constant 0 : i32
      %dma_start3A_19 = arith.constant 0 : i32
      %dma_start3A_20 = tpu.memref_slice %arg3[%add3A, %dma_start3A_18, %dma_start3A_19] : memref<32x79x128xi32, #tpu.memory_space<hbm>> -> memref<1x79x128xi32, #tpu.memory_space<hbm>>
      %dma_start3A_21 = tpu.memref_squeeze %dma_start3A_20 : memref<1x79x128xi32, #tpu.memory_space<hbm>> -> memref<79x128xi32, #tpu.memory_space<hbm>>
      tpu.enqueue_dma source(%dma_start3A_21 : memref<79x128xi32, #tpu.memory_space<hbm>>) target(%arg7 : memref<79x128xi32, #tpu.memory_space<vmem>>) target_semaphore(%run_scoped3A : memref<!tpu.dma_semaphore, #tpu.memory_space<semaphore_mem>>)
      %dma_wait3A = arith.constant 0 : i32
      %dma_wait3A_22 = arith.constant 0 : i32
      %dma_wait3A_23 = tpu.memref_slice %arg3[%add3A, %dma_wait3A, %dma_wait3A_22] : memref<32x79x128xi32, #tpu.memory_space<hbm>> -> memref<1x79x128xi32, #tpu.memory_space<hbm>>
      %dma_wait3A_24 = tpu.memref_squeeze %dma_wait3A_23 : memref<1x79x128xi32, #tpu.memory_space<hbm>> -> memref<79x128xi32, #tpu.memory_space<hbm>>
      %dma_wait3A_25 = arith.constant 0 : i32
      %dma_wait3A_26 = arith.constant 0 : i32
      %dma_wait3A_27 = tpu.memref_slice %arg3[%add3A, %dma_wait3A_25, %dma_wait3A_26] : memref<32x79x128xi32, #tpu.memory_space<hbm>> -> memref<1x79x128xi32, #tpu.memory_space<hbm>>
      %dma_wait3A_28 = tpu.memref_squeeze %dma_wait3A_27 : memref<1x79x128xi32, #tpu.memory_space<hbm>> -> memref<79x128xi32, #tpu.memory_space<hbm>>
      tpu.wait_dma2 semaphore(%run_scoped3A : memref<!tpu.dma_semaphore, #tpu.memory_space<semaphore_mem>>) src(%dma_wait3A_28 : memref<79x128xi32, #tpu.memory_space<hbm>>) dst(%arg7 : memref<79x128xi32, #tpu.memory_space<vmem>>)
      tpu.yield
    }) : () -> ()
    "tpu.region"() ({
      %run_scoped3A = tpu.sem_alloc : memref<!tpu.dma_semaphore, #tpu.memory_space<semaphore_mem>>
      %dma_start3A = arith.constant 0 : i32
      %dma_start3A_15 = arith.constant 0 : i32
      %dma_start3A_16 = tpu.memref_slice %arg4[%add3A, %dma_start3A, %dma_start3A_15] : memref<32x79x128xi32, #tpu.memory_space<hbm>> -> memref<1x79x128xi32, #tpu.memory_space<hbm>>
      %dma_start3A_17 = tpu.memref_squeeze %dma_start3A_16 : memref<1x79x128xi32, #tpu.memory_space<hbm>> -> memref<79x128xi32, #tpu.memory_space<hbm>>
      %dma_start3A_18 = arith.constant 0 : i32
      %dma_start3A_19 = arith.constant 0 : i32
      %dma_start3A_20 = tpu.memref_slice %arg4[%add3A, %dma_start3A_18, %dma_start3A_19] : memref<32x79x128xi32, #tpu.memory_space<hbm>> -> memref<1x79x128xi32, #tpu.memory_space<hbm>>
      %dma_start3A_21 = tpu.memref_squeeze %dma_start3A_20 : memref<1x79x128xi32, #tpu.memory_space<hbm>> -> memref<79x128xi32, #tpu.memory_space<hbm>>
      tpu.enqueue_dma source(%dma_start3A_21 : memref<79x128xi32, #tpu.memory_space<hbm>>) target(%arg8 : memref<79x128xi32, #tpu.memory_space<vmem>>) target_semaphore(%run_scoped3A : memref<!tpu.dma_semaphore, #tpu.memory_space<semaphore_mem>>)
      %dma_wait3A = arith.constant 0 : i32
      %dma_wait3A_22 = arith.constant 0 : i32
      %dma_wait3A_23 = tpu.memref_slice %arg4[%add3A, %dma_wait3A, %dma_wait3A_22] : memref<32x79x128xi32, #tpu.memory_space<hbm>> -> memref<1x79x128xi32, #tpu.memory_space<hbm>>
      %dma_wait3A_24 = tpu.memref_squeeze %dma_wait3A_23 : memref<1x79x128xi32, #tpu.memory_space<hbm>> -> memref<79x128xi32, #tpu.memory_space<hbm>>
      %dma_wait3A_25 = arith.constant 0 : i32
      %dma_wait3A_26 = arith.constant 0 : i32
      %dma_wait3A_27 = tpu.memref_slice %arg4[%add3A, %dma_wait3A_25, %dma_wait3A_26] : memref<32x79x128xi32, #tpu.memory_space<hbm>> -> memref<1x79x128xi32, #tpu.memory_space<hbm>>
      %dma_wait3A_28 = tpu.memref_squeeze %dma_wait3A_27 : memref<1x79x128xi32, #tpu.memory_space<hbm>> -> memref<79x128xi32, #tpu.memory_space<hbm>>
      tpu.wait_dma2 semaphore(%run_scoped3A : memref<!tpu.dma_semaphore, #tpu.memory_space<semaphore_mem>>) src(%dma_wait3A_28 : memref<79x128xi32, #tpu.memory_space<hbm>>) dst(%arg8 : memref<79x128xi32, #tpu.memory_space<vmem>>)
      tpu.yield
    }) : () -> ()
    %mul3A_1 = arith.constant 632 : i32
    %mul3A_2 = arith.muli %arg1, %mul3A_1 : i32
    "tpu.region"() ({
      %run_scoped3A = tpu.sem_alloc : memref<!tpu.dma_semaphore, #tpu.memory_space<semaphore_mem>>
      %dma_start3A = arith.constant 0 : i32
      %dma_start3A_15 = tpu.memref_slice %arg10[%mul3A_2, %dma_start3A] : memref<10112x128xf32, #tpu.memory_space<vmem_shared>> -> memref<632x128xf32, #tpu.memory_space<vmem_shared>>
      tpu.enqueue_dma source(%arg5 : memref<632x128xf32, #tpu.memory_space<hbm>>) target(%dma_start3A_15 : memref<632x128xf32, #tpu.memory_space<vmem_shared>>) target_semaphore(%run_scoped3A : memref<!tpu.dma_semaphore, #tpu.memory_space<semaphore_mem>>)
      %dma_wait3A = arith.constant 0 : i32
      %dma_wait3A_16 = tpu.memref_slice %arg10[%mul3A_2, %dma_wait3A] : memref<10112x128xf32, #tpu.memory_space<vmem_shared>> -> memref<632x128xf32, #tpu.memory_space<vmem_shared>>
      tpu.wait_dma2 semaphore(%run_scoped3A : memref<!tpu.dma_semaphore, #tpu.memory_space<semaphore_mem>>) src(%arg5 : memref<632x128xf32, #tpu.memory_space<hbm>>) dst(%dma_wait3A_16 : memref<632x128xf32, #tpu.memory_space<vmem_shared>>)
      tpu.yield
    }) : () -> ()
    %barrier3A = arith.constant 0 : index
    tpu.barrier barrier_id(%barrier3A)
    %scan3A = arith.constant 0 : i32
    %scan3A_3 = arith.constant 0 : i32
    %scan3A_4 = arith.constant 79 : i32
    %scan3A_5 = arith.addi %scan3A_3, %scan3A_4 : i32
    %scan3A_6 = arith.constant 1 : i32
    scf.for %scan3A_15 = %scan3A_3 to %scan3A_5 step %scan3A_6  : i32 {
      %dma_start3A = arith.constant 0 : i32
      %dma_start3A_16 = tpu.memref_slice %arg7[%scan3A_15, %dma_start3A] : memref<79x128xi32, #tpu.memory_space<vmem>> -> memref<1x128xi32, #tpu.memory_space<vmem>>
      %dma_start3A_17 = tpu.memref_squeeze %dma_start3A_16 : memref<1x128xi32, #tpu.memory_space<vmem>> -> memref<128xi32, #tpu.memory_space<vmem>>
      %dma_start3A_18 = arith.constant 0 : i32
      %dma_start3A_19 = arith.constant 0 : i32
      %dma_start3A_20 = tpu.memref_slice %arg2[%dma_start3A_18, %dma_start3A_19] : memref<10000x128xf32, #tpu.memory_space<hbm>> -> memref<10000x128xf32, #tpu.memory_space<hbm>>
      tpu.enqueue_indirect_dma source(%dma_start3A_20 : memref<10000x128xf32, #tpu.memory_space<hbm>>) target(%arg9 : memref<128x128xf32, #tpu.memory_space<vmem>>) offsets(%dma_start3A_17 : memref<128xi32, #tpu.memory_space<vmem>>) semaphore(%arg11 : memref<!tpu.dma_semaphore, #tpu.memory_space<semaphore_mem>>)
      %dma_wait3A = arith.constant 0 : i32
      %dma_wait3A_21 = tpu.memref_slice %arg7[%scan3A_15, %dma_wait3A] : memref<79x128xi32, #tpu.memory_space<vmem>> -> memref<1x128xi32, #tpu.memory_space<vmem>>
      %dma_wait3A_22 = tpu.memref_squeeze %dma_wait3A_21 : memref<1x128xi32, #tpu.memory_space<vmem>> -> memref<128xi32, #tpu.memory_space<vmem>>
      %dma_wait3A_23 = arith.constant 0 : i32
      %dma_wait3A_24 = arith.constant 0 : i32
      %dma_wait3A_25 = tpu.memref_slice %arg2[%dma_wait3A_23, %dma_wait3A_24] : memref<10000x128xf32, #tpu.memory_space<hbm>> -> memref<10000x128xf32, #tpu.memory_space<hbm>>
      tpu.wait_indirect_dma semaphore(%arg11 : memref<!tpu.dma_semaphore, #tpu.memory_space<semaphore_mem>>) src(%dma_wait3A_25 : memref<10000x128xf32, #tpu.memory_space<hbm>>) dst(%arg9 : memref<128x128xf32, #tpu.memory_space<vmem>>)
      "tpu.region"() ({
        %run_scoped3A = tpu.sem_alloc : memref<!tpu.dma_semaphore, #tpu.memory_space<semaphore_mem>>
        %dma_start3A_26 = arith.constant 0 : i32
        %dma_start3A_27 = tpu.memref_slice %arg8[%scan3A_15, %dma_start3A_26] : memref<79x128xi32, #tpu.memory_space<vmem>> -> memref<1x128xi32, #tpu.memory_space<vmem>>
        %dma_start3A_28 = tpu.memref_squeeze %dma_start3A_27 : memref<1x128xi32, #tpu.memory_space<vmem>> -> memref<128xi32, #tpu.memory_space<vmem>>
        %dma_start3A_29 = arith.constant 0 : i32
        %dma_start3A_30 = arith.constant 0 : i32
        %dma_start3A_31 = tpu.memref_slice %arg10[%dma_start3A_29, %dma_start3A_30] : memref<10112x128xf32, #tpu.memory_space<vmem_shared>> -> memref<10112x128xf32, #tpu.memory_space<vmem_shared>>
        tpu.enqueue_indirect_dma source(%arg9 : memref<128x128xf32, #tpu.memory_space<vmem>>) target(%dma_start3A_31 : memref<10112x128xf32, #tpu.memory_space<vmem_shared>>) offsets(%dma_start3A_28 : memref<128xi32, #tpu.memory_space<vmem>>) semaphore(%run_scoped3A : memref<!tpu.dma_semaphore, #tpu.memory_space<semaphore_mem>>) {add = true}
        %dma_wait3A_32 = arith.constant 0 : i32
        %dma_wait3A_33 = tpu.memref_slice %arg8[%scan3A_15, %dma_wait3A_32] : memref<79x128xi32, #tpu.memory_space<vmem>> -> memref<1x128xi32, #tpu.memory_space<vmem>>
        %dma_wait3A_34 = tpu.memref_squeeze %dma_wait3A_33 : memref<1x128xi32, #tpu.memory_space<vmem>> -> memref<128xi32, #tpu.memory_space<vmem>>
        %dma_wait3A_35 = arith.constant 0 : i32
        %dma_wait3A_36 = arith.constant 0 : i32
        %dma_wait3A_37 = tpu.memref_slice %arg10[%dma_wait3A_35, %dma_wait3A_36] : memref<10112x128xf32, #tpu.memory_space<vmem_shared>> -> memref<10112x128xf32, #tpu.memory_space<vmem_shared>>
        tpu.wait_indirect_dma semaphore(%run_scoped3A : memref<!tpu.dma_semaphore, #tpu.memory_space<semaphore_mem>>) src(%arg9 : memref<128x128xf32, #tpu.memory_space<vmem>>) dst(%dma_wait3A_37 : memref<10112x128xf32, #tpu.memory_space<vmem_shared>>)
        tpu.yield
      }) : () -> ()
    }
    %scan3A_7 = arith.constant 79 : i32
    %barrier3A_8 = arith.constant 0 : index
    tpu.barrier barrier_id(%barrier3A_8)
    %mul3A_9 = arith.constant 624 : i32
    %mul3A_10 = arith.muli %arg1, %mul3A_9 : i32
    %mul3A_11 = arith.constant 624 : i32
    %mul3A_12 = arith.muli %arg1, %mul3A_11 : i32
    "tpu.region"() ({
      %run_scoped3A = tpu.sem_alloc : memref<!tpu.dma_semaphore, #tpu.memory_space<semaphore_mem>>
      %dma_start3A = arith.constant 0 : i32
      %dma_start3A_15 = tpu.memref_slice %arg6[%arg0, %mul3A_12, %dma_start3A] : memref<2x10000x128xf32, #tpu.memory_space<hbm>> -> memref<1x624x128xf32, #tpu.memory_space<hbm>>
      %dma_start3A_16 = tpu.memref_squeeze %dma_start3A_15 : memref<1x624x128xf32, #tpu.memory_space<hbm>> -> memref<624x128xf32, #tpu.memory_space<hbm>>
      %dma_start3A_17 = arith.constant 0 : i32
      %dma_start3A_18 = tpu.memref_slice %arg10[%mul3A_10, %dma_start3A_17] : memref<10112x128xf32, #tpu.memory_space<vmem_shared>> -> memref<624x128xf32, #tpu.memory_space<vmem_shared>>
      tpu.enqueue_dma source(%dma_start3A_18 : memref<624x128xf32, #tpu.memory_space<vmem_shared>>) target(%dma_start3A_16 : memref<624x128xf32, #tpu.memory_space<hbm>>) target_semaphore(%run_scoped3A : memref<!tpu.dma_semaphore, #tpu.memory_space<semaphore_mem>>)
      %dma_wait3A = arith.constant 0 : i32
      %dma_wait3A_19 = tpu.memref_slice %arg6[%arg0, %mul3A_12, %dma_wait3A] : memref<2x10000x128xf32, #tpu.memory_space<hbm>> -> memref<1x624x128xf32, #tpu.memory_space<hbm>>
      %dma_wait3A_20 = tpu.memref_squeeze %dma_wait3A_19 : memref<1x624x128xf32, #tpu.memory_space<hbm>> -> memref<624x128xf32, #tpu.memory_space<hbm>>
      %dma_wait3A_21 = arith.constant 0 : i32
      %dma_wait3A_22 = tpu.memref_slice %arg10[%mul3A_10, %dma_wait3A_21] : memref<10112x128xf32, #tpu.memory_space<vmem_shared>> -> memref<624x128xf32, #tpu.memory_space<vmem_shared>>
      tpu.wait_dma2 semaphore(%run_scoped3A : memref<!tpu.dma_semaphore, #tpu.memory_space<semaphore_mem>>) src(%dma_wait3A_22 : memref<624x128xf32, #tpu.memory_space<vmem_shared>>) dst(%dma_wait3A_20 : memref<624x128xf32, #tpu.memory_space<hbm>>)
      tpu.yield
    }) : () -> ()
    %eq3A = arith.constant 15 : i32
    %eq3A_13 = arith.cmpi eq, %arg1, %eq3A : i32
    %convert_element_type3A = arith.extui %eq3A_13 : i1 to i32
    %cond3A = arith.constant 0 : i32
    %cond3A_14 = arith.cmpi ne, %convert_element_type3A, %cond3A : i32
    scf.if %cond3A_14 {
      "tpu.region"() ({
        %run_scoped3A = tpu.sem_alloc : memref<!tpu.dma_semaphore, #tpu.memory_space<semaphore_mem>>
        %dma_start3A = arith.constant 9984 : i32
        %dma_start3A_15 = arith.constant 0 : i32
        %dma_start3A_16 = tpu.memref_slice %arg6[%arg0, %dma_start3A, %dma_start3A_15] : memref<2x10000x128xf32, #tpu.memory_space<hbm>> -> memref<1x16x128xf32, #tpu.memory_space<hbm>>
        %dma_start3A_17 = tpu.memref_squeeze %dma_start3A_16 : memref<1x16x128xf32, #tpu.memory_space<hbm>> -> memref<16x128xf32, #tpu.memory_space<hbm>>
        %dma_start3A_18 = arith.constant 9984 : i32
        %dma_start3A_19 = arith.constant 0 : i32
        %dma_start3A_20 = tpu.memref_slice %arg10[%dma_start3A_18, %dma_start3A_19] : memref<10112x128xf32, #tpu.memory_space<vmem_shared>> -> memref<16x128xf32, #tpu.memory_space<vmem_shared>>
        tpu.enqueue_dma source(%dma_start3A_20 : memref<16x128xf32, #tpu.memory_space<vmem_shared>>) target(%dma_start3A_17 : memref<16x128xf32, #tpu.memory_space<hbm>>) target_semaphore(%run_scoped3A : memref<!tpu.dma_semaphore, #tpu.memory_space<semaphore_mem>>)
        %dma_wait3A = arith.constant 9984 : i32
        %dma_wait3A_21 = arith.constant 0 : i32
        %dma_wait3A_22 = tpu.memref_slice %arg6[%arg0, %dma_wait3A, %dma_wait3A_21] : memref<2x10000x128xf32, #tpu.memory_space<hbm>> -> memref<1x16x128xf32, #tpu.memory_space<hbm>>
        %dma_wait3A_23 = tpu.memref_squeeze %dma_wait3A_22 : memref<1x16x128xf32, #tpu.memory_space<hbm>> -> memref<16x128xf32, #tpu.memory_space<hbm>>
        %dma_wait3A_24 = arith.constant 9984 : i32
        %dma_wait3A_25 = arith.constant 0 : i32
        %dma_wait3A_26 = tpu.memref_slice %arg10[%dma_wait3A_24, %dma_wait3A_25] : memref<10112x128xf32, #tpu.memory_space<vmem_shared>> -> memref<16x128xf32, #tpu.memory_space<vmem_shared>>
        tpu.wait_dma2 semaphore(%run_scoped3A : memref<!tpu.dma_semaphore, #tpu.memory_space<semaphore_mem>>) src(%dma_wait3A_26 : memref<16x128xf32, #tpu.memory_space<vmem_shared>>) dst(%dma_wait3A_23 : memref<16x128xf32, #tpu.memory_space<hbm>>)
        tpu.yield
      }) : () -> ()
    } else {
    }
    return
  }
}

#map = affine_map<(d0, d1) -> (0, 0)>
#map1 = affine_map<(d0, d1) -> (0, 0, 0)>
module attributes {stable_mosaic.version = 14 : i64} {
  func.func @k(%arg0: i32, %arg1: i32, %arg2: memref<10000x128xf32, #tpu.memory_space<hbm>>, %arg3: memref<32x79x128xi32, #tpu.memory_space<hbm>>, %arg4: memref<32x79x128xi32, #tpu.memory_space<hbm>>, %arg5: memref<632x128xf32, #tpu.memory_space<hbm>>, %arg6: memref<2x10000x128xf32, #tpu.memory_space<hbm>>, %arg7: memref<79x128xi32, #tpu.memory_space<vmem>>, %arg8: memref<79x128xi32, #tpu.memory_space<vmem>>, %arg9: memref<128x128xf32, #tpu.memory_space<vmem>>, %arg10: memref<10112x128xf32, #tpu.memory_space<vmem_shared>>, %arg11: memref<!tpu.dma_semaphore, #tpu.memory_space<semaphore_mem>>) attributes {dimension_semantics = [#tpu.dimension_semantics<core_parallel>, #tpu.dimension_semantics<subcore_parallel>], iteration_bounds = array<i64: 2, 16>, scalar_prefetch = 0 : i64, scratch_operands = 5 : i64, tpu.core_type = #tpu.core_type<sc_vector_subcore>, window_params = [{transform_indices = #map}, {transform_indices = #map1}, {transform_indices = #map1}, {transform_indices = #map}, {transform_indices = #map1}]} {
    %mul3A = arith.constant 16 : i32
    %mul3A_0 = arith.muli %arg0, %mul3A : i32
    %add3A = arith.addi %mul3A_0, %arg1 : i32
    "tpu.region"() ({
      %run_scoped3A = tpu.sem_alloc : memref<!tpu.dma_semaphore, #tpu.memory_space<semaphore_mem>>
      %dma_start3A = arith.constant 0 : i32
      %dma_start3A_15 = arith.constant 0 : i32
      %dma_start3A_16 = tpu.memref_slice %arg3[%add3A, %dma_start3A, %dma_start3A_15] : memref<32x79x128xi32, #tpu.memory_space<hbm>> -> memref<1x79x128xi32, #tpu.memory_space<hbm>>
      %dma_start3A_17 = tpu.memref_squeeze %dma_start3A_16 : memref<1x79x128xi32, #tpu.memory_space<hbm>> -> memref<79x128xi32, #tpu.memory_space<hbm>>
      %dma_start3A_18 = arith.constant 0 : i32
      %dma_start3A_19 = arith.constant 0 : i32
      %dma_start3A_20 = tpu.memref_slice %arg3[%add3A, %dma_start3A_18, %dma_start3A_19] : memref<32x79x128xi32, #tpu.memory_space<hbm>> -> memref<1x79x128xi32, #tpu.memory_space<hbm>>
      %dma_start3A_21 = tpu.memref_squeeze %dma_start3A_20 : memref<1x79x128xi32, #tpu.memory_space<hbm>> -> memref<79x128xi32, #tpu.memory_space<hbm>>
      tpu.enqueue_dma source(%dma_start3A_21 : memref<79x128xi32, #tpu.memory_space<hbm>>) target(%arg7 : memref<79x128xi32, #tpu.memory_space<vmem>>) target_semaphore(%run_scoped3A : memref<!tpu.dma_semaphore, #tpu.memory_space<semaphore_mem>>)
      %dma_wait3A = arith.constant 0 : i32
      %dma_wait3A_22 = arith.constant 0 : i32
      %dma_wait3A_23 = tpu.memref_slice %arg3[%add3A, %dma_wait3A, %dma_wait3A_22] : memref<32x79x128xi32, #tpu.memory_space<hbm>> -> memref<1x79x128xi32, #tpu.memory_space<hbm>>
      %dma_wait3A_24 = tpu.memref_squeeze %dma_wait3A_23 : memref<1x79x128xi32, #tpu.memory_space<hbm>> -> memref<79x128xi32, #tpu.memory_space<hbm>>
      %dma_wait3A_25 = arith.constant 0 : i32
      %dma_wait3A_26 = arith.constant 0 : i32
      %dma_wait3A_27 = tpu.memref_slice %arg3[%add3A, %dma_wait3A_25, %dma_wait3A_26] : memref<32x79x128xi32, #tpu.memory_space<hbm>> -> memref<1x79x128xi32, #tpu.memory_space<hbm>>
      %dma_wait3A_28 = tpu.memref_squeeze %dma_wait3A_27 : memref<1x79x128xi32, #tpu.memory_space<hbm>> -> memref<79x128xi32, #tpu.memory_space<hbm>>
      tpu.wait_dma2 semaphore(%run_scoped3A : memref<!tpu.dma_semaphore, #tpu.memory_space<semaphore_mem>>) src(%dma_wait3A_28 : memref<79x128xi32, #tpu.memory_space<hbm>>) dst(%arg7 : memref<79x128xi32, #tpu.memory_space<vmem>>)
      tpu.yield
    }) : () -> ()
    "tpu.region"() ({
      %run_scoped3A = tpu.sem_alloc : memref<!tpu.dma_semaphore, #tpu.memory_space<semaphore_mem>>
      %dma_start3A = arith.constant 0 : i32
      %dma_start3A_15 = arith.constant 0 : i32
      %dma_start3A_16 = tpu.memref_slice %arg4[%add3A, %dma_start3A, %dma_start3A_15] : memref<32x79x128xi32, #tpu.memory_space<hbm>> -> memref<1x79x128xi32, #tpu.memory_space<hbm>>
      %dma_start3A_17 = tpu.memref_squeeze %dma_start3A_16 : memref<1x79x128xi32, #tpu.memory_space<hbm>> -> memref<79x128xi32, #tpu.memory_space<hbm>>
      %dma_start3A_18 = arith.constant 0 : i32
      %dma_start3A_19 = arith.constant 0 : i32
      %dma_start3A_20 = tpu.memref_slice %arg4[%add3A, %dma_start3A_18, %dma_start3A_19] : memref<32x79x128xi32, #tpu.memory_space<hbm>> -> memref<1x79x128xi32, #tpu.memory_space<hbm>>
      %dma_start3A_21 = tpu.memref_squeeze %dma_start3A_20 : memref<1x79x128xi32, #tpu.memory_space<hbm>> -> memref<79x128xi32, #tpu.memory_space<hbm>>
      tpu.enqueue_dma source(%dma_start3A_21 : memref<79x128xi32, #tpu.memory_space<hbm>>) target(%arg8 : memref<79x128xi32, #tpu.memory_space<vmem>>) target_semaphore(%run_scoped3A : memref<!tpu.dma_semaphore, #tpu.memory_space<semaphore_mem>>)
      %dma_wait3A = arith.constant 0 : i32
      %dma_wait3A_22 = arith.constant 0 : i32
      %dma_wait3A_23 = tpu.memref_slice %arg4[%add3A, %dma_wait3A, %dma_wait3A_22] : memref<32x79x128xi32, #tpu.memory_space<hbm>> -> memref<1x79x128xi32, #tpu.memory_space<hbm>>
      %dma_wait3A_24 = tpu.memref_squeeze %dma_wait3A_23 : memref<1x79x128xi32, #tpu.memory_space<hbm>> -> memref<79x128xi32, #tpu.memory_space<hbm>>
      %dma_wait3A_25 = arith.constant 0 : i32
      %dma_wait3A_26 = arith.constant 0 : i32
      %dma_wait3A_27 = tpu.memref_slice %arg4[%add3A, %dma_wait3A_25, %dma_wait3A_26] : memref<32x79x128xi32, #tpu.memory_space<hbm>> -> memref<1x79x128xi32, #tpu.memory_space<hbm>>
      %dma_wait3A_28 = tpu.memref_squeeze %dma_wait3A_27 : memref<1x79x128xi32, #tpu.memory_space<hbm>> -> memref<79x128xi32, #tpu.memory_space<hbm>>
      tpu.wait_dma2 semaphore(%run_scoped3A : memref<!tpu.dma_semaphore, #tpu.memory_space<semaphore_mem>>) src(%dma_wait3A_28 : memref<79x128xi32, #tpu.memory_space<hbm>>) dst(%arg8 : memref<79x128xi32, #tpu.memory_space<vmem>>)
      tpu.yield
    }) : () -> ()
    %mul3A_1 = arith.constant 632 : i32
    %mul3A_2 = arith.muli %arg1, %mul3A_1 : i32
    "tpu.region"() ({
      %run_scoped3A = tpu.sem_alloc : memref<!tpu.dma_semaphore, #tpu.memory_space<semaphore_mem>>
      %dma_start3A = arith.constant 0 : i32
      %dma_start3A_15 = tpu.memref_slice %arg10[%mul3A_2, %dma_start3A] : memref<10112x128xf32, #tpu.memory_space<vmem_shared>> -> memref<632x128xf32, #tpu.memory_space<vmem_shared>>
      tpu.enqueue_dma source(%arg5 : memref<632x128xf32, #tpu.memory_space<hbm>>) target(%dma_start3A_15 : memref<632x128xf32, #tpu.memory_space<vmem_shared>>) target_semaphore(%run_scoped3A : memref<!tpu.dma_semaphore, #tpu.memory_space<semaphore_mem>>)
      %dma_wait3A = arith.constant 0 : i32
      %dma_wait3A_16 = tpu.memref_slice %arg10[%mul3A_2, %dma_wait3A] : memref<10112x128xf32, #tpu.memory_space<vmem_shared>> -> memref<632x128xf32, #tpu.memory_space<vmem_shared>>
      tpu.wait_dma2 semaphore(%run_scoped3A : memref<!tpu.dma_semaphore, #tpu.memory_space<semaphore_mem>>) src(%arg5 : memref<632x128xf32, #tpu.memory_space<hbm>>) dst(%dma_wait3A_16 : memref<632x128xf32, #tpu.memory_space<vmem_shared>>)
      tpu.yield
    }) : () -> ()
    %barrier3A = arith.constant 0 : index
    tpu.barrier barrier_id(%barrier3A)
    %scan3A = arith.constant 0 : i32
    %scan3A_3 = arith.constant 0 : i32
    %scan3A_4 = arith.constant 79 : i32
    %scan3A_5 = arith.addi %scan3A_3, %scan3A_4 : i32
    %scan3A_6 = arith.constant 1 : i32
    scf.for %scan3A_15 = %scan3A_3 to %scan3A_5 step %scan3A_6  : i32 {
      %dma_start3A = arith.constant 0 : i32
      %dma_start3A_16 = tpu.memref_slice %arg7[%scan3A_15, %dma_start3A] : memref<79x128xi32, #tpu.memory_space<vmem>> -> memref<1x128xi32, #tpu.memory_space<vmem>>
      %dma_start3A_17 = tpu.memref_squeeze %dma_start3A_16 : memref<1x128xi32, #tpu.memory_space<vmem>> -> memref<128xi32, #tpu.memory_space<vmem>>
      %dma_start3A_18 = arith.constant 0 : i32
      %dma_start3A_19 = arith.constant 0 : i32
      %dma_start3A_20 = tpu.memref_slice %arg2[%dma_start3A_18, %dma_start3A_19] : memref<10000x128xf32, #tpu.memory_space<hbm>> -> memref<10000x128xf32, #tpu.memory_space<hbm>>
      tpu.enqueue_indirect_dma source(%dma_start3A_20 : memref<10000x128xf32, #tpu.memory_space<hbm>>) target(%arg9 : memref<128x128xf32, #tpu.memory_space<vmem>>) offsets(%dma_start3A_17 : memref<128xi32, #tpu.memory_space<vmem>>) semaphore(%arg11 : memref<!tpu.dma_semaphore, #tpu.memory_space<semaphore_mem>>)
      %dma_wait3A = arith.constant 0 : i32
      %dma_wait3A_21 = tpu.memref_slice %arg7[%scan3A_15, %dma_wait3A] : memref<79x128xi32, #tpu.memory_space<vmem>> -> memref<1x128xi32, #tpu.memory_space<vmem>>
      %dma_wait3A_22 = tpu.memref_squeeze %dma_wait3A_21 : memref<1x128xi32, #tpu.memory_space<vmem>> -> memref<128xi32, #tpu.memory_space<vmem>>
      %dma_wait3A_23 = arith.constant 0 : i32
      %dma_wait3A_24 = arith.constant 0 : i32
      %dma_wait3A_25 = tpu.memref_slice %arg2[%dma_wait3A_23, %dma_wait3A_24] : memref<10000x128xf32, #tpu.memory_space<hbm>> -> memref<10000x128xf32, #tpu.memory_space<hbm>>
      tpu.wait_indirect_dma semaphore(%arg11 : memref<!tpu.dma_semaphore, #tpu.memory_space<semaphore_mem>>) src(%dma_wait3A_25 : memref<10000x128xf32, #tpu.memory_space<hbm>>) dst(%arg9 : memref<128x128xf32, #tpu.memory_space<vmem>>)
      "tpu.region"() ({
        %run_scoped3A = tpu.sem_alloc : memref<!tpu.dma_semaphore, #tpu.memory_space<semaphore_mem>>
        %dma_start3A_26 = arith.constant 0 : i32
        %dma_start3A_27 = tpu.memref_slice %arg8[%scan3A_15, %dma_start3A_26] : memref<79x128xi32, #tpu.memory_space<vmem>> -> memref<1x128xi32, #tpu.memory_space<vmem>>
        %dma_start3A_28 = tpu.memref_squeeze %dma_start3A_27 : memref<1x128xi32, #tpu.memory_space<vmem>> -> memref<128xi32, #tpu.memory_space<vmem>>
        %dma_start3A_29 = arith.constant 0 : i32
        %dma_start3A_30 = arith.constant 0 : i32
        %dma_start3A_31 = tpu.memref_slice %arg10[%dma_start3A_29, %dma_start3A_30] : memref<10112x128xf32, #tpu.memory_space<vmem_shared>> -> memref<10112x128xf32, #tpu.memory_space<vmem_shared>>
        tpu.enqueue_indirect_dma source(%arg9 : memref<128x128xf32, #tpu.memory_space<vmem>>) target(%dma_start3A_31 : memref<10112x128xf32, #tpu.memory_space<vmem_shared>>) offsets(%dma_start3A_28 : memref<128xi32, #tpu.memory_space<vmem>>) semaphore(%run_scoped3A : memref<!tpu.dma_semaphore, #tpu.memory_space<semaphore_mem>>) {add = true}
        %dma_wait3A_32 = arith.constant 0 : i32
        %dma_wait3A_33 = tpu.memref_slice %arg8[%scan3A_15, %dma_wait3A_32] : memref<79x128xi32, #tpu.memory_space<vmem>> -> memref<1x128xi32, #tpu.memory_space<vmem>>
        %dma_wait3A_34 = tpu.memref_squeeze %dma_wait3A_33 : memref<1x128xi32, #tpu.memory_space<vmem>> -> memref<128xi32, #tpu.memory_space<vmem>>
        %dma_wait3A_35 = arith.constant 0 : i32
        %dma_wait3A_36 = arith.constant 0 : i32
        %dma_wait3A_37 = tpu.memref_slice %arg10[%dma_wait3A_35, %dma_wait3A_36] : memref<10112x128xf32, #tpu.memory_space<vmem_shared>> -> memref<10112x128xf32, #tpu.memory_space<vmem_shared>>
        tpu.wait_indirect_dma semaphore(%run_scoped3A : memref<!tpu.dma_semaphore, #tpu.memory_space<semaphore_mem>>) src(%arg9 : memref<128x128xf32, #tpu.memory_space<vmem>>) dst(%dma_wait3A_37 : memref<10112x128xf32, #tpu.memory_space<vmem_shared>>)
        tpu.yield
      }) : () -> ()
    }
    %scan3A_7 = arith.constant 79 : i32
    %barrier3A_8 = arith.constant 0 : index
    tpu.barrier barrier_id(%barrier3A_8)
    %mul3A_9 = arith.constant 624 : i32
    %mul3A_10 = arith.muli %arg1, %mul3A_9 : i32
    %mul3A_11 = arith.constant 624 : i32
    %mul3A_12 = arith.muli %arg1, %mul3A_11 : i32
    "tpu.region"() ({
      %run_scoped3A = tpu.sem_alloc : memref<!tpu.dma_semaphore, #tpu.memory_space<semaphore_mem>>
      %dma_start3A = arith.constant 0 : i32
      %dma_start3A_15 = tpu.memref_slice %arg6[%arg0, %mul3A_12, %dma_start3A] : memref<2x10000x128xf32, #tpu.memory_space<hbm>> -> memref<1x624x128xf32, #tpu.memory_space<hbm>>
      %dma_start3A_16 = tpu.memref_squeeze %dma_start3A_15 : memref<1x624x128xf32, #tpu.memory_space<hbm>> -> memref<624x128xf32, #tpu.memory_space<hbm>>
      %dma_start3A_17 = arith.constant 0 : i32
      %dma_start3A_18 = tpu.memref_slice %arg10[%mul3A_10, %dma_start3A_17] : memref<10112x128xf32, #tpu.memory_space<vmem_shared>> -> memref<624x128xf32, #tpu.memory_space<vmem_shared>>
      tpu.enqueue_dma source(%dma_start3A_18 : memref<624x128xf32, #tpu.memory_space<vmem_shared>>) target(%dma_start3A_16 : memref<624x128xf32, #tpu.memory_space<hbm>>) target_semaphore(%run_scoped3A : memref<!tpu.dma_semaphore, #tpu.memory_space<semaphore_mem>>)
      %dma_wait3A = arith.constant 0 : i32
      %dma_wait3A_19 = tpu.memref_slice %arg6[%arg0, %mul3A_12, %dma_wait3A] : memref<2x10000x128xf32, #tpu.memory_space<hbm>> -> memref<1x624x128xf32, #tpu.memory_space<hbm>>
      %dma_wait3A_20 = tpu.memref_squeeze %dma_wait3A_19 : memref<1x624x128xf32, #tpu.memory_space<hbm>> -> memref<624x128xf32, #tpu.memory_space<hbm>>
      %dma_wait3A_21 = arith.constant 0 : i32
      %dma_wait3A_22 = tpu.memref_slice %arg10[%mul3A_10, %dma_wait3A_21] : memref<10112x128xf32, #tpu.memory_space<vmem_shared>> -> memref<624x128xf32, #tpu.memory_space<vmem_shared>>
      tpu.wait_dma2 semaphore(%run_scoped3A : memref<!tpu.dma_semaphore, #tpu.memory_space<semaphore_mem>>) src(%dma_wait3A_22 : memref<624x128xf32, #tpu.memory_space<vmem_shared>>) dst(%dma_wait3A_20 : memref<624x128xf32, #tpu.memory_space<hbm>>)
      tpu.yield
    }) : () -> ()
    %eq3A = arith.constant 15 : i32
    %eq3A_13 = arith.cmpi eq, %arg1, %eq3A : i32
    %convert_element_type3A = arith.extui %eq3A_13 : i1 to i32
    %cond3A = arith.constant 0 : i32
    %cond3A_14 = arith.cmpi ne, %convert_element_type3A, %cond3A : i32
    scf.if %cond3A_14 {
      "tpu.region"() ({
        %run_scoped3A = tpu.sem_alloc : memref<!tpu.dma_semaphore, #tpu.memory_space<semaphore_mem>>
        %dma_start3A = arith.constant 9984 : i32
        %dma_start3A_15 = arith.constant 0 : i32
        %dma_start3A_16 = tpu.memref_slice %arg6[%arg0, %dma_start3A, %dma_start3A_15] : memref<2x10000x128xf32, #tpu.memory_space<hbm>> -> memref<1x16x128xf32, #tpu.memory_space<hbm>>
        %dma_start3A_17 = tpu.memref_squeeze %dma_start3A_16 : memref<1x16x128xf32, #tpu.memory_space<hbm>> -> memref<16x128xf32, #tpu.memory_space<hbm>>
        %dma_start3A_18 = arith.constant 9984 : i32
        %dma_start3A_19 = arith.constant 0 : i32
        %dma_start3A_20 = tpu.memref_slice %arg10[%dma_start3A_18, %dma_start3A_19] : memref<10112x128xf32, #tpu.memory_space<vmem_shared>> -> memref<16x128xf32, #tpu.memory_space<vmem_shared>>
        tpu.enqueue_dma source(%dma_start3A_20 : memref<16x128xf32, #tpu.memory_space<vmem_shared>>) target(%dma_start3A_17 : memref<16x128xf32, #tpu.memory_space<hbm>>) target_semaphore(%run_scoped3A : memref<!tpu.dma_semaphore, #tpu.memory_space<semaphore_mem>>)
        %dma_wait3A = arith.constant 9984 : i32
        %dma_wait3A_21 = arith.constant 0 : i32
        %dma_wait3A_22 = tpu.memref_slice %arg6[%arg0, %dma_wait3A, %dma_wait3A_21] : memref<2x10000x128xf32, #tpu.memory_space<hbm>> -> memref<1x16x128xf32, #tpu.memory_space<hbm>>
        %dma_wait3A_23 = tpu.memref_squeeze %dma_wait3A_22 : memref<1x16x128xf32, #tpu.memory_space<hbm>> -> memref<16x128xf32, #tpu.memory_space<hbm>>
        %dma_wait3A_24 = arith.constant 9984 : i32
        %dma_wait3A_25 = arith.constant 0 : i32
        %dma_wait3A_26 = tpu.memref_slice %arg10[%dma_wait3A_24, %dma_wait3A_25] : memref<10112x128xf32, #tpu.memory_space<vmem_shared>> -> memref<16x128xf32, #tpu.memory_space<vmem_shared>>
        tpu.wait_dma2 semaphore(%run_scoped3A : memref<!tpu.dma_semaphore, #tpu.memory_space<semaphore_mem>>) src(%dma_wait3A_26 : memref<16x128xf32, #tpu.memory_space<vmem_shared>>) dst(%dma_wait3A_23 : memref<16x128xf32, #tpu.memory_space<hbm>>)
        tpu.yield
      }) : () -> ()
    } else {
    }
    return
  }
}

#map = affine_map<(d0, d1) -> (0, 0)>
#map1 = affine_map<(d0, d1) -> (0, 0, 0)>
module attributes {stable_mosaic.version = 14 : i64} {
  func.func @k(%arg0: i32, %arg1: i32, %arg2: memref<10000x128xf32, #tpu.memory_space<hbm>>, %arg3: memref<32x79x128xi32, #tpu.memory_space<hbm>>, %arg4: memref<32x79x128xi32, #tpu.memory_space<hbm>>, %arg5: memref<632x128xf32, #tpu.memory_space<hbm>>, %arg6: memref<2x10000x128xf32, #tpu.memory_space<hbm>>, %arg7: memref<79x128xi32, #tpu.memory_space<vmem>>, %arg8: memref<79x128xi32, #tpu.memory_space<vmem>>, %arg9: memref<128x128xf32, #tpu.memory_space<vmem>>, %arg10: memref<10112x128xf32, #tpu.memory_space<vmem_shared>>, %arg11: memref<!tpu.dma_semaphore, #tpu.memory_space<semaphore_mem>>) attributes {dimension_semantics = [#tpu.dimension_semantics<core_parallel>, #tpu.dimension_semantics<subcore_parallel>], iteration_bounds = array<i64: 2, 16>, scalar_prefetch = 0 : i64, scratch_operands = 5 : i64, tpu.core_type = #tpu.core_type<sc_vector_subcore>, window_params = [{transform_indices = #map}, {transform_indices = #map1}, {transform_indices = #map1}, {transform_indices = #map}, {transform_indices = #map1}]} {
    %mul3A = arith.constant 16 : i32
    %mul3A_0 = arith.muli %arg0, %mul3A : i32
    %add3A = arith.addi %mul3A_0, %arg1 : i32
    "tpu.region"() ({
      %run_scoped3A = tpu.sem_alloc : memref<!tpu.dma_semaphore, #tpu.memory_space<semaphore_mem>>
      %dma_start3A = arith.constant 0 : i32
      %dma_start3A_15 = arith.constant 0 : i32
      %dma_start3A_16 = tpu.memref_slice %arg3[%add3A, %dma_start3A, %dma_start3A_15] : memref<32x79x128xi32, #tpu.memory_space<hbm>> -> memref<1x79x128xi32, #tpu.memory_space<hbm>>
      %dma_start3A_17 = tpu.memref_squeeze %dma_start3A_16 : memref<1x79x128xi32, #tpu.memory_space<hbm>> -> memref<79x128xi32, #tpu.memory_space<hbm>>
      %dma_start3A_18 = arith.constant 0 : i32
      %dma_start3A_19 = arith.constant 0 : i32
      %dma_start3A_20 = tpu.memref_slice %arg3[%add3A, %dma_start3A_18, %dma_start3A_19] : memref<32x79x128xi32, #tpu.memory_space<hbm>> -> memref<1x79x128xi32, #tpu.memory_space<hbm>>
      %dma_start3A_21 = tpu.memref_squeeze %dma_start3A_20 : memref<1x79x128xi32, #tpu.memory_space<hbm>> -> memref<79x128xi32, #tpu.memory_space<hbm>>
      tpu.enqueue_dma source(%dma_start3A_21 : memref<79x128xi32, #tpu.memory_space<hbm>>) target(%arg7 : memref<79x128xi32, #tpu.memory_space<vmem>>) target_semaphore(%run_scoped3A : memref<!tpu.dma_semaphore, #tpu.memory_space<semaphore_mem>>)
      %dma_wait3A = arith.constant 0 : i32
      %dma_wait3A_22 = arith.constant 0 : i32
      %dma_wait3A_23 = tpu.memref_slice %arg3[%add3A, %dma_wait3A, %dma_wait3A_22] : memref<32x79x128xi32, #tpu.memory_space<hbm>> -> memref<1x79x128xi32, #tpu.memory_space<hbm>>
      %dma_wait3A_24 = tpu.memref_squeeze %dma_wait3A_23 : memref<1x79x128xi32, #tpu.memory_space<hbm>> -> memref<79x128xi32, #tpu.memory_space<hbm>>
      %dma_wait3A_25 = arith.constant 0 : i32
      %dma_wait3A_26 = arith.constant 0 : i32
      %dma_wait3A_27 = tpu.memref_slice %arg3[%add3A, %dma_wait3A_25, %dma_wait3A_26] : memref<32x79x128xi32, #tpu.memory_space<hbm>> -> memref<1x79x128xi32, #tpu.memory_space<hbm>>
      %dma_wait3A_28 = tpu.memref_squeeze %dma_wait3A_27 : memref<1x79x128xi32, #tpu.memory_space<hbm>> -> memref<79x128xi32, #tpu.memory_space<hbm>>
      tpu.wait_dma2 semaphore(%run_scoped3A : memref<!tpu.dma_semaphore, #tpu.memory_space<semaphore_mem>>) src(%dma_wait3A_28 : memref<79x128xi32, #tpu.memory_space<hbm>>) dst(%arg7 : memref<79x128xi32, #tpu.memory_space<vmem>>)
      tpu.yield
    }) : () -> ()
    "tpu.region"() ({
      %run_scoped3A = tpu.sem_alloc : memref<!tpu.dma_semaphore, #tpu.memory_space<semaphore_mem>>
      %dma_start3A = arith.constant 0 : i32
      %dma_start3A_15 = arith.constant 0 : i32
      %dma_start3A_16 = tpu.memref_slice %arg4[%add3A, %dma_start3A, %dma_start3A_15] : memref<32x79x128xi32, #tpu.memory_space<hbm>> -> memref<1x79x128xi32, #tpu.memory_space<hbm>>
      %dma_start3A_17 = tpu.memref_squeeze %dma_start3A_16 : memref<1x79x128xi32, #tpu.memory_space<hbm>> -> memref<79x128xi32, #tpu.memory_space<hbm>>
      %dma_start3A_18 = arith.constant 0 : i32
      %dma_start3A_19 = arith.constant 0 : i32
      %dma_start3A_20 = tpu.memref_slice %arg4[%add3A, %dma_start3A_18, %dma_start3A_19] : memref<32x79x128xi32, #tpu.memory_space<hbm>> -> memref<1x79x128xi32, #tpu.memory_space<hbm>>
      %dma_start3A_21 = tpu.memref_squeeze %dma_start3A_20 : memref<1x79x128xi32, #tpu.memory_space<hbm>> -> memref<79x128xi32, #tpu.memory_space<hbm>>
      tpu.enqueue_dma source(%dma_start3A_21 : memref<79x128xi32, #tpu.memory_space<hbm>>) target(%arg8 : memref<79x128xi32, #tpu.memory_space<vmem>>) target_semaphore(%run_scoped3A : memref<!tpu.dma_semaphore, #tpu.memory_space<semaphore_mem>>)
      %dma_wait3A = arith.constant 0 : i32
      %dma_wait3A_22 = arith.constant 0 : i32
      %dma_wait3A_23 = tpu.memref_slice %arg4[%add3A, %dma_wait3A, %dma_wait3A_22] : memref<32x79x128xi32, #tpu.memory_space<hbm>> -> memref<1x79x128xi32, #tpu.memory_space<hbm>>
      %dma_wait3A_24 = tpu.memref_squeeze %dma_wait3A_23 : memref<1x79x128xi32, #tpu.memory_space<hbm>> -> memref<79x128xi32, #tpu.memory_space<hbm>>
      %dma_wait3A_25 = arith.constant 0 : i32
      %dma_wait3A_26 = arith.constant 0 : i32
      %dma_wait3A_27 = tpu.memref_slice %arg4[%add3A, %dma_wait3A_25, %dma_wait3A_26] : memref<32x79x128xi32, #tpu.memory_space<hbm>> -> memref<1x79x128xi32, #tpu.memory_space<hbm>>
      %dma_wait3A_28 = tpu.memref_squeeze %dma_wait3A_27 : memref<1x79x128xi32, #tpu.memory_space<hbm>> -> memref<79x128xi32, #tpu.memory_space<hbm>>
      tpu.wait_dma2 semaphore(%run_scoped3A : memref<!tpu.dma_semaphore, #tpu.memory_space<semaphore_mem>>) src(%dma_wait3A_28 : memref<79x128xi32, #tpu.memory_space<hbm>>) dst(%arg8 : memref<79x128xi32, #tpu.memory_space<vmem>>)
      tpu.yield
    }) : () -> ()
    %mul3A_1 = arith.constant 632 : i32
    %mul3A_2 = arith.muli %arg1, %mul3A_1 : i32
    "tpu.region"() ({
      %run_scoped3A = tpu.sem_alloc : memref<!tpu.dma_semaphore, #tpu.memory_space<semaphore_mem>>
      %dma_start3A = arith.constant 0 : i32
      %dma_start3A_15 = tpu.memref_slice %arg10[%mul3A_2, %dma_start3A] : memref<10112x128xf32, #tpu.memory_space<vmem_shared>> -> memref<632x128xf32, #tpu.memory_space<vmem_shared>>
      tpu.enqueue_dma source(%arg5 : memref<632x128xf32, #tpu.memory_space<hbm>>) target(%dma_start3A_15 : memref<632x128xf32, #tpu.memory_space<vmem_shared>>) target_semaphore(%run_scoped3A : memref<!tpu.dma_semaphore, #tpu.memory_space<semaphore_mem>>)
      %dma_wait3A = arith.constant 0 : i32
      %dma_wait3A_16 = tpu.memref_slice %arg10[%mul3A_2, %dma_wait3A] : memref<10112x128xf32, #tpu.memory_space<vmem_shared>> -> memref<632x128xf32, #tpu.memory_space<vmem_shared>>
      tpu.wait_dma2 semaphore(%run_scoped3A : memref<!tpu.dma_semaphore, #tpu.memory_space<semaphore_mem>>) src(%arg5 : memref<632x128xf32, #tpu.memory_space<hbm>>) dst(%dma_wait3A_16 : memref<632x128xf32, #tpu.memory_space<vmem_shared>>)
      tpu.yield
    }) : () -> ()
    %barrier3A = arith.constant 0 : index
    tpu.barrier barrier_id(%barrier3A)
    %scan3A = arith.constant 0 : i32
    %scan3A_3 = arith.constant 0 : i32
    %scan3A_4 = arith.constant 79 : i32
    %scan3A_5 = arith.addi %scan3A_3, %scan3A_4 : i32
    %scan3A_6 = arith.constant 1 : i32
    scf.for %scan3A_15 = %scan3A_3 to %scan3A_5 step %scan3A_6  : i32 {
      %dma_start3A = arith.constant 0 : i32
      %dma_start3A_16 = tpu.memref_slice %arg7[%scan3A_15, %dma_start3A] : memref<79x128xi32, #tpu.memory_space<vmem>> -> memref<1x128xi32, #tpu.memory_space<vmem>>
      %dma_start3A_17 = tpu.memref_squeeze %dma_start3A_16 : memref<1x128xi32, #tpu.memory_space<vmem>> -> memref<128xi32, #tpu.memory_space<vmem>>
      %dma_start3A_18 = arith.constant 0 : i32
      %dma_start3A_19 = arith.constant 0 : i32
      %dma_start3A_20 = tpu.memref_slice %arg2[%dma_start3A_18, %dma_start3A_19] : memref<10000x128xf32, #tpu.memory_space<hbm>> -> memref<10000x128xf32, #tpu.memory_space<hbm>>
      tpu.enqueue_indirect_dma source(%dma_start3A_20 : memref<10000x128xf32, #tpu.memory_space<hbm>>) target(%arg9 : memref<128x128xf32, #tpu.memory_space<vmem>>) offsets(%dma_start3A_17 : memref<128xi32, #tpu.memory_space<vmem>>) semaphore(%arg11 : memref<!tpu.dma_semaphore, #tpu.memory_space<semaphore_mem>>)
      %dma_wait3A = arith.constant 0 : i32
      %dma_wait3A_21 = tpu.memref_slice %arg7[%scan3A_15, %dma_wait3A] : memref<79x128xi32, #tpu.memory_space<vmem>> -> memref<1x128xi32, #tpu.memory_space<vmem>>
      %dma_wait3A_22 = tpu.memref_squeeze %dma_wait3A_21 : memref<1x128xi32, #tpu.memory_space<vmem>> -> memref<128xi32, #tpu.memory_space<vmem>>
      %dma_wait3A_23 = arith.constant 0 : i32
      %dma_wait3A_24 = arith.constant 0 : i32
      %dma_wait3A_25 = tpu.memref_slice %arg2[%dma_wait3A_23, %dma_wait3A_24] : memref<10000x128xf32, #tpu.memory_space<hbm>> -> memref<10000x128xf32, #tpu.memory_space<hbm>>
      tpu.wait_indirect_dma semaphore(%arg11 : memref<!tpu.dma_semaphore, #tpu.memory_space<semaphore_mem>>) src(%dma_wait3A_25 : memref<10000x128xf32, #tpu.memory_space<hbm>>) dst(%arg9 : memref<128x128xf32, #tpu.memory_space<vmem>>)
      "tpu.region"() ({
        %run_scoped3A = tpu.sem_alloc : memref<!tpu.dma_semaphore, #tpu.memory_space<semaphore_mem>>
        %dma_start3A_26 = arith.constant 0 : i32
        %dma_start3A_27 = tpu.memref_slice %arg8[%scan3A_15, %dma_start3A_26] : memref<79x128xi32, #tpu.memory_space<vmem>> -> memref<1x128xi32, #tpu.memory_space<vmem>>
        %dma_start3A_28 = tpu.memref_squeeze %dma_start3A_27 : memref<1x128xi32, #tpu.memory_space<vmem>> -> memref<128xi32, #tpu.memory_space<vmem>>
        %dma_start3A_29 = arith.constant 0 : i32
        %dma_start3A_30 = arith.constant 0 : i32
        %dma_start3A_31 = tpu.memref_slice %arg10[%dma_start3A_29, %dma_start3A_30] : memref<10112x128xf32, #tpu.memory_space<vmem_shared>> -> memref<10112x128xf32, #tpu.memory_space<vmem_shared>>
        tpu.enqueue_indirect_dma source(%arg9 : memref<128x128xf32, #tpu.memory_space<vmem>>) target(%dma_start3A_31 : memref<10112x128xf32, #tpu.memory_space<vmem_shared>>) offsets(%dma_start3A_28 : memref<128xi32, #tpu.memory_space<vmem>>) semaphore(%run_scoped3A : memref<!tpu.dma_semaphore, #tpu.memory_space<semaphore_mem>>) {add = true}
        %dma_wait3A_32 = arith.constant 0 : i32
        %dma_wait3A_33 = tpu.memref_slice %arg8[%scan3A_15, %dma_wait3A_32] : memref<79x128xi32, #tpu.memory_space<vmem>> -> memref<1x128xi32, #tpu.memory_space<vmem>>
        %dma_wait3A_34 = tpu.memref_squeeze %dma_wait3A_33 : memref<1x128xi32, #tpu.memory_space<vmem>> -> memref<128xi32, #tpu.memory_space<vmem>>
        %dma_wait3A_35 = arith.constant 0 : i32
        %dma_wait3A_36 = arith.constant 0 : i32
        %dma_wait3A_37 = tpu.memref_slice %arg10[%dma_wait3A_35, %dma_wait3A_36] : memref<10112x128xf32, #tpu.memory_space<vmem_shared>> -> memref<10112x128xf32, #tpu.memory_space<vmem_shared>>
        tpu.wait_indirect_dma semaphore(%run_scoped3A : memref<!tpu.dma_semaphore, #tpu.memory_space<semaphore_mem>>) src(%arg9 : memref<128x128xf32, #tpu.memory_space<vmem>>) dst(%dma_wait3A_37 : memref<10112x128xf32, #tpu.memory_space<vmem_shared>>)
        tpu.yield
      }) : () -> ()
    }
    %scan3A_7 = arith.constant 79 : i32
    %barrier3A_8 = arith.constant 0 : index
    tpu.barrier barrier_id(%barrier3A_8)
    %mul3A_9 = arith.constant 624 : i32
    %mul3A_10 = arith.muli %arg1, %mul3A_9 : i32
    %mul3A_11 = arith.constant 624 : i32
    %mul3A_12 = arith.muli %arg1, %mul3A_11 : i32
    "tpu.region"() ({
      %run_scoped3A = tpu.sem_alloc : memref<!tpu.dma_semaphore, #tpu.memory_space<semaphore_mem>>
      %dma_start3A = arith.constant 0 : i32
      %dma_start3A_15 = tpu.memref_slice %arg6[%arg0, %mul3A_12, %dma_start3A] : memref<2x10000x128xf32, #tpu.memory_space<hbm>> -> memref<1x624x128xf32, #tpu.memory_space<hbm>>
      %dma_start3A_16 = tpu.memref_squeeze %dma_start3A_15 : memref<1x624x128xf32, #tpu.memory_space<hbm>> -> memref<624x128xf32, #tpu.memory_space<hbm>>
      %dma_start3A_17 = arith.constant 0 : i32
      %dma_start3A_18 = tpu.memref_slice %arg10[%mul3A_10, %dma_start3A_17] : memref<10112x128xf32, #tpu.memory_space<vmem_shared>> -> memref<624x128xf32, #tpu.memory_space<vmem_shared>>
      tpu.enqueue_dma source(%dma_start3A_18 : memref<624x128xf32, #tpu.memory_space<vmem_shared>>) target(%dma_start3A_16 : memref<624x128xf32, #tpu.memory_space<hbm>>) target_semaphore(%run_scoped3A : memref<!tpu.dma_semaphore, #tpu.memory_space<semaphore_mem>>)
      %dma_wait3A = arith.constant 0 : i32
      %dma_wait3A_19 = tpu.memref_slice %arg6[%arg0, %mul3A_12, %dma_wait3A] : memref<2x10000x128xf32, #tpu.memory_space<hbm>> -> memref<1x624x128xf32, #tpu.memory_space<hbm>>
      %dma_wait3A_20 = tpu.memref_squeeze %dma_wait3A_19 : memref<1x624x128xf32, #tpu.memory_space<hbm>> -> memref<624x128xf32, #tpu.memory_space<hbm>>
      %dma_wait3A_21 = arith.constant 0 : i32
      %dma_wait3A_22 = tpu.memref_slice %arg10[%mul3A_10, %dma_wait3A_21] : memref<10112x128xf32, #tpu.memory_space<vmem_shared>> -> memref<624x128xf32, #tpu.memory_space<vmem_shared>>
      tpu.wait_dma2 semaphore(%run_scoped3A : memref<!tpu.dma_semaphore, #tpu.memory_space<semaphore_mem>>) src(%dma_wait3A_22 : memref<624x128xf32, #tpu.memory_space<vmem_shared>>) dst(%dma_wait3A_20 : memref<624x128xf32, #tpu.memory_space<hbm>>)
      tpu.yield
    }) : () -> ()
    %eq3A = arith.constant 15 : i32
    %eq3A_13 = arith.cmpi eq, %arg1, %eq3A : i32
    %convert_element_type3A = arith.extui %eq3A_13 : i1 to i32
    %cond3A = arith.constant 0 : i32
    %cond3A_14 = arith.cmpi ne, %convert_element_type3A, %cond3A : i32
    scf.if %cond3A_14 {
      "tpu.region"() ({
        %run_scoped3A = tpu.sem_alloc : memref<!tpu.dma_semaphore, #tpu.memory_space<semaphore_mem>>
        %dma_start3A = arith.constant 9984 : i32
        %dma_start3A_15 = arith.constant 0 : i32
        %dma_start3A_16 = tpu.memref_slice %arg6[%arg0, %dma_start3A, %dma_start3A_15] : memref<2x10000x128xf32, #tpu.memory_space<hbm>> -> memref<1x16x128xf32, #tpu.memory_space<hbm>>
        %dma_start3A_17 = tpu.memref_squeeze %dma_start3A_16 : memref<1x16x128xf32, #tpu.memory_space<hbm>> -> memref<16x128xf32, #tpu.memory_space<hbm>>
        %dma_start3A_18 = arith.constant 9984 : i32
        %dma_start3A_19 = arith.constant 0 : i32
        %dma_start3A_20 = tpu.memref_slice %arg10[%dma_start3A_18, %dma_start3A_19] : memref<10112x128xf32, #tpu.memory_space<vmem_shared>> -> memref<16x128xf32, #tpu.memory_space<vmem_shared>>
        tpu.enqueue_dma source(%dma_start3A_20 : memref<16x128xf32, #tpu.memory_space<vmem_shared>>) target(%dma_start3A_17 : memref<16x128xf32, #tpu.memory_space<hbm>>) target_semaphore(%run_scoped3A : memref<!tpu.dma_semaphore, #tpu.memory_space<semaphore_mem>>)
        %dma_wait3A = arith.constant 9984 : i32
        %dma_wait3A_21 = arith.constant 0 : i32
        %dma_wait3A_22 = tpu.memref_slice %arg6[%arg0, %dma_wait3A, %dma_wait3A_21] : memref<2x10000x128xf32, #tpu.memory_space<hbm>> -> memref<1x16x128xf32, #tpu.memory_space<hbm>>
        %dma_wait3A_23 = tpu.memref_squeeze %dma_wait3A_22 : memref<1x16x128xf32, #tpu.memory_space<hbm>> -> memref<16x128xf32, #tpu.memory_space<hbm>>
        %dma_wait3A_24 = arith.constant 9984 : i32
        %dma_wait3A_25 = arith.constant 0 : i32
        %dma_wait3A_26 = tpu.memref_slice %arg10[%dma_wait3A_24, %dma_wait3A_25] : memref<10112x128xf32, #tpu.memory_space<vmem_shared>> -> memref<16x128xf32, #tpu.memory_space<vmem_shared>>
        tpu.wait_dma2 semaphore(%run_scoped3A : memref<!tpu.dma_semaphore, #tpu.memory_space<semaphore_mem>>) src(%dma_wait3A_26 : memref<16x128xf32, #tpu.memory_space<vmem_shared>>) dst(%dma_wait3A_23 : memref<16x128xf32, #tpu.memory_space<hbm>>)
        tpu.yield
      }) : () -> ()
    } else {
    }
    return
  }
}

#map = affine_map<(d0, d1) -> (0, 0)>
#map1 = affine_map<(d0, d1) -> (0, 0, 0)>
module attributes {stable_mosaic.version = 14 : i64} {
  func.func @k(%arg0: i32, %arg1: i32, %arg2: memref<2x128xf32, #tpu.memory_space<hbm>>, %arg3: memref<32x79x128xi32, #tpu.memory_space<hbm>>, %arg4: memref<32x79x128xi32, #tpu.memory_space<hbm>>, %arg5: memref<632x128xf32, #tpu.memory_space<hbm>>, %arg6: memref<2x10000x128xf32, #tpu.memory_space<hbm>>, %arg7: memref<79x128xi32, #tpu.memory_space<vmem>>, %arg8: memref<79x128xi32, #tpu.memory_space<vmem>>, %arg9: memref<128x128xf32, #tpu.memory_space<vmem>>, %arg10: memref<10112x128xf32, #tpu.memory_space<vmem_shared>>, %arg11: memref<!tpu.dma_semaphore, #tpu.memory_space<semaphore_mem>>) attributes {dimension_semantics = [#tpu.dimension_semantics<core_parallel>, #tpu.dimension_semantics<subcore_parallel>], iteration_bounds = array<i64: 2, 16>, scalar_prefetch = 0 : i64, scratch_operands = 5 : i64, tpu.core_type = #tpu.core_type<sc_vector_subcore>, window_params = [{transform_indices = #map}, {transform_indices = #map1}, {transform_indices = #map1}, {transform_indices = #map}, {transform_indices = #map1}]} {
    %mul3A = arith.constant 16 : i32
    %mul3A_0 = arith.muli %arg0, %mul3A : i32
    %add3A = arith.addi %mul3A_0, %arg1 : i32
    "tpu.region"() ({
      %run_scoped3A = tpu.sem_alloc : memref<!tpu.dma_semaphore, #tpu.memory_space<semaphore_mem>>
      %dma_start3A = arith.constant 0 : i32
      %dma_start3A_15 = arith.constant 0 : i32
      %dma_start3A_16 = tpu.memref_slice %arg3[%add3A, %dma_start3A, %dma_start3A_15] : memref<32x79x128xi32, #tpu.memory_space<hbm>> -> memref<1x79x128xi32, #tpu.memory_space<hbm>>
      %dma_start3A_17 = tpu.memref_squeeze %dma_start3A_16 : memref<1x79x128xi32, #tpu.memory_space<hbm>> -> memref<79x128xi32, #tpu.memory_space<hbm>>
      %dma_start3A_18 = arith.constant 0 : i32
      %dma_start3A_19 = arith.constant 0 : i32
      %dma_start3A_20 = tpu.memref_slice %arg3[%add3A, %dma_start3A_18, %dma_start3A_19] : memref<32x79x128xi32, #tpu.memory_space<hbm>> -> memref<1x79x128xi32, #tpu.memory_space<hbm>>
      %dma_start3A_21 = tpu.memref_squeeze %dma_start3A_20 : memref<1x79x128xi32, #tpu.memory_space<hbm>> -> memref<79x128xi32, #tpu.memory_space<hbm>>
      tpu.enqueue_dma source(%dma_start3A_21 : memref<79x128xi32, #tpu.memory_space<hbm>>) target(%arg7 : memref<79x128xi32, #tpu.memory_space<vmem>>) target_semaphore(%run_scoped3A : memref<!tpu.dma_semaphore, #tpu.memory_space<semaphore_mem>>)
      %dma_wait3A = arith.constant 0 : i32
      %dma_wait3A_22 = arith.constant 0 : i32
      %dma_wait3A_23 = tpu.memref_slice %arg3[%add3A, %dma_wait3A, %dma_wait3A_22] : memref<32x79x128xi32, #tpu.memory_space<hbm>> -> memref<1x79x128xi32, #tpu.memory_space<hbm>>
      %dma_wait3A_24 = tpu.memref_squeeze %dma_wait3A_23 : memref<1x79x128xi32, #tpu.memory_space<hbm>> -> memref<79x128xi32, #tpu.memory_space<hbm>>
      %dma_wait3A_25 = arith.constant 0 : i32
      %dma_wait3A_26 = arith.constant 0 : i32
      %dma_wait3A_27 = tpu.memref_slice %arg3[%add3A, %dma_wait3A_25, %dma_wait3A_26] : memref<32x79x128xi32, #tpu.memory_space<hbm>> -> memref<1x79x128xi32, #tpu.memory_space<hbm>>
      %dma_wait3A_28 = tpu.memref_squeeze %dma_wait3A_27 : memref<1x79x128xi32, #tpu.memory_space<hbm>> -> memref<79x128xi32, #tpu.memory_space<hbm>>
      tpu.wait_dma2 semaphore(%run_scoped3A : memref<!tpu.dma_semaphore, #tpu.memory_space<semaphore_mem>>) src(%dma_wait3A_28 : memref<79x128xi32, #tpu.memory_space<hbm>>) dst(%arg7 : memref<79x128xi32, #tpu.memory_space<vmem>>)
      tpu.yield
    }) : () -> ()
    "tpu.region"() ({
      %run_scoped3A = tpu.sem_alloc : memref<!tpu.dma_semaphore, #tpu.memory_space<semaphore_mem>>
      %dma_start3A = arith.constant 0 : i32
      %dma_start3A_15 = arith.constant 0 : i32
      %dma_start3A_16 = tpu.memref_slice %arg4[%add3A, %dma_start3A, %dma_start3A_15] : memref<32x79x128xi32, #tpu.memory_space<hbm>> -> memref<1x79x128xi32, #tpu.memory_space<hbm>>
      %dma_start3A_17 = tpu.memref_squeeze %dma_start3A_16 : memref<1x79x128xi32, #tpu.memory_space<hbm>> -> memref<79x128xi32, #tpu.memory_space<hbm>>
      %dma_start3A_18 = arith.constant 0 : i32
      %dma_start3A_19 = arith.constant 0 : i32
      %dma_start3A_20 = tpu.memref_slice %arg4[%add3A, %dma_start3A_18, %dma_start3A_19] : memref<32x79x128xi32, #tpu.memory_space<hbm>> -> memref<1x79x128xi32, #tpu.memory_space<hbm>>
      %dma_start3A_21 = tpu.memref_squeeze %dma_start3A_20 : memref<1x79x128xi32, #tpu.memory_space<hbm>> -> memref<79x128xi32, #tpu.memory_space<hbm>>
      tpu.enqueue_dma source(%dma_start3A_21 : memref<79x128xi32, #tpu.memory_space<hbm>>) target(%arg8 : memref<79x128xi32, #tpu.memory_space<vmem>>) target_semaphore(%run_scoped3A : memref<!tpu.dma_semaphore, #tpu.memory_space<semaphore_mem>>)
      %dma_wait3A = arith.constant 0 : i32
      %dma_wait3A_22 = arith.constant 0 : i32
      %dma_wait3A_23 = tpu.memref_slice %arg4[%add3A, %dma_wait3A, %dma_wait3A_22] : memref<32x79x128xi32, #tpu.memory_space<hbm>> -> memref<1x79x128xi32, #tpu.memory_space<hbm>>
      %dma_wait3A_24 = tpu.memref_squeeze %dma_wait3A_23 : memref<1x79x128xi32, #tpu.memory_space<hbm>> -> memref<79x128xi32, #tpu.memory_space<hbm>>
      %dma_wait3A_25 = arith.constant 0 : i32
      %dma_wait3A_26 = arith.constant 0 : i32
      %dma_wait3A_27 = tpu.memref_slice %arg4[%add3A, %dma_wait3A_25, %dma_wait3A_26] : memref<32x79x128xi32, #tpu.memory_space<hbm>> -> memref<1x79x128xi32, #tpu.memory_space<hbm>>
      %dma_wait3A_28 = tpu.memref_squeeze %dma_wait3A_27 : memref<1x79x128xi32, #tpu.memory_space<hbm>> -> memref<79x128xi32, #tpu.memory_space<hbm>>
      tpu.wait_dma2 semaphore(%run_scoped3A : memref<!tpu.dma_semaphore, #tpu.memory_space<semaphore_mem>>) src(%dma_wait3A_28 : memref<79x128xi32, #tpu.memory_space<hbm>>) dst(%arg8 : memref<79x128xi32, #tpu.memory_space<vmem>>)
      tpu.yield
    }) : () -> ()
    %mul3A_1 = arith.constant 632 : i32
    %mul3A_2 = arith.muli %arg1, %mul3A_1 : i32
    "tpu.region"() ({
      %run_scoped3A = tpu.sem_alloc : memref<!tpu.dma_semaphore, #tpu.memory_space<semaphore_mem>>
      %dma_start3A = arith.constant 0 : i32
      %dma_start3A_15 = tpu.memref_slice %arg10[%mul3A_2, %dma_start3A] : memref<10112x128xf32, #tpu.memory_space<vmem_shared>> -> memref<632x128xf32, #tpu.memory_space<vmem_shared>>
      tpu.enqueue_dma source(%arg5 : memref<632x128xf32, #tpu.memory_space<hbm>>) target(%dma_start3A_15 : memref<632x128xf32, #tpu.memory_space<vmem_shared>>) target_semaphore(%run_scoped3A : memref<!tpu.dma_semaphore, #tpu.memory_space<semaphore_mem>>)
      %dma_wait3A = arith.constant 0 : i32
      %dma_wait3A_16 = tpu.memref_slice %arg10[%mul3A_2, %dma_wait3A] : memref<10112x128xf32, #tpu.memory_space<vmem_shared>> -> memref<632x128xf32, #tpu.memory_space<vmem_shared>>
      tpu.wait_dma2 semaphore(%run_scoped3A : memref<!tpu.dma_semaphore, #tpu.memory_space<semaphore_mem>>) src(%arg5 : memref<632x128xf32, #tpu.memory_space<hbm>>) dst(%dma_wait3A_16 : memref<632x128xf32, #tpu.memory_space<vmem_shared>>)
      tpu.yield
    }) : () -> ()
    %barrier3A = arith.constant 0 : index
    tpu.barrier barrier_id(%barrier3A)
    %scan3A = arith.constant 0 : i32
    %scan3A_3 = arith.constant 0 : i32
    %scan3A_4 = arith.constant 79 : i32
    %scan3A_5 = arith.addi %scan3A_3, %scan3A_4 : i32
    %scan3A_6 = arith.constant 1 : i32
    scf.for %scan3A_15 = %scan3A_3 to %scan3A_5 step %scan3A_6  : i32 {
      %dma_start3A = arith.constant 0 : i32
      %dma_start3A_16 = tpu.memref_slice %arg7[%scan3A_15, %dma_start3A] : memref<79x128xi32, #tpu.memory_space<vmem>> -> memref<1x128xi32, #tpu.memory_space<vmem>>
      %dma_start3A_17 = tpu.memref_squeeze %dma_start3A_16 : memref<1x128xi32, #tpu.memory_space<vmem>> -> memref<128xi32, #tpu.memory_space<vmem>>
      %dma_start3A_18 = arith.constant 0 : i32
      %dma_start3A_19 = arith.constant 0 : i32
      %dma_start3A_20 = tpu.memref_slice %arg2[%dma_start3A_18, %dma_start3A_19] : memref<2x128xf32, #tpu.memory_space<hbm>> -> memref<2x128xf32, #tpu.memory_space<hbm>>
      tpu.enqueue_indirect_dma source(%dma_start3A_20 : memref<2x128xf32, #tpu.memory_space<hbm>>) target(%arg9 : memref<128x128xf32, #tpu.memory_space<vmem>>) offsets(%dma_start3A_17 : memref<128xi32, #tpu.memory_space<vmem>>) semaphore(%arg11 : memref<!tpu.dma_semaphore, #tpu.memory_space<semaphore_mem>>)
      %dma_wait3A = arith.constant 0 : i32
      %dma_wait3A_21 = tpu.memref_slice %arg7[%scan3A_15, %dma_wait3A] : memref<79x128xi32, #tpu.memory_space<vmem>> -> memref<1x128xi32, #tpu.memory_space<vmem>>
      %dma_wait3A_22 = tpu.memref_squeeze %dma_wait3A_21 : memref<1x128xi32, #tpu.memory_space<vmem>> -> memref<128xi32, #tpu.memory_space<vmem>>
      %dma_wait3A_23 = arith.constant 0 : i32
      %dma_wait3A_24 = arith.constant 0 : i32
      %dma_wait3A_25 = tpu.memref_slice %arg2[%dma_wait3A_23, %dma_wait3A_24] : memref<2x128xf32, #tpu.memory_space<hbm>> -> memref<2x128xf32, #tpu.memory_space<hbm>>
      tpu.wait_indirect_dma semaphore(%arg11 : memref<!tpu.dma_semaphore, #tpu.memory_space<semaphore_mem>>) src(%dma_wait3A_25 : memref<2x128xf32, #tpu.memory_space<hbm>>) dst(%arg9 : memref<128x128xf32, #tpu.memory_space<vmem>>)
      "tpu.region"() ({
        %run_scoped3A = tpu.sem_alloc : memref<!tpu.dma_semaphore, #tpu.memory_space<semaphore_mem>>
        %dma_start3A_26 = arith.constant 0 : i32
        %dma_start3A_27 = tpu.memref_slice %arg8[%scan3A_15, %dma_start3A_26] : memref<79x128xi32, #tpu.memory_space<vmem>> -> memref<1x128xi32, #tpu.memory_space<vmem>>
        %dma_start3A_28 = tpu.memref_squeeze %dma_start3A_27 : memref<1x128xi32, #tpu.memory_space<vmem>> -> memref<128xi32, #tpu.memory_space<vmem>>
        %dma_start3A_29 = arith.constant 0 : i32
        %dma_start3A_30 = arith.constant 0 : i32
        %dma_start3A_31 = tpu.memref_slice %arg10[%dma_start3A_29, %dma_start3A_30] : memref<10112x128xf32, #tpu.memory_space<vmem_shared>> -> memref<10112x128xf32, #tpu.memory_space<vmem_shared>>
        tpu.enqueue_indirect_dma source(%arg9 : memref<128x128xf32, #tpu.memory_space<vmem>>) target(%dma_start3A_31 : memref<10112x128xf32, #tpu.memory_space<vmem_shared>>) offsets(%dma_start3A_28 : memref<128xi32, #tpu.memory_space<vmem>>) semaphore(%run_scoped3A : memref<!tpu.dma_semaphore, #tpu.memory_space<semaphore_mem>>) {add = true}
        %dma_wait3A_32 = arith.constant 0 : i32
        %dma_wait3A_33 = tpu.memref_slice %arg8[%scan3A_15, %dma_wait3A_32] : memref<79x128xi32, #tpu.memory_space<vmem>> -> memref<1x128xi32, #tpu.memory_space<vmem>>
        %dma_wait3A_34 = tpu.memref_squeeze %dma_wait3A_33 : memref<1x128xi32, #tpu.memory_space<vmem>> -> memref<128xi32, #tpu.memory_space<vmem>>
        %dma_wait3A_35 = arith.constant 0 : i32
        %dma_wait3A_36 = arith.constant 0 : i32
        %dma_wait3A_37 = tpu.memref_slice %arg10[%dma_wait3A_35, %dma_wait3A_36] : memref<10112x128xf32, #tpu.memory_space<vmem_shared>> -> memref<10112x128xf32, #tpu.memory_space<vmem_shared>>
        tpu.wait_indirect_dma semaphore(%run_scoped3A : memref<!tpu.dma_semaphore, #tpu.memory_space<semaphore_mem>>) src(%arg9 : memref<128x128xf32, #tpu.memory_space<vmem>>) dst(%dma_wait3A_37 : memref<10112x128xf32, #tpu.memory_space<vmem_shared>>)
        tpu.yield
      }) : () -> ()
    }
    %scan3A_7 = arith.constant 79 : i32
    %barrier3A_8 = arith.constant 0 : index
    tpu.barrier barrier_id(%barrier3A_8)
    %mul3A_9 = arith.constant 624 : i32
    %mul3A_10 = arith.muli %arg1, %mul3A_9 : i32
    %mul3A_11 = arith.constant 624 : i32
    %mul3A_12 = arith.muli %arg1, %mul3A_11 : i32
    "tpu.region"() ({
      %run_scoped3A = tpu.sem_alloc : memref<!tpu.dma_semaphore, #tpu.memory_space<semaphore_mem>>
      %dma_start3A = arith.constant 0 : i32
      %dma_start3A_15 = tpu.memref_slice %arg6[%arg0, %mul3A_12, %dma_start3A] : memref<2x10000x128xf32, #tpu.memory_space<hbm>> -> memref<1x624x128xf32, #tpu.memory_space<hbm>>
      %dma_start3A_16 = tpu.memref_squeeze %dma_start3A_15 : memref<1x624x128xf32, #tpu.memory_space<hbm>> -> memref<624x128xf32, #tpu.memory_space<hbm>>
      %dma_start3A_17 = arith.constant 0 : i32
      %dma_start3A_18 = tpu.memref_slice %arg10[%mul3A_10, %dma_start3A_17] : memref<10112x128xf32, #tpu.memory_space<vmem_shared>> -> memref<624x128xf32, #tpu.memory_space<vmem_shared>>
      tpu.enqueue_dma source(%dma_start3A_18 : memref<624x128xf32, #tpu.memory_space<vmem_shared>>) target(%dma_start3A_16 : memref<624x128xf32, #tpu.memory_space<hbm>>) target_semaphore(%run_scoped3A : memref<!tpu.dma_semaphore, #tpu.memory_space<semaphore_mem>>)
      %dma_wait3A = arith.constant 0 : i32
      %dma_wait3A_19 = tpu.memref_slice %arg6[%arg0, %mul3A_12, %dma_wait3A] : memref<2x10000x128xf32, #tpu.memory_space<hbm>> -> memref<1x624x128xf32, #tpu.memory_space<hbm>>
      %dma_wait3A_20 = tpu.memref_squeeze %dma_wait3A_19 : memref<1x624x128xf32, #tpu.memory_space<hbm>> -> memref<624x128xf32, #tpu.memory_space<hbm>>
      %dma_wait3A_21 = arith.constant 0 : i32
      %dma_wait3A_22 = tpu.memref_slice %arg10[%mul3A_10, %dma_wait3A_21] : memref<10112x128xf32, #tpu.memory_space<vmem_shared>> -> memref<624x128xf32, #tpu.memory_space<vmem_shared>>
      tpu.wait_dma2 semaphore(%run_scoped3A : memref<!tpu.dma_semaphore, #tpu.memory_space<semaphore_mem>>) src(%dma_wait3A_22 : memref<624x128xf32, #tpu.memory_space<vmem_shared>>) dst(%dma_wait3A_20 : memref<624x128xf32, #tpu.memory_space<hbm>>)
      tpu.yield
    }) : () -> ()
    %eq3A = arith.constant 15 : i32
    %eq3A_13 = arith.cmpi eq, %arg1, %eq3A : i32
    %convert_element_type3A = arith.extui %eq3A_13 : i1 to i32
    %cond3A = arith.constant 0 : i32
    %cond3A_14 = arith.cmpi ne, %convert_element_type3A, %cond3A : i32
    scf.if %cond3A_14 {
      "tpu.region"() ({
        %run_scoped3A = tpu.sem_alloc : memref<!tpu.dma_semaphore, #tpu.memory_space<semaphore_mem>>
        %dma_start3A = arith.constant 9984 : i32
        %dma_start3A_15 = arith.constant 0 : i32
        %dma_start3A_16 = tpu.memref_slice %arg6[%arg0, %dma_start3A, %dma_start3A_15] : memref<2x10000x128xf32, #tpu.memory_space<hbm>> -> memref<1x16x128xf32, #tpu.memory_space<hbm>>
        %dma_start3A_17 = tpu.memref_squeeze %dma_start3A_16 : memref<1x16x128xf32, #tpu.memory_space<hbm>> -> memref<16x128xf32, #tpu.memory_space<hbm>>
        %dma_start3A_18 = arith.constant 9984 : i32
        %dma_start3A_19 = arith.constant 0 : i32
        %dma_start3A_20 = tpu.memref_slice %arg10[%dma_start3A_18, %dma_start3A_19] : memref<10112x128xf32, #tpu.memory_space<vmem_shared>> -> memref<16x128xf32, #tpu.memory_space<vmem_shared>>
        tpu.enqueue_dma source(%dma_start3A_20 : memref<16x128xf32, #tpu.memory_space<vmem_shared>>) target(%dma_start3A_17 : memref<16x128xf32, #tpu.memory_space<hbm>>) target_semaphore(%run_scoped3A : memref<!tpu.dma_semaphore, #tpu.memory_space<semaphore_mem>>)
        %dma_wait3A = arith.constant 9984 : i32
        %dma_wait3A_21 = arith.constant 0 : i32
        %dma_wait3A_22 = tpu.memref_slice %arg6[%arg0, %dma_wait3A, %dma_wait3A_21] : memref<2x10000x128xf32, #tpu.memory_space<hbm>> -> memref<1x16x128xf32, #tpu.memory_space<hbm>>
        %dma_wait3A_23 = tpu.memref_squeeze %dma_wait3A_22 : memref<1x16x128xf32, #tpu.memory_space<hbm>> -> memref<16x128xf32, #tpu.memory_space<hbm>>
        %dma_wait3A_24 = arith.constant 9984 : i32
        %dma_wait3A_25 = arith.constant 0 : i32
        %dma_wait3A_26 = tpu.memref_slice %arg10[%dma_wait3A_24, %dma_wait3A_25] : memref<10112x128xf32, #tpu.memory_space<vmem_shared>> -> memref<16x128xf32, #tpu.memory_space<vmem_shared>>
        tpu.wait_dma2 semaphore(%run_scoped3A : memref<!tpu.dma_semaphore, #tpu.memory_space<semaphore_mem>>) src(%dma_wait3A_26 : memref<16x128xf32, #tpu.memory_space<vmem_shared>>) dst(%dma_wait3A_23 : memref<16x128xf32, #tpu.memory_space<hbm>>)
        tpu.yield
      }) : () -> ()
    } else {
    }
    return
  }
}

#map = affine_map<(d0, d1) -> (0, 0)>
#map1 = affine_map<(d0, d1) -> (0, 0, 0)>
module attributes {stable_mosaic.version = 14 : i64} {
  func.func @k(%arg0: i32, %arg1: i32, %arg2: memref<10000x128xf32, #tpu.memory_space<hbm>>, %arg3: memref<32x79x128xi32, #tpu.memory_space<hbm>>, %arg4: memref<32x79x128xi32, #tpu.memory_space<hbm>>, %arg5: memref<632x128xf32, #tpu.memory_space<hbm>>, %arg6: memref<2x10000x128xf32, #tpu.memory_space<hbm>>, %arg7: memref<79x128xi32, #tpu.memory_space<vmem>>, %arg8: memref<79x128xi32, #tpu.memory_space<vmem>>, %arg9: memref<128x128xf32, #tpu.memory_space<vmem>>, %arg10: memref<10112x128xf32, #tpu.memory_space<vmem_shared>>, %arg11: memref<!tpu.dma_semaphore, #tpu.memory_space<semaphore_mem>>) attributes {dimension_semantics = [#tpu.dimension_semantics<core_parallel>, #tpu.dimension_semantics<subcore_parallel>], iteration_bounds = array<i64: 2, 16>, scalar_prefetch = 0 : i64, scratch_operands = 5 : i64, tpu.core_type = #tpu.core_type<sc_vector_subcore>, window_params = [{transform_indices = #map}, {transform_indices = #map1}, {transform_indices = #map1}, {transform_indices = #map}, {transform_indices = #map1}]} {
    %mul3A = arith.constant 16 : i32
    %mul3A_0 = arith.muli %arg0, %mul3A : i32
    %add3A = arith.addi %mul3A_0, %arg1 : i32
    "tpu.region"() ({
      %run_scoped3A = tpu.sem_alloc : memref<!tpu.dma_semaphore, #tpu.memory_space<semaphore_mem>>
      %dma_start3A = arith.constant 0 : i32
      %dma_start3A_15 = arith.constant 0 : i32
      %dma_start3A_16 = tpu.memref_slice %arg3[%add3A, %dma_start3A, %dma_start3A_15] : memref<32x79x128xi32, #tpu.memory_space<hbm>> -> memref<1x79x128xi32, #tpu.memory_space<hbm>>
      %dma_start3A_17 = tpu.memref_squeeze %dma_start3A_16 : memref<1x79x128xi32, #tpu.memory_space<hbm>> -> memref<79x128xi32, #tpu.memory_space<hbm>>
      %dma_start3A_18 = arith.constant 0 : i32
      %dma_start3A_19 = arith.constant 0 : i32
      %dma_start3A_20 = tpu.memref_slice %arg3[%add3A, %dma_start3A_18, %dma_start3A_19] : memref<32x79x128xi32, #tpu.memory_space<hbm>> -> memref<1x79x128xi32, #tpu.memory_space<hbm>>
      %dma_start3A_21 = tpu.memref_squeeze %dma_start3A_20 : memref<1x79x128xi32, #tpu.memory_space<hbm>> -> memref<79x128xi32, #tpu.memory_space<hbm>>
      tpu.enqueue_dma source(%dma_start3A_21 : memref<79x128xi32, #tpu.memory_space<hbm>>) target(%arg7 : memref<79x128xi32, #tpu.memory_space<vmem>>) target_semaphore(%run_scoped3A : memref<!tpu.dma_semaphore, #tpu.memory_space<semaphore_mem>>)
      %dma_wait3A = arith.constant 0 : i32
      %dma_wait3A_22 = arith.constant 0 : i32
      %dma_wait3A_23 = tpu.memref_slice %arg3[%add3A, %dma_wait3A, %dma_wait3A_22] : memref<32x79x128xi32, #tpu.memory_space<hbm>> -> memref<1x79x128xi32, #tpu.memory_space<hbm>>
      %dma_wait3A_24 = tpu.memref_squeeze %dma_wait3A_23 : memref<1x79x128xi32, #tpu.memory_space<hbm>> -> memref<79x128xi32, #tpu.memory_space<hbm>>
      %dma_wait3A_25 = arith.constant 0 : i32
      %dma_wait3A_26 = arith.constant 0 : i32
      %dma_wait3A_27 = tpu.memref_slice %arg3[%add3A, %dma_wait3A_25, %dma_wait3A_26] : memref<32x79x128xi32, #tpu.memory_space<hbm>> -> memref<1x79x128xi32, #tpu.memory_space<hbm>>
      %dma_wait3A_28 = tpu.memref_squeeze %dma_wait3A_27 : memref<1x79x128xi32, #tpu.memory_space<hbm>> -> memref<79x128xi32, #tpu.memory_space<hbm>>
      tpu.wait_dma2 semaphore(%run_scoped3A : memref<!tpu.dma_semaphore, #tpu.memory_space<semaphore_mem>>) src(%dma_wait3A_28 : memref<79x128xi32, #tpu.memory_space<hbm>>) dst(%arg7 : memref<79x128xi32, #tpu.memory_space<vmem>>)
      tpu.yield
    }) : () -> ()
    "tpu.region"() ({
      %run_scoped3A = tpu.sem_alloc : memref<!tpu.dma_semaphore, #tpu.memory_space<semaphore_mem>>
      %dma_start3A = arith.constant 0 : i32
      %dma_start3A_15 = arith.constant 0 : i32
      %dma_start3A_16 = tpu.memref_slice %arg4[%add3A, %dma_start3A, %dma_start3A_15] : memref<32x79x128xi32, #tpu.memory_space<hbm>> -> memref<1x79x128xi32, #tpu.memory_space<hbm>>
      %dma_start3A_17 = tpu.memref_squeeze %dma_start3A_16 : memref<1x79x128xi32, #tpu.memory_space<hbm>> -> memref<79x128xi32, #tpu.memory_space<hbm>>
      %dma_start3A_18 = arith.constant 0 : i32
      %dma_start3A_19 = arith.constant 0 : i32
      %dma_start3A_20 = tpu.memref_slice %arg4[%add3A, %dma_start3A_18, %dma_start3A_19] : memref<32x79x128xi32, #tpu.memory_space<hbm>> -> memref<1x79x128xi32, #tpu.memory_space<hbm>>
      %dma_start3A_21 = tpu.memref_squeeze %dma_start3A_20 : memref<1x79x128xi32, #tpu.memory_space<hbm>> -> memref<79x128xi32, #tpu.memory_space<hbm>>
      tpu.enqueue_dma source(%dma_start3A_21 : memref<79x128xi32, #tpu.memory_space<hbm>>) target(%arg8 : memref<79x128xi32, #tpu.memory_space<vmem>>) target_semaphore(%run_scoped3A : memref<!tpu.dma_semaphore, #tpu.memory_space<semaphore_mem>>)
      %dma_wait3A = arith.constant 0 : i32
      %dma_wait3A_22 = arith.constant 0 : i32
      %dma_wait3A_23 = tpu.memref_slice %arg4[%add3A, %dma_wait3A, %dma_wait3A_22] : memref<32x79x128xi32, #tpu.memory_space<hbm>> -> memref<1x79x128xi32, #tpu.memory_space<hbm>>
      %dma_wait3A_24 = tpu.memref_squeeze %dma_wait3A_23 : memref<1x79x128xi32, #tpu.memory_space<hbm>> -> memref<79x128xi32, #tpu.memory_space<hbm>>
      %dma_wait3A_25 = arith.constant 0 : i32
      %dma_wait3A_26 = arith.constant 0 : i32
      %dma_wait3A_27 = tpu.memref_slice %arg4[%add3A, %dma_wait3A_25, %dma_wait3A_26] : memref<32x79x128xi32, #tpu.memory_space<hbm>> -> memref<1x79x128xi32, #tpu.memory_space<hbm>>
      %dma_wait3A_28 = tpu.memref_squeeze %dma_wait3A_27 : memref<1x79x128xi32, #tpu.memory_space<hbm>> -> memref<79x128xi32, #tpu.memory_space<hbm>>
      tpu.wait_dma2 semaphore(%run_scoped3A : memref<!tpu.dma_semaphore, #tpu.memory_space<semaphore_mem>>) src(%dma_wait3A_28 : memref<79x128xi32, #tpu.memory_space<hbm>>) dst(%arg8 : memref<79x128xi32, #tpu.memory_space<vmem>>)
      tpu.yield
    }) : () -> ()
    %mul3A_1 = arith.constant 632 : i32
    %mul3A_2 = arith.muli %arg1, %mul3A_1 : i32
    "tpu.region"() ({
      %run_scoped3A = tpu.sem_alloc : memref<!tpu.dma_semaphore, #tpu.memory_space<semaphore_mem>>
      %dma_start3A = arith.constant 0 : i32
      %dma_start3A_15 = tpu.memref_slice %arg10[%mul3A_2, %dma_start3A] : memref<10112x128xf32, #tpu.memory_space<vmem_shared>> -> memref<632x128xf32, #tpu.memory_space<vmem_shared>>
      tpu.enqueue_dma source(%arg5 : memref<632x128xf32, #tpu.memory_space<hbm>>) target(%dma_start3A_15 : memref<632x128xf32, #tpu.memory_space<vmem_shared>>) target_semaphore(%run_scoped3A : memref<!tpu.dma_semaphore, #tpu.memory_space<semaphore_mem>>)
      %dma_wait3A = arith.constant 0 : i32
      %dma_wait3A_16 = tpu.memref_slice %arg10[%mul3A_2, %dma_wait3A] : memref<10112x128xf32, #tpu.memory_space<vmem_shared>> -> memref<632x128xf32, #tpu.memory_space<vmem_shared>>
      tpu.wait_dma2 semaphore(%run_scoped3A : memref<!tpu.dma_semaphore, #tpu.memory_space<semaphore_mem>>) src(%arg5 : memref<632x128xf32, #tpu.memory_space<hbm>>) dst(%dma_wait3A_16 : memref<632x128xf32, #tpu.memory_space<vmem_shared>>)
      tpu.yield
    }) : () -> ()
    %barrier3A = arith.constant 0 : index
    tpu.barrier barrier_id(%barrier3A)
    %scan3A = arith.constant 0 : i32
    %scan3A_3 = arith.constant 0 : i32
    %scan3A_4 = arith.constant 79 : i32
    %scan3A_5 = arith.addi %scan3A_3, %scan3A_4 : i32
    %scan3A_6 = arith.constant 1 : i32
    scf.for %scan3A_15 = %scan3A_3 to %scan3A_5 step %scan3A_6  : i32 {
      %dma_start3A = arith.constant 0 : i32
      %dma_start3A_16 = tpu.memref_slice %arg7[%scan3A_15, %dma_start3A] : memref<79x128xi32, #tpu.memory_space<vmem>> -> memref<1x128xi32, #tpu.memory_space<vmem>>
      %dma_start3A_17 = tpu.memref_squeeze %dma_start3A_16 : memref<1x128xi32, #tpu.memory_space<vmem>> -> memref<128xi32, #tpu.memory_space<vmem>>
      %dma_start3A_18 = arith.constant 0 : i32
      %dma_start3A_19 = arith.constant 0 : i32
      %dma_start3A_20 = tpu.memref_slice %arg2[%dma_start3A_18, %dma_start3A_19] : memref<10000x128xf32, #tpu.memory_space<hbm>> -> memref<10000x128xf32, #tpu.memory_space<hbm>>
      tpu.enqueue_indirect_dma source(%dma_start3A_20 : memref<10000x128xf32, #tpu.memory_space<hbm>>) target(%arg9 : memref<128x128xf32, #tpu.memory_space<vmem>>) offsets(%dma_start3A_17 : memref<128xi32, #tpu.memory_space<vmem>>) semaphore(%arg11 : memref<!tpu.dma_semaphore, #tpu.memory_space<semaphore_mem>>)
      %dma_wait3A = arith.constant 0 : i32
      %dma_wait3A_21 = tpu.memref_slice %arg7[%scan3A_15, %dma_wait3A] : memref<79x128xi32, #tpu.memory_space<vmem>> -> memref<1x128xi32, #tpu.memory_space<vmem>>
      %dma_wait3A_22 = tpu.memref_squeeze %dma_wait3A_21 : memref<1x128xi32, #tpu.memory_space<vmem>> -> memref<128xi32, #tpu.memory_space<vmem>>
      %dma_wait3A_23 = arith.constant 0 : i32
      %dma_wait3A_24 = arith.constant 0 : i32
      %dma_wait3A_25 = tpu.memref_slice %arg2[%dma_wait3A_23, %dma_wait3A_24] : memref<10000x128xf32, #tpu.memory_space<hbm>> -> memref<10000x128xf32, #tpu.memory_space<hbm>>
      tpu.wait_indirect_dma semaphore(%arg11 : memref<!tpu.dma_semaphore, #tpu.memory_space<semaphore_mem>>) src(%dma_wait3A_25 : memref<10000x128xf32, #tpu.memory_space<hbm>>) dst(%arg9 : memref<128x128xf32, #tpu.memory_space<vmem>>)
      "tpu.region"() ({
        %run_scoped3A = tpu.sem_alloc : memref<!tpu.dma_semaphore, #tpu.memory_space<semaphore_mem>>
        %dma_start3A_26 = arith.constant 0 : i32
        %dma_start3A_27 = tpu.memref_slice %arg8[%scan3A_15, %dma_start3A_26] : memref<79x128xi32, #tpu.memory_space<vmem>> -> memref<1x128xi32, #tpu.memory_space<vmem>>
        %dma_start3A_28 = tpu.memref_squeeze %dma_start3A_27 : memref<1x128xi32, #tpu.memory_space<vmem>> -> memref<128xi32, #tpu.memory_space<vmem>>
        %dma_start3A_29 = arith.constant 0 : i32
        %dma_start3A_30 = arith.constant 0 : i32
        %dma_start3A_31 = tpu.memref_slice %arg10[%dma_start3A_29, %dma_start3A_30] : memref<10112x128xf32, #tpu.memory_space<vmem_shared>> -> memref<10112x128xf32, #tpu.memory_space<vmem_shared>>
        tpu.enqueue_indirect_dma source(%arg9 : memref<128x128xf32, #tpu.memory_space<vmem>>) target(%dma_start3A_31 : memref<10112x128xf32, #tpu.memory_space<vmem_shared>>) offsets(%dma_start3A_28 : memref<128xi32, #tpu.memory_space<vmem>>) semaphore(%run_scoped3A : memref<!tpu.dma_semaphore, #tpu.memory_space<semaphore_mem>>) {add = true}
        %dma_wait3A_32 = arith.constant 0 : i32
        %dma_wait3A_33 = tpu.memref_slice %arg8[%scan3A_15, %dma_wait3A_32] : memref<79x128xi32, #tpu.memory_space<vmem>> -> memref<1x128xi32, #tpu.memory_space<vmem>>
        %dma_wait3A_34 = tpu.memref_squeeze %dma_wait3A_33 : memref<1x128xi32, #tpu.memory_space<vmem>> -> memref<128xi32, #tpu.memory_space<vmem>>
        %dma_wait3A_35 = arith.constant 0 : i32
        %dma_wait3A_36 = arith.constant 0 : i32
        %dma_wait3A_37 = tpu.memref_slice %arg10[%dma_wait3A_35, %dma_wait3A_36] : memref<10112x128xf32, #tpu.memory_space<vmem_shared>> -> memref<10112x128xf32, #tpu.memory_space<vmem_shared>>
        tpu.wait_indirect_dma semaphore(%run_scoped3A : memref<!tpu.dma_semaphore, #tpu.memory_space<semaphore_mem>>) src(%arg9 : memref<128x128xf32, #tpu.memory_space<vmem>>) dst(%dma_wait3A_37 : memref<10112x128xf32, #tpu.memory_space<vmem_shared>>)
        tpu.yield
      }) : () -> ()
    }
    %scan3A_7 = arith.constant 79 : i32
    %barrier3A_8 = arith.constant 0 : index
    tpu.barrier barrier_id(%barrier3A_8)
    %mul3A_9 = arith.constant 624 : i32
    %mul3A_10 = arith.muli %arg1, %mul3A_9 : i32
    %mul3A_11 = arith.constant 624 : i32
    %mul3A_12 = arith.muli %arg1, %mul3A_11 : i32
    "tpu.region"() ({
      %run_scoped3A = tpu.sem_alloc : memref<!tpu.dma_semaphore, #tpu.memory_space<semaphore_mem>>
      %dma_start3A = arith.constant 0 : i32
      %dma_start3A_15 = tpu.memref_slice %arg6[%arg0, %mul3A_12, %dma_start3A] : memref<2x10000x128xf32, #tpu.memory_space<hbm>> -> memref<1x624x128xf32, #tpu.memory_space<hbm>>
      %dma_start3A_16 = tpu.memref_squeeze %dma_start3A_15 : memref<1x624x128xf32, #tpu.memory_space<hbm>> -> memref<624x128xf32, #tpu.memory_space<hbm>>
      %dma_start3A_17 = arith.constant 0 : i32
      %dma_start3A_18 = tpu.memref_slice %arg10[%mul3A_10, %dma_start3A_17] : memref<10112x128xf32, #tpu.memory_space<vmem_shared>> -> memref<624x128xf32, #tpu.memory_space<vmem_shared>>
      tpu.enqueue_dma source(%dma_start3A_18 : memref<624x128xf32, #tpu.memory_space<vmem_shared>>) target(%dma_start3A_16 : memref<624x128xf32, #tpu.memory_space<hbm>>) target_semaphore(%run_scoped3A : memref<!tpu.dma_semaphore, #tpu.memory_space<semaphore_mem>>)
      %dma_wait3A = arith.constant 0 : i32
      %dma_wait3A_19 = tpu.memref_slice %arg6[%arg0, %mul3A_12, %dma_wait3A] : memref<2x10000x128xf32, #tpu.memory_space<hbm>> -> memref<1x624x128xf32, #tpu.memory_space<hbm>>
      %dma_wait3A_20 = tpu.memref_squeeze %dma_wait3A_19 : memref<1x624x128xf32, #tpu.memory_space<hbm>> -> memref<624x128xf32, #tpu.memory_space<hbm>>
      %dma_wait3A_21 = arith.constant 0 : i32
      %dma_wait3A_22 = tpu.memref_slice %arg10[%mul3A_10, %dma_wait3A_21] : memref<10112x128xf32, #tpu.memory_space<vmem_shared>> -> memref<624x128xf32, #tpu.memory_space<vmem_shared>>
      tpu.wait_dma2 semaphore(%run_scoped3A : memref<!tpu.dma_semaphore, #tpu.memory_space<semaphore_mem>>) src(%dma_wait3A_22 : memref<624x128xf32, #tpu.memory_space<vmem_shared>>) dst(%dma_wait3A_20 : memref<624x128xf32, #tpu.memory_space<hbm>>)
      tpu.yield
    }) : () -> ()
    %eq3A = arith.constant 15 : i32
    %eq3A_13 = arith.cmpi eq, %arg1, %eq3A : i32
    %convert_element_type3A = arith.extui %eq3A_13 : i1 to i32
    %cond3A = arith.constant 0 : i32
    %cond3A_14 = arith.cmpi ne, %convert_element_type3A, %cond3A : i32
    scf.if %cond3A_14 {
      "tpu.region"() ({
        %run_scoped3A = tpu.sem_alloc : memref<!tpu.dma_semaphore, #tpu.memory_space<semaphore_mem>>
        %dma_start3A = arith.constant 9984 : i32
        %dma_start3A_15 = arith.constant 0 : i32
        %dma_start3A_16 = tpu.memref_slice %arg6[%arg0, %dma_start3A, %dma_start3A_15] : memref<2x10000x128xf32, #tpu.memory_space<hbm>> -> memref<1x16x128xf32, #tpu.memory_space<hbm>>
        %dma_start3A_17 = tpu.memref_squeeze %dma_start3A_16 : memref<1x16x128xf32, #tpu.memory_space<hbm>> -> memref<16x128xf32, #tpu.memory_space<hbm>>
        %dma_start3A_18 = arith.constant 9984 : i32
        %dma_start3A_19 = arith.constant 0 : i32
        %dma_start3A_20 = tpu.memref_slice %arg10[%dma_start3A_18, %dma_start3A_19] : memref<10112x128xf32, #tpu.memory_space<vmem_shared>> -> memref<16x128xf32, #tpu.memory_space<vmem_shared>>
        tpu.enqueue_dma source(%dma_start3A_20 : memref<16x128xf32, #tpu.memory_space<vmem_shared>>) target(%dma_start3A_17 : memref<16x128xf32, #tpu.memory_space<hbm>>) target_semaphore(%run_scoped3A : memref<!tpu.dma_semaphore, #tpu.memory_space<semaphore_mem>>)
        %dma_wait3A = arith.constant 9984 : i32
        %dma_wait3A_21 = arith.constant 0 : i32
        %dma_wait3A_22 = tpu.memref_slice %arg6[%arg0, %dma_wait3A, %dma_wait3A_21] : memref<2x10000x128xf32, #tpu.memory_space<hbm>> -> memref<1x16x128xf32, #tpu.memory_space<hbm>>
        %dma_wait3A_23 = tpu.memref_squeeze %dma_wait3A_22 : memref<1x16x128xf32, #tpu.memory_space<hbm>> -> memref<16x128xf32, #tpu.memory_space<hbm>>
        %dma_wait3A_24 = arith.constant 9984 : i32
        %dma_wait3A_25 = arith.constant 0 : i32
        %dma_wait3A_26 = tpu.memref_slice %arg10[%dma_wait3A_24, %dma_wait3A_25] : memref<10112x128xf32, #tpu.memory_space<vmem_shared>> -> memref<16x128xf32, #tpu.memory_space<vmem_shared>>
        tpu.wait_dma2 semaphore(%run_scoped3A : memref<!tpu.dma_semaphore, #tpu.memory_space<semaphore_mem>>) src(%dma_wait3A_26 : memref<16x128xf32, #tpu.memory_space<vmem_shared>>) dst(%dma_wait3A_23 : memref<16x128xf32, #tpu.memory_space<hbm>>)
        tpu.yield
      }) : () -> ()
    } else {
    }
    return
  }
}

#map = affine_map<(d0, d1) -> (0, 0)>
#map1 = affine_map<(d0, d1) -> (0, 0, 0)>
module attributes {stable_mosaic.version = 14 : i64} {
  func.func @k(%arg0: i32, %arg1: i32, %arg2: memref<10000x128xf32, #tpu.memory_space<hbm>>, %arg3: memref<32x79x128xi32, #tpu.memory_space<hbm>>, %arg4: memref<32x79x128xi32, #tpu.memory_space<hbm>>, %arg5: memref<632x128xf32, #tpu.memory_space<hbm>>, %arg6: memref<2x10000x128xf32, #tpu.memory_space<hbm>>, %arg7: memref<79x128xi32, #tpu.memory_space<vmem>>, %arg8: memref<79x128xi32, #tpu.memory_space<vmem>>, %arg9: memref<128x128xf32, #tpu.memory_space<vmem>>, %arg10: memref<10112x128xf32, #tpu.memory_space<vmem_shared>>, %arg11: memref<!tpu.dma_semaphore, #tpu.memory_space<semaphore_mem>>) attributes {dimension_semantics = [#tpu.dimension_semantics<core_parallel>, #tpu.dimension_semantics<subcore_parallel>], iteration_bounds = array<i64: 2, 16>, scalar_prefetch = 0 : i64, scratch_operands = 5 : i64, tpu.core_type = #tpu.core_type<sc_vector_subcore>, window_params = [{transform_indices = #map}, {transform_indices = #map1}, {transform_indices = #map1}, {transform_indices = #map}, {transform_indices = #map1}]} {
    %mul3A = arith.constant 16 : i32
    %mul3A_0 = arith.muli %arg0, %mul3A : i32
    %add3A = arith.addi %mul3A_0, %arg1 : i32
    "tpu.region"() ({
      %run_scoped3A = tpu.sem_alloc : memref<!tpu.dma_semaphore, #tpu.memory_space<semaphore_mem>>
      %dma_start3A = arith.constant 0 : i32
      %dma_start3A_15 = arith.constant 0 : i32
      %dma_start3A_16 = tpu.memref_slice %arg3[%add3A, %dma_start3A, %dma_start3A_15] : memref<32x79x128xi32, #tpu.memory_space<hbm>> -> memref<1x79x128xi32, #tpu.memory_space<hbm>>
      %dma_start3A_17 = tpu.memref_squeeze %dma_start3A_16 : memref<1x79x128xi32, #tpu.memory_space<hbm>> -> memref<79x128xi32, #tpu.memory_space<hbm>>
      %dma_start3A_18 = arith.constant 0 : i32
      %dma_start3A_19 = arith.constant 0 : i32
      %dma_start3A_20 = tpu.memref_slice %arg3[%add3A, %dma_start3A_18, %dma_start3A_19] : memref<32x79x128xi32, #tpu.memory_space<hbm>> -> memref<1x79x128xi32, #tpu.memory_space<hbm>>
      %dma_start3A_21 = tpu.memref_squeeze %dma_start3A_20 : memref<1x79x128xi32, #tpu.memory_space<hbm>> -> memref<79x128xi32, #tpu.memory_space<hbm>>
      tpu.enqueue_dma source(%dma_start3A_21 : memref<79x128xi32, #tpu.memory_space<hbm>>) target(%arg7 : memref<79x128xi32, #tpu.memory_space<vmem>>) target_semaphore(%run_scoped3A : memref<!tpu.dma_semaphore, #tpu.memory_space<semaphore_mem>>)
      %dma_wait3A = arith.constant 0 : i32
      %dma_wait3A_22 = arith.constant 0 : i32
      %dma_wait3A_23 = tpu.memref_slice %arg3[%add3A, %dma_wait3A, %dma_wait3A_22] : memref<32x79x128xi32, #tpu.memory_space<hbm>> -> memref<1x79x128xi32, #tpu.memory_space<hbm>>
      %dma_wait3A_24 = tpu.memref_squeeze %dma_wait3A_23 : memref<1x79x128xi32, #tpu.memory_space<hbm>> -> memref<79x128xi32, #tpu.memory_space<hbm>>
      %dma_wait3A_25 = arith.constant 0 : i32
      %dma_wait3A_26 = arith.constant 0 : i32
      %dma_wait3A_27 = tpu.memref_slice %arg3[%add3A, %dma_wait3A_25, %dma_wait3A_26] : memref<32x79x128xi32, #tpu.memory_space<hbm>> -> memref<1x79x128xi32, #tpu.memory_space<hbm>>
      %dma_wait3A_28 = tpu.memref_squeeze %dma_wait3A_27 : memref<1x79x128xi32, #tpu.memory_space<hbm>> -> memref<79x128xi32, #tpu.memory_space<hbm>>
      tpu.wait_dma2 semaphore(%run_scoped3A : memref<!tpu.dma_semaphore, #tpu.memory_space<semaphore_mem>>) src(%dma_wait3A_28 : memref<79x128xi32, #tpu.memory_space<hbm>>) dst(%arg7 : memref<79x128xi32, #tpu.memory_space<vmem>>)
      tpu.yield
    }) : () -> ()
    "tpu.region"() ({
      %run_scoped3A = tpu.sem_alloc : memref<!tpu.dma_semaphore, #tpu.memory_space<semaphore_mem>>
      %dma_start3A = arith.constant 0 : i32
      %dma_start3A_15 = arith.constant 0 : i32
      %dma_start3A_16 = tpu.memref_slice %arg4[%add3A, %dma_start3A, %dma_start3A_15] : memref<32x79x128xi32, #tpu.memory_space<hbm>> -> memref<1x79x128xi32, #tpu.memory_space<hbm>>
      %dma_start3A_17 = tpu.memref_squeeze %dma_start3A_16 : memref<1x79x128xi32, #tpu.memory_space<hbm>> -> memref<79x128xi32, #tpu.memory_space<hbm>>
      %dma_start3A_18 = arith.constant 0 : i32
      %dma_start3A_19 = arith.constant 0 : i32
      %dma_start3A_20 = tpu.memref_slice %arg4[%add3A, %dma_start3A_18, %dma_start3A_19] : memref<32x79x128xi32, #tpu.memory_space<hbm>> -> memref<1x79x128xi32, #tpu.memory_space<hbm>>
      %dma_start3A_21 = tpu.memref_squeeze %dma_start3A_20 : memref<1x79x128xi32, #tpu.memory_space<hbm>> -> memref<79x128xi32, #tpu.memory_space<hbm>>
      tpu.enqueue_dma source(%dma_start3A_21 : memref<79x128xi32, #tpu.memory_space<hbm>>) target(%arg8 : memref<79x128xi32, #tpu.memory_space<vmem>>) target_semaphore(%run_scoped3A : memref<!tpu.dma_semaphore, #tpu.memory_space<semaphore_mem>>)
      %dma_wait3A = arith.constant 0 : i32
      %dma_wait3A_22 = arith.constant 0 : i32
      %dma_wait3A_23 = tpu.memref_slice %arg4[%add3A, %dma_wait3A, %dma_wait3A_22] : memref<32x79x128xi32, #tpu.memory_space<hbm>> -> memref<1x79x128xi32, #tpu.memory_space<hbm>>
      %dma_wait3A_24 = tpu.memref_squeeze %dma_wait3A_23 : memref<1x79x128xi32, #tpu.memory_space<hbm>> -> memref<79x128xi32, #tpu.memory_space<hbm>>
      %dma_wait3A_25 = arith.constant 0 : i32
      %dma_wait3A_26 = arith.constant 0 : i32
      %dma_wait3A_27 = tpu.memref_slice %arg4[%add3A, %dma_wait3A_25, %dma_wait3A_26] : memref<32x79x128xi32, #tpu.memory_space<hbm>> -> memref<1x79x128xi32, #tpu.memory_space<hbm>>
      %dma_wait3A_28 = tpu.memref_squeeze %dma_wait3A_27 : memref<1x79x128xi32, #tpu.memory_space<hbm>> -> memref<79x128xi32, #tpu.memory_space<hbm>>
      tpu.wait_dma2 semaphore(%run_scoped3A : memref<!tpu.dma_semaphore, #tpu.memory_space<semaphore_mem>>) src(%dma_wait3A_28 : memref<79x128xi32, #tpu.memory_space<hbm>>) dst(%arg8 : memref<79x128xi32, #tpu.memory_space<vmem>>)
      tpu.yield
    }) : () -> ()
    %mul3A_1 = arith.constant 632 : i32
    %mul3A_2 = arith.muli %arg1, %mul3A_1 : i32
    "tpu.region"() ({
      %run_scoped3A = tpu.sem_alloc : memref<!tpu.dma_semaphore, #tpu.memory_space<semaphore_mem>>
      %dma_start3A = arith.constant 0 : i32
      %dma_start3A_15 = tpu.memref_slice %arg10[%mul3A_2, %dma_start3A] : memref<10112x128xf32, #tpu.memory_space<vmem_shared>> -> memref<632x128xf32, #tpu.memory_space<vmem_shared>>
      tpu.enqueue_dma source(%arg5 : memref<632x128xf32, #tpu.memory_space<hbm>>) target(%dma_start3A_15 : memref<632x128xf32, #tpu.memory_space<vmem_shared>>) target_semaphore(%run_scoped3A : memref<!tpu.dma_semaphore, #tpu.memory_space<semaphore_mem>>)
      %dma_wait3A = arith.constant 0 : i32
      %dma_wait3A_16 = tpu.memref_slice %arg10[%mul3A_2, %dma_wait3A] : memref<10112x128xf32, #tpu.memory_space<vmem_shared>> -> memref<632x128xf32, #tpu.memory_space<vmem_shared>>
      tpu.wait_dma2 semaphore(%run_scoped3A : memref<!tpu.dma_semaphore, #tpu.memory_space<semaphore_mem>>) src(%arg5 : memref<632x128xf32, #tpu.memory_space<hbm>>) dst(%dma_wait3A_16 : memref<632x128xf32, #tpu.memory_space<vmem_shared>>)
      tpu.yield
    }) : () -> ()
    %barrier3A = arith.constant 0 : index
    tpu.barrier barrier_id(%barrier3A)
    %scan3A = arith.constant 0 : i32
    %scan3A_3 = arith.constant 0 : i32
    %scan3A_4 = arith.constant 79 : i32
    %scan3A_5 = arith.addi %scan3A_3, %scan3A_4 : i32
    %scan3A_6 = arith.constant 1 : i32
    scf.for %scan3A_15 = %scan3A_3 to %scan3A_5 step %scan3A_6  : i32 {
      %dma_start3A = arith.constant 0 : i32
      %dma_start3A_16 = tpu.memref_slice %arg7[%scan3A_15, %dma_start3A] : memref<79x128xi32, #tpu.memory_space<vmem>> -> memref<1x128xi32, #tpu.memory_space<vmem>>
      %dma_start3A_17 = tpu.memref_squeeze %dma_start3A_16 : memref<1x128xi32, #tpu.memory_space<vmem>> -> memref<128xi32, #tpu.memory_space<vmem>>
      %dma_start3A_18 = arith.constant 0 : i32
      %dma_start3A_19 = arith.constant 0 : i32
      %dma_start3A_20 = tpu.memref_slice %arg2[%dma_start3A_18, %dma_start3A_19] : memref<10000x128xf32, #tpu.memory_space<hbm>> -> memref<10000x128xf32, #tpu.memory_space<hbm>>
      tpu.enqueue_indirect_dma source(%dma_start3A_20 : memref<10000x128xf32, #tpu.memory_space<hbm>>) target(%arg9 : memref<128x128xf32, #tpu.memory_space<vmem>>) offsets(%dma_start3A_17 : memref<128xi32, #tpu.memory_space<vmem>>) semaphore(%arg11 : memref<!tpu.dma_semaphore, #tpu.memory_space<semaphore_mem>>)
      %dma_wait3A = arith.constant 0 : i32
      %dma_wait3A_21 = tpu.memref_slice %arg7[%scan3A_15, %dma_wait3A] : memref<79x128xi32, #tpu.memory_space<vmem>> -> memref<1x128xi32, #tpu.memory_space<vmem>>
      %dma_wait3A_22 = tpu.memref_squeeze %dma_wait3A_21 : memref<1x128xi32, #tpu.memory_space<vmem>> -> memref<128xi32, #tpu.memory_space<vmem>>
      %dma_wait3A_23 = arith.constant 0 : i32
      %dma_wait3A_24 = arith.constant 0 : i32
      %dma_wait3A_25 = tpu.memref_slice %arg2[%dma_wait3A_23, %dma_wait3A_24] : memref<10000x128xf32, #tpu.memory_space<hbm>> -> memref<10000x128xf32, #tpu.memory_space<hbm>>
      tpu.wait_indirect_dma semaphore(%arg11 : memref<!tpu.dma_semaphore, #tpu.memory_space<semaphore_mem>>) src(%dma_wait3A_25 : memref<10000x128xf32, #tpu.memory_space<hbm>>) dst(%arg9 : memref<128x128xf32, #tpu.memory_space<vmem>>)
      "tpu.region"() ({
        %run_scoped3A = tpu.sem_alloc : memref<!tpu.dma_semaphore, #tpu.memory_space<semaphore_mem>>
        %dma_start3A_26 = arith.constant 0 : i32
        %dma_start3A_27 = tpu.memref_slice %arg8[%scan3A_15, %dma_start3A_26] : memref<79x128xi32, #tpu.memory_space<vmem>> -> memref<1x128xi32, #tpu.memory_space<vmem>>
        %dma_start3A_28 = tpu.memref_squeeze %dma_start3A_27 : memref<1x128xi32, #tpu.memory_space<vmem>> -> memref<128xi32, #tpu.memory_space<vmem>>
        %dma_start3A_29 = arith.constant 0 : i32
        %dma_start3A_30 = arith.constant 0 : i32
        %dma_start3A_31 = tpu.memref_slice %arg10[%dma_start3A_29, %dma_start3A_30] : memref<10112x128xf32, #tpu.memory_space<vmem_shared>> -> memref<10112x128xf32, #tpu.memory_space<vmem_shared>>
        tpu.enqueue_indirect_dma source(%arg9 : memref<128x128xf32, #tpu.memory_space<vmem>>) target(%dma_start3A_31 : memref<10112x128xf32, #tpu.memory_space<vmem_shared>>) offsets(%dma_start3A_28 : memref<128xi32, #tpu.memory_space<vmem>>) semaphore(%run_scoped3A : memref<!tpu.dma_semaphore, #tpu.memory_space<semaphore_mem>>) {add = true}
        %dma_wait3A_32 = arith.constant 0 : i32
        %dma_wait3A_33 = tpu.memref_slice %arg8[%scan3A_15, %dma_wait3A_32] : memref<79x128xi32, #tpu.memory_space<vmem>> -> memref<1x128xi32, #tpu.memory_space<vmem>>
        %dma_wait3A_34 = tpu.memref_squeeze %dma_wait3A_33 : memref<1x128xi32, #tpu.memory_space<vmem>> -> memref<128xi32, #tpu.memory_space<vmem>>
        %dma_wait3A_35 = arith.constant 0 : i32
        %dma_wait3A_36 = arith.constant 0 : i32
        %dma_wait3A_37 = tpu.memref_slice %arg10[%dma_wait3A_35, %dma_wait3A_36] : memref<10112x128xf32, #tpu.memory_space<vmem_shared>> -> memref<10112x128xf32, #tpu.memory_space<vmem_shared>>
        tpu.wait_indirect_dma semaphore(%run_scoped3A : memref<!tpu.dma_semaphore, #tpu.memory_space<semaphore_mem>>) src(%arg9 : memref<128x128xf32, #tpu.memory_space<vmem>>) dst(%dma_wait3A_37 : memref<10112x128xf32, #tpu.memory_space<vmem_shared>>)
        tpu.yield
      }) : () -> ()
    }
    %scan3A_7 = arith.constant 79 : i32
    %barrier3A_8 = arith.constant 0 : index
    tpu.barrier barrier_id(%barrier3A_8)
    %mul3A_9 = arith.constant 624 : i32
    %mul3A_10 = arith.muli %arg1, %mul3A_9 : i32
    %mul3A_11 = arith.constant 624 : i32
    %mul3A_12 = arith.muli %arg1, %mul3A_11 : i32
    "tpu.region"() ({
      %run_scoped3A = tpu.sem_alloc : memref<!tpu.dma_semaphore, #tpu.memory_space<semaphore_mem>>
      %dma_start3A = arith.constant 0 : i32
      %dma_start3A_15 = tpu.memref_slice %arg6[%arg0, %mul3A_12, %dma_start3A] : memref<2x10000x128xf32, #tpu.memory_space<hbm>> -> memref<1x624x128xf32, #tpu.memory_space<hbm>>
      %dma_start3A_16 = tpu.memref_squeeze %dma_start3A_15 : memref<1x624x128xf32, #tpu.memory_space<hbm>> -> memref<624x128xf32, #tpu.memory_space<hbm>>
      %dma_start3A_17 = arith.constant 0 : i32
      %dma_start3A_18 = tpu.memref_slice %arg10[%mul3A_10, %dma_start3A_17] : memref<10112x128xf32, #tpu.memory_space<vmem_shared>> -> memref<624x128xf32, #tpu.memory_space<vmem_shared>>
      tpu.enqueue_dma source(%dma_start3A_18 : memref<624x128xf32, #tpu.memory_space<vmem_shared>>) target(%dma_start3A_16 : memref<624x128xf32, #tpu.memory_space<hbm>>) target_semaphore(%run_scoped3A : memref<!tpu.dma_semaphore, #tpu.memory_space<semaphore_mem>>)
      %dma_wait3A = arith.constant 0 : i32
      %dma_wait3A_19 = tpu.memref_slice %arg6[%arg0, %mul3A_12, %dma_wait3A] : memref<2x10000x128xf32, #tpu.memory_space<hbm>> -> memref<1x624x128xf32, #tpu.memory_space<hbm>>
      %dma_wait3A_20 = tpu.memref_squeeze %dma_wait3A_19 : memref<1x624x128xf32, #tpu.memory_space<hbm>> -> memref<624x128xf32, #tpu.memory_space<hbm>>
      %dma_wait3A_21 = arith.constant 0 : i32
      %dma_wait3A_22 = tpu.memref_slice %arg10[%mul3A_10, %dma_wait3A_21] : memref<10112x128xf32, #tpu.memory_space<vmem_shared>> -> memref<624x128xf32, #tpu.memory_space<vmem_shared>>
      tpu.wait_dma2 semaphore(%run_scoped3A : memref<!tpu.dma_semaphore, #tpu.memory_space<semaphore_mem>>) src(%dma_wait3A_22 : memref<624x128xf32, #tpu.memory_space<vmem_shared>>) dst(%dma_wait3A_20 : memref<624x128xf32, #tpu.memory_space<hbm>>)
      tpu.yield
    }) : () -> ()
    %eq3A = arith.constant 15 : i32
    %eq3A_13 = arith.cmpi eq, %arg1, %eq3A : i32
    %convert_element_type3A = arith.extui %eq3A_13 : i1 to i32
    %cond3A = arith.constant 0 : i32
    %cond3A_14 = arith.cmpi ne, %convert_element_type3A, %cond3A : i32
    scf.if %cond3A_14 {
      "tpu.region"() ({
        %run_scoped3A = tpu.sem_alloc : memref<!tpu.dma_semaphore, #tpu.memory_space<semaphore_mem>>
        %dma_start3A = arith.constant 9984 : i32
        %dma_start3A_15 = arith.constant 0 : i32
        %dma_start3A_16 = tpu.memref_slice %arg6[%arg0, %dma_start3A, %dma_start3A_15] : memref<2x10000x128xf32, #tpu.memory_space<hbm>> -> memref<1x16x128xf32, #tpu.memory_space<hbm>>
        %dma_start3A_17 = tpu.memref_squeeze %dma_start3A_16 : memref<1x16x128xf32, #tpu.memory_space<hbm>> -> memref<16x128xf32, #tpu.memory_space<hbm>>
        %dma_start3A_18 = arith.constant 9984 : i32
        %dma_start3A_19 = arith.constant 0 : i32
        %dma_start3A_20 = tpu.memref_slice %arg10[%dma_start3A_18, %dma_start3A_19] : memref<10112x128xf32, #tpu.memory_space<vmem_shared>> -> memref<16x128xf32, #tpu.memory_space<vmem_shared>>
        tpu.enqueue_dma source(%dma_start3A_20 : memref<16x128xf32, #tpu.memory_space<vmem_shared>>) target(%dma_start3A_17 : memref<16x128xf32, #tpu.memory_space<hbm>>) target_semaphore(%run_scoped3A : memref<!tpu.dma_semaphore, #tpu.memory_space<semaphore_mem>>)
        %dma_wait3A = arith.constant 9984 : i32
        %dma_wait3A_21 = arith.constant 0 : i32
        %dma_wait3A_22 = tpu.memref_slice %arg6[%arg0, %dma_wait3A, %dma_wait3A_21] : memref<2x10000x128xf32, #tpu.memory_space<hbm>> -> memref<1x16x128xf32, #tpu.memory_space<hbm>>
        %dma_wait3A_23 = tpu.memref_squeeze %dma_wait3A_22 : memref<1x16x128xf32, #tpu.memory_space<hbm>> -> memref<16x128xf32, #tpu.memory_space<hbm>>
        %dma_wait3A_24 = arith.constant 9984 : i32
        %dma_wait3A_25 = arith.constant 0 : i32
        %dma_wait3A_26 = tpu.memref_slice %arg10[%dma_wait3A_24, %dma_wait3A_25] : memref<10112x128xf32, #tpu.memory_space<vmem_shared>> -> memref<16x128xf32, #tpu.memory_space<vmem_shared>>
        tpu.wait_dma2 semaphore(%run_scoped3A : memref<!tpu.dma_semaphore, #tpu.memory_space<semaphore_mem>>) src(%dma_wait3A_26 : memref<16x128xf32, #tpu.memory_space<vmem_shared>>) dst(%dma_wait3A_23 : memref<16x128xf32, #tpu.memory_space<hbm>>)
        tpu.yield
      }) : () -> ()
    } else {
    }
    return
  }
}

module attributes {stable_mosaic.version = 14 : i64} {
  func.func @_embed_body(%arg0: i32, %arg1: memref<2000x1xi32, #tpu.memory_space<vmem>>, %arg2: memref<2000x8xf32, #tpu.memory_space<vmem>>, %arg3: memref<128x128xf32, #tpu.memory_space<vmem>>, %arg4: memref<8x128xf32, #tpu.memory_space<vmem>>, %arg5: memref<1x128xf32, #tpu.memory_space<vmem>>, %arg6: memref<2000x128xf32, #tpu.memory_space<vmem>>) attributes {dimension_semantics = [#tpu.dimension_semantics<arbitrary>], iteration_bounds = array<i64: 5>, scalar_prefetch = 0 : i64, scratch_operands = 0 : i64, tpu.core_type = #tpu.core_type<tc>, window_params = [{transform_indices = @transform_0, window_bounds = array<i64: 2000, 1>}, {transform_indices = @transform_1, window_bounds = array<i64: 2000, 8>}, {pipeline_mode = #tpu.pipeline_mode<synchronous>, transform_indices = @transform_2, window_bounds = array<i64: 128, 128>}, {pipeline_mode = #tpu.pipeline_mode<synchronous>, transform_indices = @transform_3, window_bounds = array<i64: 8, 128>}, {pipeline_mode = #tpu.pipeline_mode<synchronous>, transform_indices = @transform_4, window_bounds = array<i64: 1, 128>}, {transform_indices = @transform_5, window_bounds = array<i64: 2000, 128>}]} {
    %get3A = arith.constant 0 : index
    %get3A_0 = arith.constant 0 : index
    %get3A_1 = vector.load %arg1[%get3A, %get3A_0] : memref<2000x1xi32, #tpu.memory_space<vmem>>, vector<2000x1xi32>
    %iota3A = tpu.iota {dimensions = array<i32: 1>} : vector<2000x128xi32>
    %eq3A = vector.broadcast %get3A_1 : vector<2000x1xi32> to vector<2000x128xi32>
    %eq3A_2 = arith.cmpi eq, %eq3A, %iota3A : vector<2000x128xi32>
    %convert_element_type3A = arith.extui %eq3A_2 : vector<2000x128xi1> to vector<2000x128xi32>
    %convert_element_type3A_3 = arith.sitofp %convert_element_type3A : vector<2000x128xi32> to vector<2000x128xf32>
    %get3A_4 = arith.constant 0 : index
    %get3A_5 = arith.constant 0 : index
    %get3A_6 = vector.load %arg3[%get3A_4, %get3A_5] : memref<128x128xf32, #tpu.memory_space<vmem>>, vector<128x128xf32>
    %dot_general3A = arith.constant dense<0.000000e+00> : vector<2000x128xf32>
    %dot_general3A_7 = tpu.matmul %convert_element_type3A_3, %get3A_6, %dot_general3A {dimension_numbers = #tpu.dot_dimension_numbers<[1], [0], [0], [1], [0, 0, 1, 1], [], []>, transpose_lhs_hint = false} : vector<2000x128xf32>, vector<128x128xf32>, vector<2000x128xf32> -> vector<2000x128xf32>
    %get3A_8 = arith.constant 0 : index
    %get3A_9 = arith.constant 0 : index
    %get3A_10 = vector.load %arg2[%get3A_8, %get3A_9] : memref<2000x8xf32, #tpu.memory_space<vmem>>, vector<2000x8xf32>
    %get3A_11 = arith.constant 0 : index
    %get3A_12 = arith.constant 0 : index
    %get3A_13 = vector.load %arg4[%get3A_11, %get3A_12] : memref<8x128xf32, #tpu.memory_space<vmem>>, vector<8x128xf32>
    %dot_general3A_14 = arith.constant dense<0.000000e+00> : vector<2000x128xf32>
    %dot_general3A_15 = tpu.matmul %get3A_10, %get3A_13, %dot_general3A_14 {dimension_numbers = #tpu.dot_dimension_numbers<[1], [0], [0], [1], [0, 0, 1, 1], [], []>, transpose_lhs_hint = false} : vector<2000x8xf32>, vector<8x128xf32>, vector<2000x128xf32> -> vector<2000x128xf32>
    %add3A = arith.addf %dot_general3A_7, %dot_general3A_15 : vector<2000x128xf32>
    %get3A_16 = arith.constant 0 : index
    %get3A_17 = arith.constant 0 : index
    %get3A_18 = vector.load %arg5[%get3A_16, %get3A_17] : memref<1x128xf32, #tpu.memory_space<vmem>>, vector<1x128xf32>
    %add3A_19 = vector.broadcast %get3A_18 : vector<1x128xf32> to vector<2000x128xf32>
    %add3A_20 = arith.addf %add3A, %add3A_19 : vector<2000x128xf32>
    %swap3A = arith.constant 0 : index
    %swap3A_21 = arith.constant 0 : index
    %swap3A_22 = vector.load %arg6[%swap3A, %swap3A_21] : memref<2000x128xf32, #tpu.memory_space<vmem>>, vector<2000x128xf32>
    tpu.vector_store %arg6[%swap3A, %swap3A_21], %add3A_20 {strides = array<i32>} : memref<2000x128xf32, #tpu.memory_space<vmem>>, vector<2000x128xf32>,
    return
  }
  func.func @transform_0(%arg0: i32) -> (i32, i32) {
    %c0_i32 = arith.constant 0 : i32
    %c0_i32_0 = arith.constant 0 : i32
    return %arg0, %c0_i32 : i32, i32
  }
  func.func @transform_1(%arg0: i32) -> (i32, i32) {
    %c0_i32 = arith.constant 0 : i32
    %c0_i32_0 = arith.constant 0 : i32
    return %arg0, %c0_i32 : i32, i32
  }
  func.func @transform_2(%arg0: i32) -> (i32, i32) {
    %c0_i32 = arith.constant 0 : i32
    %c0_i32_0 = arith.constant 0 : i32
    %c0_i32_1 = arith.constant 0 : i32
    return %c0_i32, %c0_i32_0 : i32, i32
  }
  func.func @transform_3(%arg0: i32) -> (i32, i32) {
    %c0_i32 = arith.constant 0 : i32
    %c0_i32_0 = arith.constant 0 : i32
    %c0_i32_1 = arith.constant 0 : i32
    return %c0_i32, %c0_i32_0 : i32, i32
  }
  func.func @transform_4(%arg0: i32) -> (i32, i32) {
    %c0_i32 = arith.constant 0 : i32
    %c0_i32_0 = arith.constant 0 : i32
    %c0_i32_1 = arith.constant 0 : i32
    return %c0_i32, %c0_i32_0 : i32, i32
  }
  func.func @transform_5(%arg0: i32) -> (i32, i32) {
    %c0_i32 = arith.constant 0 : i32
    %c0_i32_0 = arith.constant 0 : i32
    return %arg0, %c0_i32 : i32, i32
  }
}

module attributes {stable_mosaic.version = 14 : i64} {
  func.func @_layer_mm_body(%arg0: i32, %arg1: memref<2x2000x128xf32, #tpu.memory_space<vmem>>, %arg2: memref<2000x128xf32, #tpu.memory_space<vmem>>, %arg3: memref<2x2000x128xf32, #tpu.memory_space<vmem>>, %arg4: memref<2x128xf32, #tpu.memory_space<vmem>>, %arg5: memref<128x256xf32, #tpu.memory_space<vmem>>, %arg6: memref<1x256xf32, #tpu.memory_space<vmem>>, %arg7: memref<256x128xf32, #tpu.memory_space<vmem>>, %arg8: memref<1x128xf32, #tpu.memory_space<vmem>>, %arg9: memref<2000x128xf32, #tpu.memory_space<vmem>>, %arg10: memref<8x128xf32, #tpu.memory_space<vmem>>, %arg11: memref<8x128xf32, #tpu.memory_space<vmem>>) attributes {dimension_semantics = [#tpu.dimension_semantics<arbitrary>], iteration_bounds = array<i64: 5>, scalar_prefetch = 0 : i64, scratch_operands = 1 : i64, tpu.core_type = #tpu.core_type<tc>, window_params = [{transform_indices = @transform_0, window_bounds = array<i64: 2, 2000, 128>}, {transform_indices = @transform_1, window_bounds = array<i64: 2000, 128>}, {transform_indices = @transform_2, window_bounds = array<i64: 2, 2000, 128>}, {pipeline_mode = #tpu.pipeline_mode<synchronous>, transform_indices = @transform_3, window_bounds = array<i64: 2, 128>}, {pipeline_mode = #tpu.pipeline_mode<synchronous>, transform_indices = @transform_4, window_bounds = array<i64: 128, 256>}, {pipeline_mode = #tpu.pipeline_mode<synchronous>, transform_indices = @transform_5, window_bounds = array<i64: 1, 256>}, {pipeline_mode = #tpu.pipeline_mode<synchronous>, transform_indices = @transform_6, window_bounds = array<i64: 256, 128>}, {pipeline_mode = #tpu.pipeline_mode<synchronous>, transform_indices = @transform_7, window_bounds = array<i64: 1, 128>}, {transform_indices = @transform_8, window_bounds = array<i64: 2000, 128>}, {pipeline_mode = #tpu.pipeline_mode<synchronous>, transform_indices = @transform_9, window_bounds = array<i64: 8, 128>}]} {
    %get3A = arith.constant 0 : index
    %get3A_0 = arith.constant 0 : index
    %get3A_1 = arith.constant 0 : index
    %get3A_2 = vector.load %arg3[%get3A, %get3A_0, %get3A_1] : memref<2x2000x128xf32, #tpu.memory_space<vmem>>, vector<1x2000x128xf32>
    %get3A_3 = vector.shape_cast %get3A_2 : vector<1x2000x128xf32> to vector<2000x128xf32>
    %get3A_4 = arith.constant 1 : index
    %get3A_5 = arith.constant 0 : index
    %get3A_6 = arith.constant 0 : index
    %get3A_7 = vector.load %arg3[%get3A_4, %get3A_5, %get3A_6] : memref<2x2000x128xf32, #tpu.memory_space<vmem>>, vector<1x2000x128xf32>
    %get3A_8 = vector.shape_cast %get3A_7 : vector<1x2000x128xf32> to vector<2000x128xf32>
    %add3A = arith.addf %get3A_3, %get3A_8 : vector<2000x128xf32>
    %slice3A = vector.extract_strided_slice %add3A {offsets = [0, 0], sizes = [2000, 1], strides = [1, 1]} : vector<2000x128xf32> to vector<2000x1xf32>
    %slice3A_9 = vector.extract_strided_slice %add3A {offsets = [0, 1], sizes = [2000, 1], strides = [1, 1]} : vector<2000x128xf32> to vector<2000x1xf32>
    %get3A_10 = arith.constant 0 : index
    %get3A_11 = arith.constant 0 : index
    %get3A_12 = vector.load %arg4[%get3A_10, %get3A_11] : memref<2x128xf32, #tpu.memory_space<vmem>>, vector<1x128xf32>
    %get3A_13 = arith.constant 1 : index
    %get3A_14 = arith.constant 0 : index
    %get3A_15 = vector.load %arg4[%get3A_13, %get3A_14] : memref<2x128xf32, #tpu.memory_space<vmem>>, vector<1x128xf32>
    %get3A_16 = arith.constant 0 : index
    %get3A_17 = arith.constant 0 : index
    %get3A_18 = arith.constant 0 : index
    %get3A_19 = vector.load %arg1[%get3A_16, %get3A_17, %get3A_18] : memref<2x2000x128xf32, #tpu.memory_space<vmem>>, vector<1x2000x128xf32>
    %get3A_20 = vector.shape_cast %get3A_19 : vector<1x2000x128xf32> to vector<2000x128xf32>
    %get3A_21 = arith.constant 1 : index
    %get3A_22 = arith.constant 0 : index
    %get3A_23 = arith.constant 0 : index
    %get3A_24 = vector.load %arg1[%get3A_21, %get3A_22, %get3A_23] : memref<2x2000x128xf32, #tpu.memory_space<vmem>>, vector<1x2000x128xf32>
    %get3A_25 = vector.shape_cast %get3A_24 : vector<1x2000x128xf32> to vector<2000x128xf32>
    %add3A_26 = arith.addf %get3A_20, %get3A_25 : vector<2000x128xf32>
    %get3A_27 = arith.constant 0 : index
    %get3A_28 = arith.constant 0 : index
    %get3A_29 = vector.load %arg2[%get3A_27, %get3A_28] : memref<2000x128xf32, #tpu.memory_space<vmem>>, vector<2000x128xf32>
    %add3A_30 = arith.addf %add3A_26, %get3A_29 : vector<2000x128xf32>
    %mul3A = vector.broadcast %slice3A : vector<2000x1xf32> to vector<2000x128xf32>
    %mul3A_31 = vector.broadcast %get3A_12 : vector<1x128xf32> to vector<2000x128xf32>
    %mul3A_32 = arith.mulf %mul3A, %mul3A_31 : vector<2000x128xf32>
    %add3A_33 = arith.addf %add3A_30, %mul3A_32 : vector<2000x128xf32>
    %sub3A = arith.subf %get3A_15, %get3A_12 : vector<1x128xf32>
    %mul3A_34 = vector.broadcast %slice3A_9 : vector<2000x1xf32> to vector<2000x128xf32>
    %mul3A_35 = vector.broadcast %sub3A : vector<1x128xf32> to vector<2000x128xf32>
    %mul3A_36 = arith.mulf %mul3A_34, %mul3A_35 : vector<2000x128xf32>
    %add3A_37 = arith.addf %add3A_33, %mul3A_36 : vector<2000x128xf32>
    %add3A_38 = vector.broadcast %get3A_15 : vector<1x128xf32> to vector<2000x128xf32>
    %add3A_39 = arith.addf %add3A_37, %add3A_38 : vector<2000x128xf32>
    %get3A_40 = arith.constant 0 : index
    %get3A_41 = arith.constant 0 : index
    %get3A_42 = vector.load %arg5[%get3A_40, %get3A_41] : memref<128x256xf32, #tpu.memory_space<vmem>>, vector<128x256xf32>
    %dot_general3A = arith.constant dense<0.000000e+00> : vector<2000x256xf32>
    %dot_general3A_43 = tpu.matmul %add3A_39, %get3A_42, %dot_general3A {dimension_numbers = #tpu.dot_dimension_numbers<[1], [0], [0], [1], [0, 0, 1, 1], [], []>, transpose_lhs_hint = false} : vector<2000x128xf32>, vector<128x256xf32>, vector<2000x256xf32> -> vector<2000x256xf32>
    %get3A_44 = arith.constant 0 : index
    %get3A_45 = arith.constant 0 : index
    %get3A_46 = vector.load %arg6[%get3A_44, %get3A_45] : memref<1x256xf32, #tpu.memory_space<vmem>>, vector<1x256xf32>
    %add3A_47 = vector.broadcast %get3A_46 : vector<1x256xf32> to vector<2000x256xf32>
    %add3A_48 = arith.addf %dot_general3A_43, %add3A_47 : vector<2000x256xf32>
    %max3A = arith.constant 0.000000e+00 : f32
    %max3A_49 = vector.broadcast %max3A : f32 to vector<2000x256xf32>
    %max3A_50 = arith.maximumf %add3A_48, %max3A_49 : vector<2000x256xf32>
    %abs3A = math.absf %add3A_48 : vector<2000x256xf32>
    %neg3A = arith.constant 0.000000e+00 : f32
    %neg3A_51 = vector.broadcast %neg3A : f32 to vector<2000x256xf32>
    %neg3A_52 = arith.subf %neg3A_51, %abs3A : vector<2000x256xf32>
    %exp3A = math.exp %neg3A_52 : vector<2000x256xf32>
    %log1p3A = math.log1p %exp3A : vector<2000x256xf32>
    %add3A_53 = arith.addf %max3A_50, %log1p3A : vector<2000x256xf32>
    %get3A_54 = arith.constant 0 : index
    %get3A_55 = arith.constant 0 : index
    %get3A_56 = vector.load %arg7[%get3A_54, %get3A_55] : memref<256x128xf32, #tpu.memory_space<vmem>>, vector<256x128xf32>
    %dot_general3A_57 = arith.constant dense<0.000000e+00> : vector<2000x128xf32>
    %dot_general3A_58 = tpu.matmul %add3A_53, %get3A_56, %dot_general3A_57 {dimension_numbers = #tpu.dot_dimension_numbers<[1], [0], [0], [1], [0, 0, 1, 1], [], []>, transpose_lhs_hint = false} : vector<2000x256xf32>, vector<256x128xf32>, vector<2000x128xf32> -> vector<2000x128xf32>
    %get3A_59 = arith.constant 0 : index
    %get3A_60 = arith.constant 0 : index
    %get3A_61 = vector.load %arg8[%get3A_59, %get3A_60] : memref<1x128xf32, #tpu.memory_space<vmem>>, vector<1x128xf32>
    %add3A_62 = vector.broadcast %get3A_61 : vector<1x128xf32> to vector<2000x128xf32>
    %add3A_63 = arith.addf %dot_general3A_58, %add3A_62 : vector<2000x128xf32>
    %swap3A = arith.constant 0 : index
    %swap3A_64 = arith.constant 0 : index
    %swap3A_65 = vector.load %arg9[%swap3A, %swap3A_64] : memref<2000x128xf32, #tpu.memory_space<vmem>>, vector<2000x128xf32>
    tpu.vector_store %arg9[%swap3A, %swap3A_64], %add3A_63 {strides = array<i32>} : memref<2000x128xf32, #tpu.memory_space<vmem>>, vector<2000x128xf32>,
    %eq3A = arith.constant 0 : i32
    %eq3A_66 = arith.cmpi eq, %arg0, %eq3A : i32
    %convert_element_type3A = arith.extui %eq3A_66 : i1 to i32
    %cond3A = arith.constant 0 : i32
    %cond3A_67 = arith.cmpi ne, %convert_element_type3A, %cond3A : i32
    scf.if %cond3A_67 {
      %broadcast_in_dim3A_92 = arith.constant 0.000000e+00 : f32
      %broadcast_in_dim3A_93 = vector.broadcast %broadcast_in_dim3A_92 : f32 to vector<8x128xf32>
      %swap3A_94 = arith.constant 0 : index
      %swap3A_95 = arith.constant 0 : index
      %swap3A_96 = vector.load %arg11[%swap3A_94, %swap3A_95] : memref<8x128xf32, #tpu.memory_space<vmem>>, vector<8x128xf32>
      tpu.vector_store %arg11[%swap3A_94, %swap3A_95], %broadcast_in_dim3A_93 {strides = array<i32>} : memref<8x128xf32, #tpu.memory_space<vmem>>, vector<8x128xf32>,
    } else {
    }
    %get3A_68 = arith.constant 0 : index
    %get3A_69 = arith.constant 0 : index
    %get3A_70 = vector.load %arg11[%get3A_68, %get3A_69] : memref<8x128xf32, #tpu.memory_space<vmem>>, vector<1x128xf32>
    %reduce_sum3A = arith.constant dense<0.000000e+00> : vector<128xf32>
    %reduce_sum3A_71 = vector.multi_reduction <add>, %add3A_63, %reduce_sum3A [0] : vector<2000x128xf32> to vector<128xf32>
    %broadcast_in_dim3A = vector.shape_cast %reduce_sum3A_71 : vector<128xf32> to vector<1x128xf32>
    %add3A_72 = arith.addf %get3A_70, %broadcast_in_dim3A : vector<1x128xf32>
    %swap3A_73 = arith.constant 0 : index
    %swap3A_74 = arith.constant 0 : index
    %swap3A_75 = vector.load %arg11[%swap3A_73, %swap3A_74] : memref<8x128xf32, #tpu.memory_space<vmem>>, vector<1x128xf32>
    tpu.vector_store %arg11[%swap3A_73, %swap3A_74], %add3A_72 {strides = array<i32>} : memref<8x128xf32, #tpu.memory_space<vmem>>, vector<1x128xf32>,
    %get3A_76 = arith.constant 1 : index
    %get3A_77 = arith.constant 0 : index
    %get3A_78 = vector.load %arg11[%get3A_76, %get3A_77] : memref<8x128xf32, #tpu.memory_space<vmem>>, vector<1x128xf32>
    %mul3A_79 = arith.mulf %add3A_63, %add3A_63 : vector<2000x128xf32>
    %reduce_sum3A_80 = arith.constant dense<0.000000e+00> : vector<128xf32>
    %reduce_sum3A_81 = vector.multi_reduction <add>, %mul3A_79, %reduce_sum3A_80 [0] : vector<2000x128xf32> to vector<128xf32>
    %broadcast_in_dim3A_82 = vector.shape_cast %reduce_sum3A_81 : vector<128xf32> to vector<1x128xf32>
    %add3A_83 = arith.addf %get3A_78, %broadcast_in_dim3A_82 : vector<1x128xf32>
    %swap3A_84 = arith.constant 1 : index
    %swap3A_85 = arith.constant 0 : index
    %swap3A_86 = vector.load %arg11[%swap3A_84, %swap3A_85] : memref<8x128xf32, #tpu.memory_space<vmem>>, vector<1x128xf32>
    tpu.vector_store %arg11[%swap3A_84, %swap3A_85], %add3A_83 {strides = array<i32>} : memref<8x128xf32, #tpu.memory_space<vmem>>, vector<1x128xf32>,
    %eq3A_87 = arith.constant 4 : i32
    %eq3A_88 = arith.cmpi eq, %arg0, %eq3A_87 : i32
    %convert_element_type3A_89 = arith.extui %eq3A_88 : i1 to i32
    %cond3A_90 = arith.constant 0 : i32
    %cond3A_91 = arith.cmpi ne, %convert_element_type3A_89, %cond3A_90 : i32
    scf.if %cond3A_91 {
      %get3A_92 = arith.constant 0 : index
      %get3A_93 = arith.constant 0 : index
      %get3A_94 = vector.load %arg11[%get3A_92, %get3A_93] : memref<8x128xf32, #tpu.memory_space<vmem>>, vector<8x128xf32>
      %swap3A_95 = arith.constant 0 : index
      %swap3A_96 = arith.constant 0 : index
      %swap3A_97 = vector.load %arg10[%swap3A_95, %swap3A_96] : memref<8x128xf32, #tpu.memory_space<vmem>>, vector<8x128xf32>
      tpu.vector_store %arg10[%swap3A_95, %swap3A_96], %get3A_94 {strides = array<i32>} : memref<8x128xf32, #tpu.memory_space<vmem>>, vector<8x128xf32>,
    } else {
    }
    return
  }
  func.func @transform_0(%arg0: i32) -> (i32, i32, i32) {
    %c0_i32 = arith.constant 0 : i32
    %c0_i32_0 = arith.constant 0 : i32
    %c0_i32_1 = arith.constant 0 : i32
    return %c0_i32, %arg0, %c0_i32_0 : i32, i32, i32
  }
  func.func @transform_1(%arg0: i32) -> (i32, i32) {
    %c0_i32 = arith.constant 0 : i32
    %c0_i32_0 = arith.constant 0 : i32
    return %arg0, %c0_i32 : i32, i32
  }
  func.func @transform_2(%arg0: i32) -> (i32, i32, i32) {
    %c0_i32 = arith.constant 0 : i32
    %c0_i32_0 = arith.constant 0 : i32
    %c0_i32_1 = arith.constant 0 : i32
    return %c0_i32, %arg0, %c0_i32_0 : i32, i32, i32
  }
  func.func @transform_3(%arg0: i32) -> (i32, i32) {
    %c0_i32 = arith.constant 0 : i32
    %c0_i32_0 = arith.constant 0 : i32
    %c0_i32_1 = arith.constant 0 : i32
    return %c0_i32, %c0_i32_0 : i32, i32
  }
  func.func @transform_4(%arg0: i32) -> (i32, i32) {
    %c0_i32 = arith.constant 0 : i32
    %c0_i32_0 = arith.constant 0 : i32
    %c0_i32_1 = arith.constant 0 : i32
    return %c0_i32, %c0_i32_0 : i32, i32
  }
  func.func @transform_5(%arg0: i32) -> (i32, i32) {
    %c0_i32 = arith.constant 0 : i32
    %c0_i32_0 = arith.constant 0 : i32
    %c0_i32_1 = arith.constant 0 : i32
    return %c0_i32, %c0_i32_0 : i32, i32
  }
  func.func @transform_6(%arg0: i32) -> (i32, i32) {
    %c0_i32 = arith.constant 0 : i32
    %c0_i32_0 = arith.constant 0 : i32
    %c0_i32_1 = arith.constant 0 : i32
    return %c0_i32, %c0_i32_0 : i32, i32
  }
  func.func @transform_7(%arg0: i32) -> (i32, i32) {
    %c0_i32 = arith.constant 0 : i32
    %c0_i32_0 = arith.constant 0 : i32
    %c0_i32_1 = arith.constant 0 : i32
    return %c0_i32, %c0_i32_0 : i32, i32
  }
  func.func @transform_8(%arg0: i32) -> (i32, i32) {
    %c0_i32 = arith.constant 0 : i32
    %c0_i32_0 = arith.constant 0 : i32
    return %arg0, %c0_i32 : i32, i32
  }
  func.func @transform_9(%arg0: i32) -> (i32, i32) {
    %c0_i32 = arith.constant 0 : i32
    %c0_i32_0 = arith.constant 0 : i32
    %c0_i32_1 = arith.constant 0 : i32
    return %c0_i32, %c0_i32_0 : i32, i32
  }
}

module attributes {stable_mosaic.version = 14 : i64} {
  func.func @body(%arg0: i32, %arg1: memref<2000x128xf32, #tpu.memory_space<vmem>>, %arg2: memref<8x128xf32, #tpu.memory_space<vmem>>, %arg3: memref<1x128xf32, #tpu.memory_space<vmem>>, %arg4: memref<1x128xf32, #tpu.memory_space<vmem>>, %arg5: memref<2000x128xf32, #tpu.memory_space<vmem>>) attributes {dimension_semantics = [#tpu.dimension_semantics<arbitrary>], iteration_bounds = array<i64: 5>, scalar_prefetch = 0 : i64, scratch_operands = 0 : i64, tpu.core_type = #tpu.core_type<tc>, window_params = [{transform_indices = @transform_0, window_bounds = array<i64: 2000, 128>}, {pipeline_mode = #tpu.pipeline_mode<synchronous>, transform_indices = @transform_1, window_bounds = array<i64: 8, 128>}, {pipeline_mode = #tpu.pipeline_mode<synchronous>, transform_indices = @transform_2, window_bounds = array<i64: 1, 128>}, {pipeline_mode = #tpu.pipeline_mode<synchronous>, transform_indices = @transform_3, window_bounds = array<i64: 1, 128>}, {transform_indices = @transform_4, window_bounds = array<i64: 2000, 128>}]} {
    %get3A = arith.constant 0 : index
    %get3A_0 = arith.constant 0 : index
    %get3A_1 = vector.load %arg2[%get3A, %get3A_0] : memref<8x128xf32, #tpu.memory_space<vmem>>, vector<1x128xf32>
    %div3A = arith.constant 1.000000e+04 : f32
    %div3A_2 = vector.broadcast %div3A : f32 to vector<1x128xf32>
    %div3A_3 = arith.divf %get3A_1, %div3A_2 : vector<1x128xf32>
    %get3A_4 = arith.constant 1 : index
    %get3A_5 = arith.constant 0 : index
    %get3A_6 = vector.load %arg2[%get3A_4, %get3A_5] : memref<8x128xf32, #tpu.memory_space<vmem>>, vector<1x128xf32>
    %div3A_7 = arith.constant 1.000000e+04 : f32
    %div3A_8 = vector.broadcast %div3A_7 : f32 to vector<1x128xf32>
    %div3A_9 = arith.divf %get3A_6, %div3A_8 : vector<1x128xf32>
    %mul3A = arith.mulf %div3A_3, %div3A_3 : vector<1x128xf32>
    %sub3A = arith.subf %div3A_9, %mul3A : vector<1x128xf32>
    %add3A = arith.constant 9.99999974E-6 : f32
    %add3A_10 = vector.broadcast %add3A : f32 to vector<1x128xf32>
    %add3A_11 = arith.addf %sub3A, %add3A_10 : vector<1x128xf32>
    %rsqrt3A = math.rsqrt %add3A_11 : vector<1x128xf32>
    %get3A_12 = arith.constant 0 : index
    %get3A_13 = arith.constant 0 : index
    %get3A_14 = vector.load %arg1[%get3A_12, %get3A_13] : memref<2000x128xf32, #tpu.memory_space<vmem>>, vector<2000x128xf32>
    %sub3A_15 = vector.broadcast %div3A_3 : vector<1x128xf32> to vector<2000x128xf32>
    %sub3A_16 = arith.subf %get3A_14, %sub3A_15 : vector<2000x128xf32>
    %get3A_17 = arith.constant 0 : index
    %get3A_18 = arith.constant 0 : index
    %get3A_19 = vector.load %arg3[%get3A_17, %get3A_18] : memref<1x128xf32, #tpu.memory_space<vmem>>, vector<1x128xf32>
    %mul3A_20 = arith.mulf %rsqrt3A, %get3A_19 : vector<1x128xf32>
    %mul3A_21 = vector.broadcast %mul3A_20 : vector<1x128xf32> to vector<2000x128xf32>
    %mul3A_22 = arith.mulf %sub3A_16, %mul3A_21 : vector<2000x128xf32>
    %get3A_23 = arith.constant 0 : index
    %get3A_24 = arith.constant 0 : index
    %get3A_25 = vector.load %arg4[%get3A_23, %get3A_24] : memref<1x128xf32, #tpu.memory_space<vmem>>, vector<1x128xf32>
    %add3A_26 = vector.broadcast %get3A_25 : vector<1x128xf32> to vector<2000x128xf32>
    %add3A_27 = arith.addf %mul3A_22, %add3A_26 : vector<2000x128xf32>
    %max3A = arith.constant 0.000000e+00 : f32
    %max3A_28 = vector.broadcast %max3A : f32 to vector<2000x128xf32>
    %max3A_29 = arith.maximumf %add3A_27, %max3A_28 : vector<2000x128xf32>
    %abs3A = math.absf %add3A_27 : vector<2000x128xf32>
    %neg3A = arith.constant 0.000000e+00 : f32
    %neg3A_30 = vector.broadcast %neg3A : f32 to vector<2000x128xf32>
    %neg3A_31 = arith.subf %neg3A_30, %abs3A : vector<2000x128xf32>
    %exp3A = math.exp %neg3A_31 : vector<2000x128xf32>
    %log1p3A = math.log1p %exp3A : vector<2000x128xf32>
    %add3A_32 = arith.addf %max3A_29, %log1p3A : vector<2000x128xf32>
    %swap3A = arith.constant 0 : index
    %swap3A_33 = arith.constant 0 : index
    %swap3A_34 = vector.load %arg5[%swap3A, %swap3A_33] : memref<2000x128xf32, #tpu.memory_space<vmem>>, vector<2000x128xf32>
    tpu.vector_store %arg5[%swap3A, %swap3A_33], %add3A_32 {strides = array<i32>} : memref<2000x128xf32, #tpu.memory_space<vmem>>, vector<2000x128xf32>,
    return
  }
  func.func @transform_0(%arg0: i32) -> (i32, i32) {
    %c0_i32 = arith.constant 0 : i32
    %c0_i32_0 = arith.constant 0 : i32
    return %arg0, %c0_i32 : i32, i32
  }
  func.func @transform_1(%arg0: i32) -> (i32, i32) {
    %c0_i32 = arith.constant 0 : i32
    %c0_i32_0 = arith.constant 0 : i32
    %c0_i32_1 = arith.constant 0 : i32
    return %c0_i32, %c0_i32_0 : i32, i32
  }
  func.func @transform_2(%arg0: i32) -> (i32, i32) {
    %c0_i32 = arith.constant 0 : i32
    %c0_i32_0 = arith.constant 0 : i32
    %c0_i32_1 = arith.constant 0 : i32
    return %c0_i32, %c0_i32_0 : i32, i32
  }
  func.func @transform_3(%arg0: i32) -> (i32, i32) {
    %c0_i32 = arith.constant 0 : i32
    %c0_i32_0 = arith.constant 0 : i32
    %c0_i32_1 = arith.constant 0 : i32
    return %c0_i32, %c0_i32_0 : i32, i32
  }
  func.func @transform_4(%arg0: i32) -> (i32, i32) {
    %c0_i32 = arith.constant 0 : i32
    %c0_i32_0 = arith.constant 0 : i32
    return %arg0, %c0_i32 : i32, i32
  }
}

module attributes {stable_mosaic.version = 14 : i64} {
  func.func @body(%arg0: i32, %arg1: memref<2000x128xf32, #tpu.memory_space<vmem>>, %arg2: memref<8x128xf32, #tpu.memory_space<vmem>>, %arg3: memref<1x128xf32, #tpu.memory_space<vmem>>, %arg4: memref<1x128xf32, #tpu.memory_space<vmem>>, %arg5: memref<2000x128xf32, #tpu.memory_space<vmem>>) attributes {dimension_semantics = [#tpu.dimension_semantics<arbitrary>], iteration_bounds = array<i64: 5>, scalar_prefetch = 0 : i64, scratch_operands = 0 : i64, tpu.core_type = #tpu.core_type<tc>, window_params = [{transform_indices = @transform_0, window_bounds = array<i64: 2000, 128>}, {pipeline_mode = #tpu.pipeline_mode<synchronous>, transform_indices = @transform_1, window_bounds = array<i64: 8, 128>}, {pipeline_mode = #tpu.pipeline_mode<synchronous>, transform_indices = @transform_2, window_bounds = array<i64: 1, 128>}, {pipeline_mode = #tpu.pipeline_mode<synchronous>, transform_indices = @transform_3, window_bounds = array<i64: 1, 128>}, {transform_indices = @transform_4, window_bounds = array<i64: 2000, 128>}]} {
    %get3A = arith.constant 0 : index
    %get3A_0 = arith.constant 0 : index
    %get3A_1 = vector.load %arg2[%get3A, %get3A_0] : memref<8x128xf32, #tpu.memory_space<vmem>>, vector<1x128xf32>
    %div3A = arith.constant 1.000000e+04 : f32
    %div3A_2 = vector.broadcast %div3A : f32 to vector<1x128xf32>
    %div3A_3 = arith.divf %get3A_1, %div3A_2 : vector<1x128xf32>
    %get3A_4 = arith.constant 1 : index
    %get3A_5 = arith.constant 0 : index
    %get3A_6 = vector.load %arg2[%get3A_4, %get3A_5] : memref<8x128xf32, #tpu.memory_space<vmem>>, vector<1x128xf32>
    %div3A_7 = arith.constant 1.000000e+04 : f32
    %div3A_8 = vector.broadcast %div3A_7 : f32 to vector<1x128xf32>
    %div3A_9 = arith.divf %get3A_6, %div3A_8 : vector<1x128xf32>
    %mul3A = arith.mulf %div3A_3, %div3A_3 : vector<1x128xf32>
    %sub3A = arith.subf %div3A_9, %mul3A : vector<1x128xf32>
    %add3A = arith.constant 9.99999974E-6 : f32
    %add3A_10 = vector.broadcast %add3A : f32 to vector<1x128xf32>
    %add3A_11 = arith.addf %sub3A, %add3A_10 : vector<1x128xf32>
    %rsqrt3A = math.rsqrt %add3A_11 : vector<1x128xf32>
    %get3A_12 = arith.constant 0 : index
    %get3A_13 = arith.constant 0 : index
    %get3A_14 = vector.load %arg1[%get3A_12, %get3A_13] : memref<2000x128xf32, #tpu.memory_space<vmem>>, vector<2000x128xf32>
    %sub3A_15 = vector.broadcast %div3A_3 : vector<1x128xf32> to vector<2000x128xf32>
    %sub3A_16 = arith.subf %get3A_14, %sub3A_15 : vector<2000x128xf32>
    %get3A_17 = arith.constant 0 : index
    %get3A_18 = arith.constant 0 : index
    %get3A_19 = vector.load %arg3[%get3A_17, %get3A_18] : memref<1x128xf32, #tpu.memory_space<vmem>>, vector<1x128xf32>
    %mul3A_20 = arith.mulf %rsqrt3A, %get3A_19 : vector<1x128xf32>
    %mul3A_21 = vector.broadcast %mul3A_20 : vector<1x128xf32> to vector<2000x128xf32>
    %mul3A_22 = arith.mulf %sub3A_16, %mul3A_21 : vector<2000x128xf32>
    %get3A_23 = arith.constant 0 : index
    %get3A_24 = arith.constant 0 : index
    %get3A_25 = vector.load %arg4[%get3A_23, %get3A_24] : memref<1x128xf32, #tpu.memory_space<vmem>>, vector<1x128xf32>
    %add3A_26 = vector.broadcast %get3A_25 : vector<1x128xf32> to vector<2000x128xf32>
    %add3A_27 = arith.addf %mul3A_22, %add3A_26 : vector<2000x128xf32>
    %swap3A = arith.constant 0 : index
    %swap3A_28 = arith.constant 0 : index
    %swap3A_29 = vector.load %arg5[%swap3A, %swap3A_28] : memref<2000x128xf32, #tpu.memory_space<vmem>>, vector<2000x128xf32>
    tpu.vector_store %arg5[%swap3A, %swap3A_28], %add3A_27 {strides = array<i32>} : memref<2000x128xf32, #tpu.memory_space<vmem>>, vector<2000x128xf32>,
    return
  }
  func.func @transform_0(%arg0: i32) -> (i32, i32) {
    %c0_i32 = arith.constant 0 : i32
    %c0_i32_0 = arith.constant 0 : i32
    return %arg0, %c0_i32 : i32, i32
  }
  func.func @transform_1(%arg0: i32) -> (i32, i32) {
    %c0_i32 = arith.constant 0 : i32
    %c0_i32_0 = arith.constant 0 : i32
    %c0_i32_1 = arith.constant 0 : i32
    return %c0_i32, %c0_i32_0 : i32, i32
  }
  func.func @transform_2(%arg0: i32) -> (i32, i32) {
    %c0_i32 = arith.constant 0 : i32
    %c0_i32_0 = arith.constant 0 : i32
    %c0_i32_1 = arith.constant 0 : i32
    return %c0_i32, %c0_i32_0 : i32, i32
  }
  func.func @transform_3(%arg0: i32) -> (i32, i32) {
    %c0_i32 = arith.constant 0 : i32
    %c0_i32_0 = arith.constant 0 : i32
    %c0_i32_1 = arith.constant 0 : i32
    return %c0_i32, %c0_i32_0 : i32, i32
  }
  func.func @transform_4(%arg0: i32) -> (i32, i32) {
    %c0_i32 = arith.constant 0 : i32
    %c0_i32_0 = arith.constant 0 : i32
    return %arg0, %c0_i32 : i32, i32
  }
}

module attributes {stable_mosaic.version = 14 : i64} {
  func.func @_pool_head_body(%arg0: i32, %arg1: memref<2000x128xf32, #tpu.memory_space<vmem>>, %arg2: memref<2000x1xi32, #tpu.memory_space<vmem>>, %arg3: memref<128x256xf32, #tpu.memory_space<vmem>>, %arg4: memref<1x256xf32, #tpu.memory_space<vmem>>, %arg5: memref<256x128xf32, #tpu.memory_space<vmem>>, %arg6: memref<1x128xf32, #tpu.memory_space<vmem>>, %arg7: memref<128x128xf32, #tpu.memory_space<vmem>>, %arg8: memref<1x128xf32, #tpu.memory_space<vmem>>, %arg9: memref<256x128xf32, #tpu.memory_space<vmem>>, %arg10: memref<256x256xf32, #tpu.memory_space<vmem>>, %arg11: memref<256x128xf32, #tpu.memory_space<vmem>>) attributes {dimension_semantics = [#tpu.dimension_semantics<arbitrary>], iteration_bounds = array<i64: 5>, scalar_prefetch = 0 : i64, scratch_operands = 2 : i64, tpu.core_type = #tpu.core_type<tc>, window_params = [{transform_indices = @transform_0, window_bounds = array<i64: 2000, 128>}, {transform_indices = @transform_1, window_bounds = array<i64: 2000, 1>}, {pipeline_mode = #tpu.pipeline_mode<synchronous>, transform_indices = @transform_2, window_bounds = array<i64: 128, 256>}, {pipeline_mode = #tpu.pipeline_mode<synchronous>, transform_indices = @transform_3, window_bounds = array<i64: 1, 256>}, {pipeline_mode = #tpu.pipeline_mode<synchronous>, transform_indices = @transform_4, window_bounds = array<i64: 256, 128>}, {pipeline_mode = #tpu.pipeline_mode<synchronous>, transform_indices = @transform_5, window_bounds = array<i64: 1, 128>}, {pipeline_mode = #tpu.pipeline_mode<synchronous>, transform_indices = @transform_6, window_bounds = array<i64: 128, 128>}, {pipeline_mode = #tpu.pipeline_mode<synchronous>, transform_indices = @transform_7, window_bounds = array<i64: 1, 128>}, {pipeline_mode = #tpu.pipeline_mode<synchronous>, transform_indices = @transform_8, window_bounds = array<i64: 256, 128>}]} {
    %eq3A = arith.constant 0 : i32
    %eq3A_0 = arith.cmpi eq, %arg0, %eq3A : i32
    %convert_element_type3A = arith.extui %eq3A_0 : i1 to i32
    %cond3A = arith.constant 0 : i32
    %cond3A_1 = arith.cmpi ne, %convert_element_type3A, %cond3A : i32
    scf.if %cond3A_1 {
      %broadcast_in_dim3A_42 = arith.constant 0.000000e+00 : f32
      %broadcast_in_dim3A_43 = vector.broadcast %broadcast_in_dim3A_42 : f32 to vector<256x256xf32>
      %swap3A_44 = arith.constant 0 : index
      %swap3A_45 = arith.constant 0 : index
      %swap3A_46 = vector.load %arg10[%swap3A_44, %swap3A_45] : memref<256x256xf32, #tpu.memory_space<vmem>>, vector<256x256xf32>
      tpu.vector_store %arg10[%swap3A_44, %swap3A_45], %broadcast_in_dim3A_43 {strides = array<i32>} : memref<256x256xf32, #tpu.memory_space<vmem>>, vector<256x256xf32>,
      %broadcast_in_dim3A_47 = arith.constant 0.000000e+00 : f32
      %broadcast_in_dim3A_48 = vector.broadcast %broadcast_in_dim3A_47 : f32 to vector<256x128xf32>
      %swap3A_49 = arith.constant 0 : index
      %swap3A_50 = arith.constant 0 : index
      %swap3A_51 = vector.load %arg11[%swap3A_49, %swap3A_50] : memref<256x128xf32, #tpu.memory_space<vmem>>, vector<256x128xf32>
      tpu.vector_store %arg11[%swap3A_49, %swap3A_50], %broadcast_in_dim3A_48 {strides = array<i32>} : memref<256x128xf32, #tpu.memory_space<vmem>>, vector<256x128xf32>,
    } else {
    }
    %get3A = arith.constant 0 : index
    %get3A_2 = arith.constant 0 : index
    %get3A_3 = vector.load %arg1[%get3A, %get3A_2] : memref<2000x128xf32, #tpu.memory_space<vmem>>, vector<2000x128xf32>
    %get3A_4 = arith.constant 0 : index
    %get3A_5 = arith.constant 0 : index
    %get3A_6 = vector.load %arg3[%get3A_4, %get3A_5] : memref<128x256xf32, #tpu.memory_space<vmem>>, vector<128x256xf32>
    %dot_general3A = arith.constant dense<0.000000e+00> : vector<2000x256xf32>
    %dot_general3A_7 = tpu.matmul %get3A_3, %get3A_6, %dot_general3A {dimension_numbers = #tpu.dot_dimension_numbers<[1], [0], [0], [1], [0, 0, 1, 1], [], []>, transpose_lhs_hint = false} : vector<2000x128xf32>, vector<128x256xf32>, vector<2000x256xf32> -> vector<2000x256xf32>
    %get3A_8 = arith.constant 0 : index
    %get3A_9 = arith.constant 0 : index
    %get3A_10 = vector.load %arg4[%get3A_8, %get3A_9] : memref<1x256xf32, #tpu.memory_space<vmem>>, vector<1x256xf32>
    %add3A = vector.broadcast %get3A_10 : vector<1x256xf32> to vector<2000x256xf32>
    %add3A_11 = arith.addf %dot_general3A_7, %add3A : vector<2000x256xf32>
    %get3A_12 = arith.constant 0 : index
    %get3A_13 = arith.constant 0 : index
    %get3A_14 = vector.load %arg2[%get3A_12, %get3A_13] : memref<2000x1xi32, #tpu.memory_space<vmem>>, vector<2000x1xi32>
    %iota3A = tpu.iota {dimensions = array<i32: 1>} : vector<2000x256xi32>
    %eq3A_15 = vector.broadcast %get3A_14 : vector<2000x1xi32> to vector<2000x256xi32>
    %eq3A_16 = arith.cmpi eq, %eq3A_15, %iota3A : vector<2000x256xi32>
    %convert_element_type3A_17 = arith.extui %eq3A_16 : vector<2000x256xi1> to vector<2000x256xi32>
    %convert_element_type3A_18 = arith.sitofp %convert_element_type3A_17 : vector<2000x256xi32> to vector<2000x256xf32>
    %get3A_19 = arith.constant 0 : index
    %get3A_20 = arith.constant 0 : index
    %get3A_21 = vector.load %arg10[%get3A_19, %get3A_20] : memref<256x256xf32, #tpu.memory_space<vmem>>, vector<256x256xf32>
    %dot_general3A_22 = arith.constant dense<0.000000e+00> : vector<256x256xf32>
    %dot_general3A_23 = tpu.matmul %convert_element_type3A_18, %add3A_11, %dot_general3A_22 {dimension_numbers = #tpu.dot_dimension_numbers<[0], [0], [1], [1], [0, 1, 1, 1], [], []>, transpose_lhs_hint = false} : vector<2000x256xf32>, vector<2000x256xf32>, vector<256x256xf32> -> vector<256x256xf32>
    %add3A_24 = arith.addf %get3A_21, %dot_general3A_23 : vector<256x256xf32>
    %swap3A = arith.constant 0 : index
    %swap3A_25 = arith.constant 0 : index
    %swap3A_26 = vector.load %arg10[%swap3A, %swap3A_25] : memref<256x256xf32, #tpu.memory_space<vmem>>, vector<256x256xf32>
    tpu.vector_store %arg10[%swap3A, %swap3A_25], %add3A_24 {strides = array<i32>} : memref<256x256xf32, #tpu.memory_space<vmem>>, vector<256x256xf32>,
    %broadcast_in_dim3A = arith.constant 1.000000e+00 : f32
    %broadcast_in_dim3A_27 = vector.broadcast %broadcast_in_dim3A : f32 to vector<2000x128xf32>
    %get3A_28 = arith.constant 0 : index
    %get3A_29 = arith.constant 0 : index
    %get3A_30 = vector.load %arg11[%get3A_28, %get3A_29] : memref<256x128xf32, #tpu.memory_space<vmem>>, vector<256x128xf32>
    %dot_general3A_31 = arith.constant dense<0.000000e+00> : vector<256x128xf32>
    %dot_general3A_32 = tpu.matmul %convert_element_type3A_18, %broadcast_in_dim3A_27, %dot_general3A_31 {dimension_numbers = #tpu.dot_dimension_numbers<[0], [0], [1], [1], [0, 1, 1, 1], [], []>, transpose_lhs_hint = false} : vector<2000x256xf32>, vector<2000x128xf32>, vector<256x128xf32> -> vector<256x128xf32>
    %add3A_33 = arith.addf %get3A_30, %dot_general3A_32 : vector<256x128xf32>
    %swap3A_34 = arith.constant 0 : index
    %swap3A_35 = arith.constant 0 : index
    %swap3A_36 = vector.load %arg11[%swap3A_34, %swap3A_35] : memref<256x128xf32, #tpu.memory_space<vmem>>, vector<256x128xf32>
    tpu.vector_store %arg11[%swap3A_34, %swap3A_35], %add3A_33 {strides = array<i32>} : memref<256x128xf32, #tpu.memory_space<vmem>>, vector<256x128xf32>,
    %eq3A_37 = arith.constant 4 : i32
    %eq3A_38 = arith.cmpi eq, %arg0, %eq3A_37 : i32
    %convert_element_type3A_39 = arith.extui %eq3A_38 : i1 to i32
    %cond3A_40 = arith.constant 0 : i32
    %cond3A_41 = arith.cmpi ne, %convert_element_type3A_39, %cond3A_40 : i32
    scf.if %cond3A_41 {
      %get3A_42 = arith.constant 0 : index
      %get3A_43 = arith.constant 0 : index
      %get3A_44 = vector.load %arg11[%get3A_42, %get3A_43] : memref<256x128xf32, #tpu.memory_space<vmem>>, vector<256x1xf32>
      %max3A = arith.constant 1.000000e+00 : f32
      %max3A_45 = vector.broadcast %max3A : f32 to vector<256x1xf32>
      %max3A_46 = arith.maximumf %get3A_44, %max3A_45 : vector<256x1xf32>
      %get3A_47 = arith.constant 0 : index
      %get3A_48 = arith.constant 0 : index
      %get3A_49 = vector.load %arg10[%get3A_47, %get3A_48] : memref<256x256xf32, #tpu.memory_space<vmem>>, vector<256x256xf32>
      %div3A = vector.broadcast %max3A_46 : vector<256x1xf32> to vector<256x256xf32>
      %div3A_50 = arith.divf %get3A_49, %div3A : vector<256x256xf32>
      %get3A_51 = arith.constant 0 : index
      %get3A_52 = arith.constant 0 : index
      %get3A_53 = vector.load %arg5[%get3A_51, %get3A_52] : memref<256x128xf32, #tpu.memory_space<vmem>>, vector<256x128xf32>
      %dot_general3A_54 = arith.constant dense<0.000000e+00> : vector<256x128xf32>
      %dot_general3A_55 = tpu.matmul %div3A_50, %get3A_53, %dot_general3A_54 {dimension_numbers = #tpu.dot_dimension_numbers<[1], [0], [0], [1], [0, 0, 1, 1], [], []>, transpose_lhs_hint = false} : vector<256x256xf32>, vector<256x128xf32>, vector<256x128xf32> -> vector<256x128xf32>
      %get3A_56 = arith.constant 0 : index
      %get3A_57 = arith.constant 0 : index
      %get3A_58 = vector.load %arg6[%get3A_56, %get3A_57] : memref<1x128xf32, #tpu.memory_space<vmem>>, vector<1x128xf32>
      %add3A_59 = vector.broadcast %get3A_58 : vector<1x128xf32> to vector<256x128xf32>
      %add3A_60 = arith.addf %dot_general3A_55, %add3A_59 : vector<256x128xf32>
      %max3A_61 = arith.constant 0.000000e+00 : f32
      %max3A_62 = vector.broadcast %max3A_61 : f32 to vector<256x128xf32>
      %max3A_63 = arith.maximumf %add3A_60, %max3A_62 : vector<256x128xf32>
      %abs3A = math.absf %add3A_60 : vector<256x128xf32>
      %neg3A = arith.constant 0.000000e+00 : f32
      %neg3A_64 = vector.broadcast %neg3A : f32 to vector<256x128xf32>
      %neg3A_65 = arith.subf %neg3A_64, %abs3A : vector<256x128xf32>
      %exp3A = math.exp %neg3A_65 : vector<256x128xf32>
      %log1p3A = math.log1p %exp3A : vector<256x128xf32>
      %add3A_66 = arith.addf %max3A_63, %log1p3A : vector<256x128xf32>
      %get3A_67 = arith.constant 0 : index
      %get3A_68 = arith.constant 0 : index
      %get3A_69 = vector.load %arg7[%get3A_67, %get3A_68] : memref<128x128xf32, #tpu.memory_space<vmem>>, vector<128x128xf32>
      %dot_general3A_70 = arith.constant dense<0.000000e+00> : vector<256x128xf32>
      %dot_general3A_71 = tpu.matmul %add3A_66, %get3A_69, %dot_general3A_70 {dimension_numbers = #tpu.dot_dimension_numbers<[1], [0], [0], [1], [0, 0, 1, 1], [], []>, transpose_lhs_hint = false} : vector<256x128xf32>, vector<128x128xf32>, vector<256x128xf32> -> vector<256x128xf32>
      %get3A_72 = arith.constant 0 : index
      %get3A_73 = arith.constant 0 : index
      %get3A_74 = vector.load %arg8[%get3A_72, %get3A_73] : memref<1x128xf32, #tpu.memory_space<vmem>>, vector<1x128xf32>
      %add3A_75 = vector.broadcast %get3A_74 : vector<1x128xf32> to vector<256x128xf32>
      %add3A_76 = arith.addf %dot_general3A_71, %add3A_75 : vector<256x128xf32>
      %swap3A_77 = arith.constant 0 : index
      %swap3A_78 = arith.constant 0 : index
      %swap3A_79 = vector.load %arg9[%swap3A_77, %swap3A_78] : memref<256x128xf32, #tpu.memory_space<vmem>>, vector<256x128xf32>
      tpu.vector_store %arg9[%swap3A_77, %swap3A_78], %add3A_76 {strides = array<i32>} : memref<256x128xf32, #tpu.memory_space<vmem>>, vector<256x128xf32>,
    } else {
    }
    return
  }
  func.func @transform_0(%arg0: i32) -> (i32, i32) {
    %c0_i32 = arith.constant 0 : i32
    %c0_i32_0 = arith.constant 0 : i32
    return %arg0, %c0_i32 : i32, i32
  }
  func.func @transform_1(%arg0: i32) -> (i32, i32) {
    %c0_i32 = arith.constant 0 : i32
    %c0_i32_0 = arith.constant 0 : i32
    return %arg0, %c0_i32 : i32, i32
  }
  func.func @transform_2(%arg0: i32) -> (i32, i32) {
    %c0_i32 = arith.constant 0 : i32
    %c0_i32_0 = arith.constant 0 : i32
    %c0_i32_1 = arith.constant 0 : i32
    return %c0_i32, %c0_i32_0 : i32, i32
  }
  func.func @transform_3(%arg0: i32) -> (i32, i32) {
    %c0_i32 = arith.constant 0 : i32
    %c0_i32_0 = arith.constant 0 : i32
    %c0_i32_1 = arith.constant 0 : i32
    return %c0_i32, %c0_i32_0 : i32, i32
  }
  func.func @transform_4(%arg0: i32) -> (i32, i32) {
    %c0_i32 = arith.constant 0 : i32
    %c0_i32_0 = arith.constant 0 : i32
    %c0_i32_1 = arith.constant 0 : i32
    return %c0_i32, %c0_i32_0 : i32, i32
  }
  func.func @transform_5(%arg0: i32) -> (i32, i32) {
    %c0_i32 = arith.constant 0 : i32
    %c0_i32_0 = arith.constant 0 : i32
    %c0_i32_1 = arith.constant 0 : i32
    return %c0_i32, %c0_i32_0 : i32, i32
  }
  func.func @transform_6(%arg0: i32) -> (i32, i32) {
    %c0_i32 = arith.constant 0 : i32
    %c0_i32_0 = arith.constant 0 : i32
    %c0_i32_1 = arith.constant 0 : i32
    return %c0_i32, %c0_i32_0 : i32, i32
  }
  func.func @transform_7(%arg0: i32) -> (i32, i32) {
    %c0_i32 = arith.constant 0 : i32
    %c0_i32_0 = arith.constant 0 : i32
    %c0_i32_1 = arith.constant 0 : i32
    return %c0_i32, %c0_i32_0 : i32, i32
  }
  func.func @transform_8(%arg0: i32) -> (i32, i32) {
    %c0_i32 = arith.constant 0 : i32
    %c0_i32_0 = arith.constant 0 : i32
    %c0_i32_1 = arith.constant 0 : i32
    return %c0_i32, %c0_i32_0 : i32, i32
  }
}

</mosaic_0001>

<sc_bundles>
// kernel: kernel.20.cloned.1.call-start
scs
__scs_entry_jumppad:
0x0: {  	(pc) =	sbr.rel $0x88, $3  }
0x1: {  	(tag) =	ssettag $0x0;
	lr =	simm.s32 $0x1  }
0x2: {  	[smem:$0x3F8C] =	sst lr;
	_ =	strace $0xD0000000  }
0x3: {  	_ = 	snop  }
0x4: {  	_ = 	snop  }
0x5: {  	_ = 	snop  }
0x6: {  	_ = 	snop  }
0x7: {  	_ = 	snop  }
__scs_overlays_trampoline_lowered:
0x8: {  	[smem:$0x3F9B] =	sst s0  }
0x9: {  	[smem:$0x3F9C] =	sst s1  }
0xa: {  	[smem:$0x3F9D] =	sst s2  }
0xb: {  	[smem:$0x3F9E] =	sst s3  }
0xc: {  	[smem:$0x3F9F] =	sst s4  }
0xd: {  	[smem:$0x3FA0] =	sst s5  }
0xe: {  	[smem:$0x3FA1] =	sst s6  }
0xf: {  	[smem:$0x3FA2] =	sst s7  }
0x10: {  	[smem:$0x3FA3] =	sst s8  }
0x11: {  	[smem:$0x3FA4] =	sst s9;
	s0 =	simm.s32 @!p0 $0x0  }
0x12: {  	s1 =	sld [smem:$0x3F8A];
	s0 =	simm.s32 @p0 $0x1  }
0x13: {  	[smem:$0x3FA5] =	sst s0;
	s0 =	simm.s32 @!p1 $0x0  }
0x14: {  	s2 =	sld [smem:$0x3F89];
	s0 =	simm.s32 @p1 $0x1  }
0x15: {  	[smem:$0x3FA6] =	sst s0;
	s0 =	simm.s32 @!p2 $0x0  }
0x16: {  	s3 =	sld [smem:$0x3FDB];
	s0 =	simm.s32 @p2 $0x1  }
0x17: {  	s4 =	simm.s32 $0x1BF5;
	[smem:$0x3FA8] =	sst s0  }
0x18: {  	s0 =	sld [smem:$0x3F8B];
	_ =	swait.ge [sflag:s4], $0x0  }
0x19: {  	s7 =	sld [smem:$0x3F8C]  }
0x1a: {  	s8 =	sadd.s32 $0xFFFFE003, lr  }
0x1b: {  	s9 =	sadd.s32 $0xFFFFFEF7, lr;
	s5 =	simm.s32 $0xFFFFFFFF;
	p2 =	slt.u32 s8, $0xFFFFF086  }
0x1c: {  	p1 =	slt.u32 s9, $0xF7A;
	s5 =	simm.s32 @!p2 $0x0  }
0x1d: {  	s5 =	simm.s32 @p1 $0x1;
	p0 =	seq.s32 s7, s2  }
0x1e: {  	s7 =	smul.u32 @!p0 $0xF7A, s2;
	p2 =	seq.s32 @!p0 s5, $0x0  }
0x1f: {  	s9 =	smul.u32 $0xF7A, s1;
	s8 =	simm.s32 @!p0 $0x1BF5;
	p2 =	por !p2, p0  }
0x20: {  	[sflag:s8] =	ssyncset.s32 @!p0 $0xFFFFF086;
	s6 =	sadd.s32 @!p0 s3, s7;
	s7 =	simm.s32 @!p0 $0x108  }
0x21: {  	s3 =	sadd.s32 s3, s9;
	s6 =	sadd.s32 @!p0 $0x88, s6;
	s7 =	simm.s32 @p2 $0x1082  }
0x22: {  	[simem:s7], [sflag:s8] =	dma.local @!p0 [hbm:s6], $0xF7A  }
0x23: {  	s9 =	sor.u32 $0xD0000000, s2;
	s6 =	simm.s32 $0x108;
	_ =	swait.ge @!p0 [sflag:s8], $0x0  }
0x24: {  	s3 =	sadd.s32 $0x88, s3;
	s6 =	simm.s32 @!p1 $0x1082;
	[sflag:s4] =	ssyncset.s32 $0xFFFFF086  }
0x25: {  	[simem:s6], [sflag:s4] =	dma.local [hbm:s3], $0xF7A  }
0x26: {  	[smem:$0x3F8C] =	sst s1;
	(tag) =	ssettag s2;
	_ =	strace s9  }
0x27: {  	s1 =	sld [smem:$0x3F9C]  }
0x28: {  	s2 =	sld [smem:$0x3F9D]  }
0x29: {  	s4 =	sld [smem:$0x3F9F]  }
0x2a: {  	p0 =	seq.s32 s5, $0x0;
	s5 =	sld [smem:$0x3FA0]  }
0x2b: {  	s6 =	sld [smem:$0x3FA1]  }
0x2c: {  	s7 =	sld [smem:$0x3FA2]  }
0x2d: {  	s3 =	simm.s32 $0x108;
	s8 =	sld [smem:$0x3FA3]  }
0x2e: {  	s3 =	simm.s32 @!p0 $0x1082;
	s9 =	sld [smem:$0x3FA4]  }
0x2f: {  	lr =	sadd.s32 s0, s3;
	s0 =	sld [smem:$0x3F9B]  }
0x30: {  	s3 =	sld [smem:$0x3F9E]  }
0x31: {  	[smem:$0x3FA7] =	sst s10  }
0x32: {  	s10 =	sld [smem:$0x3FA5];
	_ =	sdelay $0x3  }
0x33: {  	p0 =	seq.s32 s10, $0x1;
	s10 =	sld [smem:$0x3FA7];
	_ =	sdelay $0x3  }
0x34: {  	[smem:$0x3FA7] =	sst s10  }
0x35: {  	s10 =	sld [smem:$0x3FA6];
	_ =	sdelay $0x3  }
0x36: {  	p1 =	seq.s32 s10, $0x1;
	s10 =	sld [smem:$0x3FA7];
	_ =	sdelay $0x3  }
0x37: {  	[smem:$0x3FA7] =	sst s10  }
0x38: {  	s10 =	sld [smem:$0x3FA8]  }
0x39: {  	_ = 	snop;
	(pc) =	sbr.ind lr, $3  }
0x3a: {  	_ = 	snop  }
0x3b: {  	_ = 	snop  }
0x3c: {  	p2 =	seq.s32 s10, $0x1;
	s10 =	sld [smem:$0x3FA7]  }
0x3d: {  	_ =	shalt  }
0x3e: {  	_ =	shalt  }
0x3f: {  	_ =	shalt  }
0x40: {  	_ =	shalt  }
0x41: {  	_ =	shalt  }
0x42: {  	_ =	shalt  }
0x43: {  	_ =	shalt  }
0x44: {  	_ =	shalt  }
0x45: {  	_ =	shalt  }
0x46: {  	_ =	shalt  }
0x47: {  	_ =	shalt  }
0x48: {  	_ =	shalt  }
0x49: {  	_ =	shalt  }
0x4a: {  	_ =	shalt  }
0x4b: {  	_ =	shalt  }
0x4c: {  	_ =	shalt  }
0x4d: {  	_ =	shalt  }
0x4e: {  	_ =	shalt  }
0x4f: {  	_ =	shalt  }
0x50: {  	_ =	shalt  }
0x51: {  	_ =	shalt  }
0x52: {  	_ =	shalt  }
0x53: {  	_ =	shalt  }
0x54: {  	_ =	shalt  }
0x55: {  	_ =	shalt  }
0x56: {  	_ =	shalt  }
0x57: {  	_ =	shalt  }
0x58: {  	_ =	shalt  }
0x59: {  	_ =	shalt  }
0x5a: {  	_ =	shalt  }
0x5b: {  	_ =	shalt  }
0x5c: {  	_ =	shalt  }
0x5d: {  	_ =	shalt  }
0x5e: {  	_ =	shalt  }
0x5f: {  	_ =	shalt  }
0x60: {  	_ =	shalt  }
0x61: {  	_ =	shalt  }
0x62: {  	_ =	shalt  }
0x63: {  	_ =	shalt  }
0x64: {  	_ =	shalt  }
0x65: {  	_ =	shalt  }
0x66: {  	_ =	shalt  }
0x67: {  	_ =	shalt  }
0x68: {  	_ =	shalt  }
0x69: {  	_ =	shalt  }
0x6a: {  	_ =	shalt  }
0x6b: {  	_ =	shalt  }
0x6c: {  	_ =	shalt  }
0x6d: {  	_ =	shalt  }
0x6e: {  	_ =	shalt  }
0x6f: {  	_ =	shalt  }
0x70: {  	_ =	shalt  }
0x71: {  	_ =	shalt  }
0x72: {  	_ =	shalt  }
0x73: {  	_ =	shalt  }
0x74: {  	_ =	shalt  }
0x75: {  	_ =	shalt  }
0x76: {  	_ =	shalt  }
0x77: {  	_ =	shalt  }
0x78: {  	_ =	shalt  }
0x79: {  	_ =	shalt  }
0x7a: {  	_ =	shalt  }
0x7b: {  	_ =	shalt  }
0x7c: {  	_ =	shalt  }
0x7d: {  	_ =	shalt  }
0x7e: {  	_ =	shalt  }
0x7f: {  	_ =	shalt  }
0x80: {  	_ =	shalt  }
0x81: {  	_ =	shalt  }
0x82: {  	_ =	shalt  }
0x83: {  	_ =	shalt  }
0x84: {  	_ =	shalt  }
0x85: {  	_ =	shalt  }
0x86: {  	_ =	shalt  }
0x87: {  	_ =	shalt  }
.Lfunc_end0:
.L_simem_size_0:
called_computation_lowered:
.L_overlay_start_0:
0x88: {  	s2 =	sld [smem:$0x3FD9]  }
0x89: {  	s3 =	sld [smem:$0x3FFE];
	_ =	sdelay $0x1  }
0x8a: {  	s1 =	srdreg.scid  }
0x8b: {  	s0 =	sand.u32 $0x1, s1  }
0x8c: {  	s17 =	sshll.u32 s0, $0xA;
	s2 =	sadd.s32 s3, s2  }
0x8d: {  	s2 =	sadd.s32 s2, s17  }
0x8e: {  	[smem:$0x3FB3] =	sst s2  }
0x8f: {  	_ = 	snop  }
0x90: {  	s18 =	sld [smem:$0x3FD0];
	(tm) =	ssettm $0x1  }
0x91: {  	s19 =	sld [smem:$0x3FFB];
	_ =	sdelay $0x3  }
0x92: {  	_ =	strace s19  }
0x93: {  	s2 =	sld [smem:$0x3FFC];
	_ =	sdelay $0x3  }
0x94: {  	_ =	strace s2  }
0x95: {  	s2 =	sld [smem:$0x3FFD];
	_ =	sdelay $0x3  }
0x96: {  	_ =	strace s2  }
0x97: {  	_ =	strace $0x8FFFFFFF  }
0x98: {  	s20 =	sld [smem:$0x3FDB];
	_ =	sdelay $0x1  }
0x99: {  	s4 =	simm.s32 $_scs_section_size  }
0x9a: {  	s5 =	simm.s32 $_size__tile_overlayer_lowered;
	s6 =	simm.s32 $_tile_overlayer_lowered  }
0x9b: {  	s7 =	simm.s32 $0x1BFF;
	s21 =	sshll.u32 s6, $0x1;
	s4 =	sadd.s32 s4, s20  }
0x9c: {  	s22 =	simm.s32 $0x0;
	s5 =	sshll.u32 s5, $0x1;
	s6 =	sadd.s32 s21, s4  }
0x9d: {  	[timem:s22], [sflag:s7] =	dma.local [hbm:s6], s5  }
0x9e: {  	_ =	swait.ge [sflag:s7], s5  }
0x9f: {  	s5 =	ssub.s32 $0x0, s5;
	[sflag:s7] =	ssyncset.done $0x0  }
0xa0: {  	[sflag:s7] =	ssyncadd.s32 s5;
	_ =	sdelay $0x1  }
0xa1: {  	s23 =	simm.s32 $0x1B8B  }
0xa2: {  	_ =	swait.ge [sflag:s23], $0x1  }
0xa3: {  	[sflag:s23] =	ssyncset.done $0x0  }
0xa4: {  	[sflag:s23] =	ssyncadd.s32 $0xFFFFFFFF  }
0xa5: {  	s5 =	sld [smem:$0x0]  }
0xa6: {  	s6 =	sand.u32 $0xFFFFFFFE, s1  }
0xa7: {  	p0 =	sne.s32 s1, s6  }
0xa8: {  	s6 =	sshll.u32 @p0 s6, $0xE  }
0xa9: {  	s6 =	sadd.s32 @p0 $0x11B8D, s6;
	s7 =	sshll.u32 @p0 s5, $0x11  }
0xaa: {  	s6 =	sor.u32 @p0 s7, s6  }
0xab: {  	[sflag:s6] =	ssyncadd.remote.s32 @p0 $0x1;
	_ =	sdelay $0x1  }
0xac: {  	s6 =	simm.s32 @p0 $0x1B8D  }
0xad: {  	_ =	swait.eq @p0 [sflag:s6], $0x1  }
0xae: {  	[sflag:s6] =	ssyncadd.s32 @p0 $0xFFFFFFFF  }
0xaf: {  	s7 =	sshll.u32 @!p0 s1, $0xE  }
0xb0: {  	s7 =	sor.u32 @!p0 $0x4000, s7;
	s6 =	simm.s32 @!p0 $0x1B8D  }
0xb1: {  	s5 =	sshll.u32 @!p0 s5, $0x11;
	s7 =	sadd.s32 @!p0 $0x11B8D, s7;
	_ =	swait.eq @!p0 [sflag:s6], $0x1  }
0xb2: {  	s5 =	sor.u32 @!p0 s5, s7;
	[sflag:s6] =	ssyncadd.s32 @!p0 $0xFFFFFFFF  }
0xb3: {  	s25 =	simm.s32 $0x1B8E;
	s24 =	sld [smem:$0x3FFE];
	[sflag:s5] =	ssyncadd.remote.s32 @!p0 $0x1  }
0xb4: {  	s26 =	simm.s32 $execute0_lowered;
	[smem:$0x3FD2] =	sst s25  }
0xb5: {  	s6 =	sshll.u32 s26, $0x1;
	_ =	strace $0x80000049;
	[dreg:$0x1] =	wrdreg $0xFFFFFFFF  }
0xb6: {  	s28 =	simm.s32 $_size_execute0_lowered;
	s4 =	sadd.s32 s4, s6;
	[dreg:$0x0] =	wrdreg $0x0  }
0xb7: {  	s6 =	sshll.u32 s28, $0x1;
	[dreg:$0x2] =	wrdreg s4  }
0xb8: {  	[dreg:$0x3] =	wrdreg s6  }
0xb9: {  	[dreg:$0x4] =	wrdreg $0xC0  }
0xba: {  	_ =	task [dreg:s22], $0x5FFFF  }
0xbb: {  	[dreg:$0x1] =	wrdreg $0xFFFFFFFF  }
0xbc: {  	[dreg:$0x0] =	wrdreg $0x60  }
0xbd: {  	[dreg:$0x2] =	wrdreg s18  }
0xbe: {  	[dreg:$0x3] =	wrdreg s24  }
0xbf: {  	[dreg:$0x4] =	wrdreg $0x90000  }
0xc0: {  	[dreg:$0x5] =	wrdreg $0x9  }
0xc1: {  	_ =	task.clear_ibuf [dreg:s22], $0x6FFFF;
	_ =	strace $0x90000049  }
0xc2: {  	s29 =	simm.s32 $0x9;
	_ =	strace $0x8000004B  }
0xc3: {  	_ =	swait.ge [sflag:s29], $0x1  }
0xc4: {  	[sflag:s29] =	ssyncadd.s32 $0xFFFFFFFF  }
0xc5: {  	_ =	strace $0x9000004B  }
0xc6: {  	_ =	sfence  }
0xc7: {  	s30 =	sld [smem:$0x0];
	_ =	sdelay $0x2  }
0xc8: {  	s31 =	sshll.u32 s1, $0xD;
	s1 =	sshrl.u32 s1, $0x2  }
0xc9: {  	s4 =	sand.u32 $0x4000, s31;
	s1 =	sadd.s32 s1, s30  }
0xca: {  	s0 =	sor.u32 s4, s0;
	s1 =	sshll.u32 s1, $0x11  }
0xcb: {  	s0 =	sor.u32 s1, s0  }
0xcc: {  	s0 =	sadd.s32 $0x8F2B, s0  }
0xcd: {  	[sflag:s0] =	ssyncadd.remote.s32 $0x1  }
0xce: {  	_ =	sfence.sel $0xFFFF  }
0xcf: {  	[dreg:$0x0] =	wrdreg $0xFFFFFFFF;
	(pc) =	sbr.abs _section_cstart, $3  }
0xd0: {  	[dreg:$0x1] =	wrdreg $0xFFFFFFFF  }
0xd1: {  	_ =	task.clear_ibuf [dreg:s22], $0x2FFFF;
	_ =	strace $0x9FFFFFFF  }
0xd2: {  	(tm) =	ssettm $0x7FFFFFFF  }
0xd3: {  	_ =	shalt  }
tec
execute0_lowered:
.L_overlay_start_1:
0x0: {  	(tag) =	ssettag $0x1  }
0x1: {  	s0 =	rddreg [dreg:$0x0]  }
0x2: {  	s6 =	rddreg [dreg:$0x1]  }
0x3: {  	s1 =	srdreg.scid;
	s3 =	rddreg [dreg:$0x2]  }
0x4: {  	s2 =	stileid.u32;
	s4 =	simm.s32 $0x0;
	s16 =	simm.s32 $0x5000  }
0x5: {  	s17 =	simm.s32 $0x1;
	s20 =	simm.s32 $0x0;
	s10 =	smul.u32 $0x4F000, s2  }
0x6: {  	s7 =	sand.u32 $0x1, s1;
	s1 =	rddreg [dreg:$0x3];
	s25 =	smul.u32 $0x13800, s2  }
0x7: {  	[smem:$0x7FF] =	sst s4;
	s13 =	sadd.s32 $0x9C800, s6;
	s14 =	smul.u32 $0x4E000, s2  }
0x8: {  	s19 =	sadd.s32 $0x138000, s3;
	s31 =	sshll.u32 s2, $0x6;
	p0 =	sne.s32 s2, $0xF  }
0x9: {  	s5 =	sshll.u32 s7, $0x4;
	_ =	strace $0x8000004A;
	s9 =	ssub.s32 $0x2, s7  }
0xa: {  	s12 =	smul.u32 $0x138800, s7;
	s19 =	sshrl.u32 @!p0 s19, $0x3;
	s5 =	sor.u32 s2, s5  }
0xb: {  	s11 =	sshrl.u32 s9, $0x1;
	s10 =	sshrl.u32 s10, $0x2;
	s28 =	sshrl.u32 s14, $0x2  }
0xc: {  	s5 =	smul.u32 $0x500, s5;
	s11 =	ssub.s32 s9, s11;
	s15 =	sadd.s32 s10, s3  }
0xd: {  	s26 =	sadd.s32 s25, s12;
	s29 =	sshrl.u32 s12, $0x3;
	s18 =	sadd.s32 s28, s3  }
0xe: {  	s12 =	simm.s32 $0x2800;
	s30 =	sadd.s32 s13, s29;
	s10 =	smax.u32 s11, $0x1  }
0xf: {  	s11 =	simm.s32 $0x2;
	s14 =	sshrl.u32 s15, $0x3;
	s15 =	simm.s32 $0x80  }
0x10: {  	s18 =	sshrl.u32 s18, $0x3;
	s8 =	sadd.s32 s5, s6;
	s5 =	sadd.s32 $0x41E00, s6  }
0x11: {  	s6 =	sadd.s32 $0x92800, s8;
	s7 =	sadd.s32 $0x6C00, s8;
	s8 =	sshrl.u32 s26, $0x3  }
0x12: {  	s9 =	sadd.s32 $0x27000, s30;
	s8 =	sadd.s32 s13, s8;
	s13 =	sor.u32 $0x1C02, s31  }
.LBB2_1:
0x13: {  	[tilespmem:s4], [sflag:$0x2] =	stream.linear.gather [hbm4b:s6+s4], $0x2780, $0x38;
	[tilespmem:$0x1CC00] =	vst v63  }
0x14: {  	_ =	swait.ge [sflag:s11], $0x2780  }
0x15: {  	[sflag:s11] =	ssyncset.done $0x0  }
0x16: {  	[sflag:s11] =	ssyncadd.s32 $0xFFFFD880  }
0x17: {  	[tilespmem:s12], [sflag:$0x2] =	stream.linear.gather [hbm4b:s7+s4], $0x2780, $0x38;
	[tilespmem:$0x1CC00] =	vst v63  }
0x18: {  	_ =	swait.ge [sflag:s11], $0x2780  }
0x19: {  	[sflag:s11] =	ssyncset.done $0x0  }
0x1a: {  	[sflag:s11] =	ssyncadd.s32 $0xFFFFD880  }
0x1b: {  	[spmem:s14], [sflag:s13] =	dma.local [hbm:s5], $0x2780  }
0x1c: {  	_ =	swait.ge [sflag:s11], $0x2780  }
0x1d: {  	[sflag:s11] =	ssyncset.done $0x0  }
0x1e: {  	[sflag:s11] =	ssyncadd.s32 $0xFFFFD880  }
0x1f: {  	s21 =	simm.s32 $0x0;
	[bflag:$0x0] =	sbarrier.arrive $0xFFFF  }
0x20: {  	[tilespmem:s16], [sflag:$0x1] =	stream.indirect.gather [hbm4b:s0+s15], $0x80, s21, s15, $0xb8;
	[tilespmem:$0x1CC00] =	vst v63  }
0x21: {  	_ =	swait.ge [sflag:s17], $0x4000  }
0x22: {  	[sflag:s17] =	ssyncset.done $0x0  }
0x23: {  	s31 =	simm.s32 $0x2800;
	[sflag:s17] =	ssyncadd.s32 $0xFFFFC000  }
0x24: {  	[spmem:s3] =	stream.indirect.scatter.add.f32 [tilespmem:s16], [sflag:$0x2], $0x80, s31, s15, $0xb8;
	[tilespmem:$0x1CC00] =	vst v63  }
0x25: {  	_ =	swait.ge [sflag:s11], $0x4000  }
0x26: {  	s22 =	simm.s32 $0x400;
	s21 =	simm.s32 $0x200;
	[sflag:s11] =	ssyncset.done $0x0  }
.LBB2_2:
0x27: {  	s23 =	sshra.s32 s21, $0x2  }
0x28: {  	[sflag:s11] =	ssyncadd.s32 $0xFFFFC000;
	s21 =	smov.u32 s22;
	s24 =	sadd.s32 $0x200, s22  }
0x29: {  	[tilespmem:s16], [sflag:$0x1] =	stream.indirect.gather [hbm4b:s0+s15], $0x80, s23, s15, $0xb8;
	[tilespmem:$0x1CC00] =	vst v63  }
0x2a: {  	p1 =	sne.s32 s22, $0x9C00;
	_ =	swait.ge [sflag:s17], $0x4000  }
.Ltmp0:
0x2b: {  	[sflag:s17] =	ssyncset.done $0x0;
	(pc) =	sbr.rel @p1 .LBB2_2-.Ltmp0, $4  }
0x2c: {  	s22 =	sadd.s32 $0x2800, s23;
	[sflag:s17] =	ssyncadd.s32 $0xFFFFC000  }
0x2d: {  	[spmem:s3] =	stream.indirect.scatter.add.f32 [tilespmem:s16], [sflag:$0x2], $0x80, s22, s15, $0xb8;
	[tilespmem:$0x1CC00] =	vst v63  }
0x2e: {  	_ =	swait.ge [sflag:s11], $0x4000  }
0x2f: {  	s22 =	smov.u32 s24;
	[sflag:s11] =	ssyncset.done $0x0  }
0x30: {  	s21 =	sshra.s32 s21, $0x2;
	[sflag:s11] =	ssyncadd.s32 $0xFFFFC000  }
0x31: {  	[tilespmem:s16], [sflag:$0x1] =	stream.indirect.gather [hbm4b:s0+s15], $0x80, s21, s15, $0xb8;
	[tilespmem:$0x1CC00] =	vst v63  }
0x32: {  	_ =	swait.ge [sflag:s17], $0x4000  }
0x33: {  	[sflag:s17] =	ssyncset.done $0x0  }
0x34: {  	s21 =	sadd.s32 $0x2800, s21;
	[sflag:s17] =	ssyncadd.s32 $0xFFFFC000  }
0x35: {  	[spmem:s3] =	stream.indirect.scatter.add.f32 [tilespmem:s16], [sflag:$0x2], $0x80, s21, s15, $0xb8;
	[tilespmem:$0x1CC00] =	vst v63  }
0x36: {  	_ =	swait.ge [sflag:s11], $0x4000  }
0x37: {  	[sflag:s11] =	ssyncset.done $0x0  }
0x38: {  	[sflag:s11] =	ssyncadd.s32 $0xFFFFC000  }
0x39: {  	[bflag:$0x0] =	sbarrier.arrive $0xFFFF  }
0x3a: {  	[hbm:s8], [sflag:s13] =	dma.local [spmem:s18], $0x2700  }
0x3b: {  	s20 =	sadd.s32 $0x1, s20;
	_ =	swait.ge [sflag:s11], $0x2700  }
0x3c: {  	p1 =	sne.s32 s20, s10;
	[sflag:s11] =	ssyncset.done $0x0  }
.Ltmp1:
0x3d: {  	s21 =	simm.s32 @!p0 $0x2;
	[sflag:s11] =	ssyncadd.s32 $0xFFFFD900;
	(pc) =	sbr.rel @p1 .LBB2_1-.Ltmp1, $4  }
0x3e: {  	[hbm:s9], [sflag:s13] =	dma.local @!p0 [spmem:s19], $0x100  }
0x3f: {  	_ =	swait.ge @!p0 [sflag:s21], $0x100  }
0x40: {  	[sflag:s21] =	ssyncset.done @!p0 $0x0  }
0x41: {  	[sflag:s21] =	ssyncadd.s32 @!p0 $0xFFFFFF00  }
0x42: {  	_ =	sfence.sel $0x180000  }
0x43: {  	[bflag:$0x0] =	sbarrier.arrive $0xFFFF  }
0x44: {  	p0 =	sne.s32 s2, $0x0;
	_ =	strace $0x9000004A  }
0x45: {  	s0 =	sadd.s32 @!p0 $0x100000, s1;
	[bflag:$0x2] =	sbarrier.arrive $0xFFFF  }
0x46: {  	[sflag:s0] =	ssyncadd.tile.s32 @!p0 $0x1;
	_ =	shalt  }
.Lfunc_end2:
_tile_overlayer_lowered:
.L_overlay_start_2:
0x47: {  	(tag) =	ssettag $0x2  }
0x48: {  	s0 =	rddreg [dreg:$0x0];
	s2 =	stileid.u32  }
0x49: {  	s1 =	rddreg [dreg:$0x1];
	p0 =	sne.s32 s2, $0x0  }
0x4a: {  	s3 =	rddreg [dreg:$0x2];
	[bflag:$0x3] =	sbarrier.arrive $0xFFFF;
	s2 =	simm.s32 @!p0 $0x1C02  }
0x4b: {  	[timem:s3], [sflag:s2] =	dma.local @!p0 [hbm:s0], s1  }
0x4c: {  	s0 =	simm.s32 @!p0 $0x2  }
0x4d: {  	_ =	swait.ge @!p0 [sflag:s0], s1  }
0x4e: {  	s1 =	ssub.s32 @!p0 $0x0, s1;
	[sflag:s0] =	ssyncset.done @!p0 $0x0  }
0x4f: {  	[sflag:s0] =	ssyncadd.s32 @!p0 s1  }
0x50: {  	[bflag:$0x3] =	sbarrier.arrive $0xFFFF  }
0x51: {  	_ =	shalt  }

// kernel: kernel.23.cloned.1.call-start
scs
__scs_entry_jumppad:
0x0: {  	(pc) =	sbr.rel $0x88, $3  }
0x1: {  	(tag) =	ssettag $0x0;
	lr =	simm.s32 $0x1  }
0x2: {  	[smem:$0x3F8C] =	sst lr;
	_ =	strace $0xD0000000  }
0x3: {  	_ = 	snop  }
0x4: {  	_ = 	snop  }
0x5: {  	_ = 	snop  }
0x6: {  	_ = 	snop  }
0x7: {  	_ = 	snop  }
__scs_overlays_trampoline_lowered:
0x8: {  	[smem:$0x3F9B] =	sst s0  }
0x9: {  	[smem:$0x3F9C] =	sst s1  }
0xa: {  	[smem:$0x3F9D] =	sst s2  }
0xb: {  	[smem:$0x3F9E] =	sst s3  }
0xc: {  	[smem:$0x3F9F] =	sst s4  }
0xd: {  	[smem:$0x3FA0] =	sst s5  }
0xe: {  	[smem:$0x3FA1] =	sst s6  }
0xf: {  	[smem:$0x3FA2] =	sst s7  }
0x10: {  	[smem:$0x3FA3] =	sst s8  }
0x11: {  	[smem:$0x3FA4] =	sst s9;
	s0 =	simm.s32 @!p0 $0x0  }
0x12: {  	s1 =	sld [smem:$0x3F8A];
	s0 =	simm.s32 @p0 $0x1  }
0x13: {  	[smem:$0x3FA5] =	sst s0;
	s0 =	simm.s32 @!p1 $0x0  }
0x14: {  	s2 =	sld [smem:$0x3F89];
	s0 =	simm.s32 @p1 $0x1  }
0x15: {  	[smem:$0x3FA6] =	sst s0;
	s0 =	simm.s32 @!p2 $0x0  }
0x16: {  	s3 =	sld [smem:$0x3FDB];
	s0 =	simm.s32 @p2 $0x1  }
0x17: {  	s4 =	simm.s32 $0x1BF5;
	[smem:$0x3FA8] =	sst s0  }
0x18: {  	s0 =	sld [smem:$0x3F8B];
	_ =	swait.ge [sflag:s4], $0x0  }
0x19: {  	s7 =	sld [smem:$0x3F8C]  }
0x1a: {  	s8 =	sadd.s32 $0xFFFFE003, lr  }
0x1b: {  	s9 =	sadd.s32 $0xFFFFFEF7, lr;
	s5 =	simm.s32 $0xFFFFFFFF;
	p2 =	slt.u32 s8, $0xFFFFF086  }
0x1c: {  	p1 =	slt.u32 s9, $0xF7A;
	s5 =	simm.s32 @!p2 $0x0  }
0x1d: {  	s5 =	simm.s32 @p1 $0x1;
	p0 =	seq.s32 s7, s2  }
0x1e: {  	s7 =	smul.u32 @!p0 $0xF7A, s2;
	p2 =	seq.s32 @!p0 s5, $0x0  }
0x1f: {  	s9 =	smul.u32 $0xF7A, s1;
	s8 =	simm.s32 @!p0 $0x1BF5;
	p2 =	por !p2, p0  }
0x20: {  	[sflag:s8] =	ssyncset.s32 @!p0 $0xFFFFF086;
	s6 =	sadd.s32 @!p0 s3, s7;
	s7 =	simm.s32 @!p0 $0x108  }
0x21: {  	s3 =	sadd.s32 s3, s9;
	s6 =	sadd.s32 @!p0 $0x88, s6;
	s7 =	simm.s32 @p2 $0x1082  }
0x22: {  	[simem:s7], [sflag:s8] =	dma.local @!p0 [hbm:s6], $0xF7A  }
0x23: {  	s9 =	sor.u32 $0xD0000000, s2;
	s6 =	simm.s32 $0x108;
	_ =	swait.ge @!p0 [sflag:s8], $0x0  }
0x24: {  	s3 =	sadd.s32 $0x88, s3;
	s6 =	simm.s32 @!p1 $0x1082;
	[sflag:s4] =	ssyncset.s32 $0xFFFFF086  }
0x25: {  	[simem:s6], [sflag:s4] =	dma.local [hbm:s3], $0xF7A  }
0x26: {  	[smem:$0x3F8C] =	sst s1;
	(tag) =	ssettag s2;
	_ =	strace s9  }
0x27: {  	s1 =	sld [smem:$0x3F9C]  }
0x28: {  	s2 =	sld [smem:$0x3F9D]  }
0x29: {  	s4 =	sld [smem:$0x3F9F]  }
0x2a: {  	p0 =	seq.s32 s5, $0x0;
	s5 =	sld [smem:$0x3FA0]  }
0x2b: {  	s6 =	sld [smem:$0x3FA1]  }
0x2c: {  	s7 =	sld [smem:$0x3FA2]  }
0x2d: {  	s3 =	simm.s32 $0x108;
	s8 =	sld [smem:$0x3FA3]  }
0x2e: {  	s3 =	simm.s32 @!p0 $0x1082;
	s9 =	sld [smem:$0x3FA4]  }
0x2f: {  	lr =	sadd.s32 s0, s3;
	s0 =	sld [smem:$0x3F9B]  }
0x30: {  	s3 =	sld [smem:$0x3F9E]  }
0x31: {  	[smem:$0x3FA7] =	sst s10  }
0x32: {  	s10 =	sld [smem:$0x3FA5];
	_ =	sdelay $0x3  }
0x33: {  	p0 =	seq.s32 s10, $0x1;
	s10 =	sld [smem:$0x3FA7];
	_ =	sdelay $0x3  }
0x34: {  	[smem:$0x3FA7] =	sst s10  }
0x35: {  	s10 =	sld [smem:$0x3FA6];
	_ =	sdelay $0x3  }
0x36: {  	p1 =	seq.s32 s10, $0x1;
	s10 =	sld [smem:$0x3FA7];
	_ =	sdelay $0x3  }
0x37: {  	[smem:$0x3FA7] =	sst s10  }
0x38: {  	s10 =	sld [smem:$0x3FA8]  }
0x39: {  	_ = 	snop;
	(pc) =	sbr.ind lr, $3  }
0x3a: {  	_ = 	snop  }
0x3b: {  	_ = 	snop  }
0x3c: {  	p2 =	seq.s32 s10, $0x1;
	s10 =	sld [smem:$0x3FA7]  }
0x3d: {  	_ =	shalt  }
0x3e: {  	_ =	shalt  }
0x3f: {  	_ =	shalt  }
0x40: {  	_ =	shalt  }
0x41: {  	_ =	shalt  }
0x42: {  	_ =	shalt  }
0x43: {  	_ =	shalt  }
0x44: {  	_ =	shalt  }
0x45: {  	_ =	shalt  }
0x46: {  	_ =	shalt  }
0x47: {  	_ =	shalt  }
0x48: {  	_ =	shalt  }
0x49: {  	_ =	shalt  }
0x4a: {  	_ =	shalt  }
0x4b: {  	_ =	shalt  }
0x4c: {  	_ =	shalt  }
0x4d: {  	_ =	shalt  }
0x4e: {  	_ =	shalt  }
0x4f: {  	_ =	shalt  }
0x50: {  	_ =	shalt  }
0x51: {  	_ =	shalt  }
0x52: {  	_ =	shalt  }
0x53: {  	_ =	shalt  }
0x54: {  	_ =	shalt  }
0x55: {  	_ =	shalt  }
0x56: {  	_ =	shalt  }
0x57: {  	_ =	shalt  }
0x58: {  	_ =	shalt  }
0x59: {  	_ =	shalt  }
0x5a: {  	_ =	shalt  }
0x5b: {  	_ =	shalt  }
0x5c: {  	_ =	shalt  }
0x5d: {  	_ =	shalt  }
0x5e: {  	_ =	shalt  }
0x5f: {  	_ =	shalt  }
0x60: {  	_ =	shalt  }
0x61: {  	_ =	shalt  }
0x62: {  	_ =	shalt  }
0x63: {  	_ =	shalt  }
0x64: {  	_ =	shalt  }
0x65: {  	_ =	shalt  }
0x66: {  	_ =	shalt  }
0x67: {  	_ =	shalt  }
0x68: {  	_ =	shalt  }
0x69: {  	_ =	shalt  }
0x6a: {  	_ =	shalt  }
0x6b: {  	_ =	shalt  }
0x6c: {  	_ =	shalt  }
0x6d: {  	_ =	shalt  }
0x6e: {  	_ =	shalt  }
0x6f: {  	_ =	shalt  }
0x70: {  	_ =	shalt  }
0x71: {  	_ =	shalt  }
0x72: {  	_ =	shalt  }
0x73: {  	_ =	shalt  }
0x74: {  	_ =	shalt  }
0x75: {  	_ =	shalt  }
0x76: {  	_ =	shalt  }
0x77: {  	_ =	shalt  }
0x78: {  	_ =	shalt  }
0x79: {  	_ =	shalt  }
0x7a: {  	_ =	shalt  }
0x7b: {  	_ =	shalt  }
0x7c: {  	_ =	shalt  }
0x7d: {  	_ =	shalt  }
0x7e: {  	_ =	shalt  }
0x7f: {  	_ =	shalt  }
0x80: {  	_ =	shalt  }
0x81: {  	_ =	shalt  }
0x82: {  	_ =	shalt  }
0x83: {  	_ =	shalt  }
0x84: {  	_ =	shalt  }
0x85: {  	_ =	shalt  }
0x86: {  	_ =	shalt  }
0x87: {  	_ =	shalt  }
.Lfunc_end0:
.L_simem_size_0:
called_computation.1_lowered:
.L_overlay_start_0:
0x88: {  	s2 =	sld [smem:$0x3FD9]  }
0x89: {  	s3 =	sld [smem:$0x3FFE];
	_ =	sdelay $0x1  }
0x8a: {  	s1 =	srdreg.scid  }
0x8b: {  	s0 =	sand.u32 $0x1, s1  }
0x8c: {  	s16 =	sshll.u32 s0, $0xA;
	s2 =	sadd.s32 s3, s2  }
0x8d: {  	s2 =	sadd.s32 s2, s16  }
0x8e: {  	[smem:$0x3FB3] =	sst s2  }
0x8f: {  	_ = 	snop  }
0x90: {  	(tm) =	ssettm $0x1  }
0x91: {  	s17 =	sld [smem:$0x3FFB];
	_ =	sdelay $0x3  }
0x92: {  	_ =	strace s17  }
0x93: {  	s2 =	sld [smem:$0x3FFC];
	_ =	sdelay $0x3  }
0x94: {  	_ =	strace s2  }
0x95: {  	s2 =	sld [smem:$0x3FFD];
	_ =	sdelay $0x3  }
0x96: {  	_ =	strace s2  }
0x97: {  	_ =	strace $0x8FFFFFFF  }
0x98: {  	s18 =	sld [smem:$0x3FDB];
	_ =	sdelay $0x1  }
0x99: {  	s19 =	simm.s32 $_scs_section_size  }
0x9a: {  	s4 =	simm.s32 $_size__tile_overlayer_lowered;
	s5 =	simm.s32 $_tile_overlayer_lowered  }
0x9b: {  	s22 =	simm.s32 $0x1BFF;
	s21 =	sshll.u32 s5, $0x1;
	s2 =	sadd.s32 s19, s18  }
0x9c: {  	s6 =	simm.s32 $0x0;
	s20 =	sshll.u32 s4, $0x1;
	s4 =	sadd.s32 s21, s2  }
0x9d: {  	[timem:s6], [sflag:s22] =	dma.local [hbm:s4], s20  }
0x9e: {  	_ =	swait.ge [sflag:s22], s20  }
0x9f: {  	s3 =	ssub.s32 $0x0, s20;
	[sflag:s22] =	ssyncset.done $0x0  }
0xa0: {  	[sflag:s22] =	ssyncadd.s32 s3;
	_ =	sdelay $0x1  }
0xa1: {  	s23 =	simm.s32 $0x1B8B  }
0xa2: {  	_ =	swait.ge [sflag:s23], $0x1  }
0xa3: {  	[sflag:s23] =	ssyncset.done $0x0  }
0xa4: {  	s25 =	simm.s32 $0x1B8E;
	s24 =	sld [smem:$0x3FFE];
	[sflag:s23] =	ssyncadd.s32 $0xFFFFFFFF  }
0xa5: {  	s26 =	simm.s32 $execute0_lowered;
	[smem:$0x3FD2] =	sst s25  }
0xa6: {  	s4 =	sshll.u32 s26, $0x1;
	_ =	strace $0x80000046;
	[dreg:$0x1] =	wrdreg $0xFFFFFFFF  }
0xa7: {  	s28 =	simm.s32 $_size_execute0_lowered;
	s2 =	sadd.s32 s2, s4;
	[dreg:$0x0] =	wrdreg $0x0  }
0xa8: {  	s4 =	sshll.u32 s28, $0x1;
	[dreg:$0x2] =	wrdreg s2  }
0xa9: {  	[dreg:$0x3] =	wrdreg s4  }
0xaa: {  	[dreg:$0x4] =	wrdreg $0xC0  }
0xab: {  	_ =	task [dreg:s6], $0x5FFFF  }
0xac: {  	[dreg:$0x1] =	wrdreg $0xFFFFFFFF  }
0xad: {  	[dreg:$0x0] =	wrdreg $0x60  }
0xae: {  	[dreg:$0x2] =	wrdreg s24  }
0xaf: {  	[dreg:$0x3] =	wrdreg $0x90000  }
0xb0: {  	[dreg:$0x4] =	wrdreg $0xA  }
0xb1: {  	_ =	task.clear_ibuf [dreg:s6], $0x5FFFF;
	_ =	strace $0x90000046  }
0xb2: {  	s29 =	simm.s32 $0xA;
	_ =	strace $0x80000048  }
0xb3: {  	_ =	swait.ge [sflag:s29], $0x1  }
0xb4: {  	[sflag:s29] =	ssyncadd.s32 $0xFFFFFFFF  }
0xb5: {  	_ =	strace $0x90000048  }
0xb6: {  	_ =	sfence  }
0xb7: {  	s30 =	sld [smem:$0x0];
	_ =	sdelay $0x2  }
0xb8: {  	s31 =	sshll.u32 s1, $0xD;
	s1 =	sshrl.u32 s1, $0x2  }
0xb9: {  	s3 =	sand.u32 $0x4000, s31;
	s1 =	sadd.s32 s1, s30  }
0xba: {  	s0 =	sor.u32 s3, s0;
	s1 =	sshll.u32 s1, $0x11  }
0xbb: {  	s0 =	sor.u32 s1, s0  }
0xbc: {  	s0 =	sadd.s32 $0x8F2B, s0  }
0xbd: {  	[sflag:s0] =	ssyncadd.remote.s32 $0x1  }
0xbe: {  	_ =	sfence.sel $0xFFFF  }
0xbf: {  	[dreg:$0x0] =	wrdreg $0xFFFFFFFF;
	(pc) =	sbr.abs _section_cstart, $3  }
0xc0: {  	[dreg:$0x1] =	wrdreg $0xFFFFFFFF  }
0xc1: {  	_ =	task.clear_ibuf [dreg:s6], $0x2FFFF;
	_ =	strace $0x9FFFFFFF  }
0xc2: {  	(tm) =	ssettm $0x7FFFFFFF  }
0xc3: {  	_ =	shalt  }
tec
execute0_lowered:
.L_overlay_start_1:
0x0: {  	(tag) =	ssettag $0x1  }
0x1: {  	s0 =	srdreg.scid;
	s6 =	rddreg [dreg:$0x0]  }
0x2: {  	s2 =	rddreg [dreg:$0x1];
	s1 =	stileid.u32  }
0x3: {  	s3 =	simm.s32 $0x0;
	s16 =	simm.s32 $0x5000;
	s17 =	simm.s32 $0x1  }
0x4: {  	s7 =	sand.u32 $0x1, s0;
	s0 =	rddreg [dreg:$0x2];
	s10 =	smul.u32 $0x4F000, s1  }
0x5: {  	s20 =	simm.s32 $0x0;
	[smem:$0x7FF] =	sst s3;
	s25 =	smul.u32 $0x13800, s1  }
0x6: {  	s13 =	sadd.s32 $0x44600, s6;
	s14 =	smul.u32 $0x4E000, s1;
	s19 =	sadd.s32 $0x138000, s2  }
0x7: {  	s31 =	sshll.u32 s1, $0x6;
	p0 =	sne.s32 s1, $0xF;
	s4 =	sshll.u32 s7, $0x4  }
0x8: {  	_ =	strace $0x80000047;
	s9 =	ssub.s32 $0x2, s7;
	s12 =	smul.u32 $0x138800, s7  }
0x9: {  	s19 =	sshrl.u32 @!p0 s19, $0x3;
	s4 =	sor.u32 s1, s4;
	s11 =	sshrl.u32 s9, $0x1  }
0xa: {  	s10 =	sshrl.u32 s10, $0x2;
	s28 =	sshrl.u32 s14, $0x2;
	s5 =	smul.u32 $0x500, s4  }
0xb: {  	s4 =	sadd.s32 $0x1AC00, s6;
	s11 =	ssub.s32 s9, s11;
	s15 =	sadd.s32 s10, s2  }
0xc: {  	s26 =	sadd.s32 s25, s12;
	s29 =	sshrl.u32 s12, $0x3;
	s18 =	sadd.s32 s28, s2  }
0xd: {  	s12 =	simm.s32 $0x2800;
	s30 =	sadd.s32 s13, s29;
	s10 =	smax.u32 s11, $0x1  }
0xe: {  	s11 =	simm.s32 $0x2;
	s14 =	sshrl.u32 s15, $0x3;
	s15 =	simm.s32 $0x80  }
0xf: {  	s18 =	sshrl.u32 s18, $0x3;
	s8 =	sadd.s32 s5, s6;
	s5 =	sadd.s32 $0x41E00, s6  }
0x10: {  	s6 =	sadd.s32 $0x10C00, s8;
	s7 =	sadd.s32 $0x6C00, s8;
	s8 =	sshrl.u32 s26, $0x3  }
0x11: {  	s9 =	sadd.s32 $0x27000, s30;
	s8 =	sadd.s32 s13, s8;
	s13 =	sor.u32 $0x1C02, s31  }
.LBB2_1:
0x12: {  	[tilespmem:s3], [sflag:$0x2] =	stream.linear.gather [hbm4b:s6+s3], $0x2780, $0x38;
	[tilespmem:$0x1CC00] =	vst v63  }
0x13: {  	_ =	swait.ge [sflag:s11], $0x2780  }
0x14: {  	[sflag:s11] =	ssyncset.done $0x0  }
0x15: {  	[sflag:s11] =	ssyncadd.s32 $0xFFFFD880  }
0x16: {  	[tilespmem:s12], [sflag:$0x2] =	stream.linear.gather [hbm4b:s7+s3], $0x2780, $0x38;
	[tilespmem:$0x1CC00] =	vst v63  }
0x17: {  	_ =	swait.ge [sflag:s11], $0x2780  }
0x18: {  	[sflag:s11] =	ssyncset.done $0x0  }
0x19: {  	[sflag:s11] =	ssyncadd.s32 $0xFFFFD880  }
0x1a: {  	[spmem:s14], [sflag:s13] =	dma.local [hbm:s5], $0x2780  }
0x1b: {  	_ =	swait.ge [sflag:s11], $0x2780  }
0x1c: {  	[sflag:s11] =	ssyncset.done $0x0  }
0x1d: {  	[sflag:s11] =	ssyncadd.s32 $0xFFFFD880  }
0x1e: {  	s21 =	simm.s32 $0x0;
	[bflag:$0x0] =	sbarrier.arrive $0xFFFF  }
0x1f: {  	[tilespmem:s16], [sflag:$0x1] =	stream.indirect.gather [hbm4b:s4+s15], $0x80, s21, s15, $0xb8;
	[tilespmem:$0x1CC00] =	vst v63  }
0x20: {  	_ =	swait.ge [sflag:s17], $0x4000  }
0x21: {  	[sflag:s17] =	ssyncset.done $0x0  }
0x22: {  	s31 =	simm.s32 $0x2800;
	[sflag:s17] =	ssyncadd.s32 $0xFFFFC000  }
0x23: {  	[spmem:s2] =	stream.indirect.scatter.add.f32 [tilespmem:s16], [sflag:$0x2], $0x80, s31, s15, $0xb8;
	[tilespmem:$0x1CC00] =	vst v63  }
0x24: {  	_ =	swait.ge [sflag:s11], $0x4000  }
0x25: {  	s22 =	simm.s32 $0x400;
	s21 =	simm.s32 $0x200;
	[sflag:s11] =	ssyncset.done $0x0  }
.LBB2_2:
0x26: {  	s23 =	sshra.s32 s21, $0x2  }
0x27: {  	[sflag:s11] =	ssyncadd.s32 $0xFFFFC000;
	s21 =	smov.u32 s22;
	s24 =	sadd.s32 $0x200, s22  }
0x28: {  	[tilespmem:s16], [sflag:$0x1] =	stream.indirect.gather [hbm4b:s4+s15], $0x80, s23, s15, $0xb8;
	[tilespmem:$0x1CC00] =	vst v63  }
0x29: {  	p1 =	sne.s32 s22, $0x9C00;
	_ =	swait.ge [sflag:s17], $0x4000  }
.Ltmp0:
0x2a: {  	[sflag:s17] =	ssyncset.done $0x0;
	(pc) =	sbr.rel @p1 .LBB2_2-.Ltmp0, $4  }
0x2b: {  	s22 =	sadd.s32 $0x2800, s23;
	[sflag:s17] =	ssyncadd.s32 $0xFFFFC000  }
0x2c: {  	[spmem:s2] =	stream.indirect.scatter.add.f32 [tilespmem:s16], [sflag:$0x2], $0x80, s22, s15, $0xb8;
	[tilespmem:$0x1CC00] =	vst v63  }
0x2d: {  	_ =	swait.ge [sflag:s11], $0x4000  }
0x2e: {  	s22 =	smov.u32 s24;
	[sflag:s11] =	ssyncset.done $0x0  }
0x2f: {  	s21 =	sshra.s32 s21, $0x2;
	[sflag:s11] =	ssyncadd.s32 $0xFFFFC000  }
0x30: {  	[tilespmem:s16], [sflag:$0x1] =	stream.indirect.gather [hbm4b:s4+s15], $0x80, s21, s15, $0xb8;
	[tilespmem:$0x1CC00] =	vst v63  }
0x31: {  	_ =	swait.ge [sflag:s17], $0x4000  }
0x32: {  	[sflag:s17] =	ssyncset.done $0x0  }
0x33: {  	s21 =	sadd.s32 $0x2800, s21;
	[sflag:s17] =	ssyncadd.s32 $0xFFFFC000  }
0x34: {  	[spmem:s2] =	stream.indirect.scatter.add.f32 [tilespmem:s16], [sflag:$0x2], $0x80, s21, s15, $0xb8;
	[tilespmem:$0x1CC00] =	vst v63  }
0x35: {  	_ =	swait.ge [sflag:s11], $0x4000  }
0x36: {  	[sflag:s11] =	ssyncset.done $0x0  }
0x37: {  	[sflag:s11] =	ssyncadd.s32 $0xFFFFC000  }
0x38: {  	[bflag:$0x0] =	sbarrier.arrive $0xFFFF  }
0x39: {  	[hbm:s8], [sflag:s13] =	dma.local [spmem:s18], $0x2700  }
0x3a: {  	s20 =	sadd.s32 $0x1, s20;
	_ =	swait.ge [sflag:s11], $0x2700  }
0x3b: {  	p1 =	sne.s32 s20, s10;
	[sflag:s11] =	ssyncset.done $0x0  }
.Ltmp1:
0x3c: {  	s21 =	simm.s32 @!p0 $0x2;
	[sflag:s11] =	ssyncadd.s32 $0xFFFFD900;
	(pc) =	sbr.rel @p1 .LBB2_1-.Ltmp1, $4  }
0x3d: {  	[hbm:s9], [sflag:s13] =	dma.local @!p0 [spmem:s19], $0x100  }
0x3e: {  	_ =	swait.ge @!p0 [sflag:s21], $0x100  }
0x3f: {  	[sflag:s21] =	ssyncset.done @!p0 $0x0  }
0x40: {  	[sflag:s21] =	ssyncadd.s32 @!p0 $0xFFFFFF00  }
0x41: {  	_ =	sfence.sel $0x180000  }
0x42: {  	[bflag:$0x0] =	sbarrier.arrive $0xFFFF  }
0x43: {  	p0 =	sne.s32 s1, $0x0;
	_ =	strace $0x90000047  }
0x44: {  	s0 =	sadd.s32 @!p0 $0x100000, s0;
	[bflag:$0x2] =	sbarrier.arrive $0xFFFF  }
0x45: {  	[sflag:s0] =	ssyncadd.tile.s32 @!p0 $0x1;
	_ =	shalt  }
.Lfunc_end2:
_tile_overlayer_lowered:
.L_overlay_start_2:
0x46: {  	(tag) =	ssettag $0x2  }
0x47: {  	s0 =	rddreg [dreg:$0x0];
	s2 =	stileid.u32  }
0x48: {  	s1 =	rddreg [dreg:$0x1];
	p0 =	sne.s32 s2, $0x0  }
0x49: {  	s3 =	rddreg [dreg:$0x2];
	[bflag:$0x3] =	sbarrier.arrive $0xFFFF;
	s2 =	simm.s32 @!p0 $0x1C02  }
0x4a: {  	[timem:s3], [sflag:s2] =	dma.local @!p0 [hbm:s0], s1  }
0x4b: {  	s0 =	simm.s32 @!p0 $0x2  }
0x4c: {  	_ =	swait.ge @!p0 [sflag:s0], s1  }
0x4d: {  	s1 =	ssub.s32 @!p0 $0x0, s1;
	[sflag:s0] =	ssyncset.done @!p0 $0x0  }
0x4e: {  	[sflag:s0] =	ssyncadd.s32 @!p0 s1  }
0x4f: {  	[bflag:$0x3] =	sbarrier.arrive $0xFFFF  }
0x50: {  	_ =	shalt  }

// kernel: kernel.26.cloned.1.call-start
scs
__scs_entry_jumppad:
0x0: {  	(pc) =	sbr.rel $0x88, $3  }
0x1: {  	(tag) =	ssettag $0x0;
	lr =	simm.s32 $0x1  }
0x2: {  	[smem:$0x3F8C] =	sst lr;
	_ =	strace $0xD0000000  }
0x3: {  	_ = 	snop  }
0x4: {  	_ = 	snop  }
0x5: {  	_ = 	snop  }
0x6: {  	_ = 	snop  }
0x7: {  	_ = 	snop  }
__scs_overlays_trampoline_lowered:
0x8: {  	[smem:$0x3F9B] =	sst s0  }
0x9: {  	[smem:$0x3F9C] =	sst s1  }
0xa: {  	[smem:$0x3F9D] =	sst s2  }
0xb: {  	[smem:$0x3F9E] =	sst s3  }
0xc: {  	[smem:$0x3F9F] =	sst s4  }
0xd: {  	[smem:$0x3FA0] =	sst s5  }
0xe: {  	[smem:$0x3FA1] =	sst s6  }
0xf: {  	[smem:$0x3FA2] =	sst s7  }
0x10: {  	[smem:$0x3FA3] =	sst s8  }
0x11: {  	[smem:$0x3FA4] =	sst s9;
	s0 =	simm.s32 @!p0 $0x0  }
0x12: {  	s1 =	sld [smem:$0x3F8A];
	s0 =	simm.s32 @p0 $0x1  }
0x13: {  	[smem:$0x3FA5] =	sst s0;
	s0 =	simm.s32 @!p1 $0x0  }
0x14: {  	s2 =	sld [smem:$0x3F89];
	s0 =	simm.s32 @p1 $0x1  }
0x15: {  	[smem:$0x3FA6] =	sst s0;
	s0 =	simm.s32 @!p2 $0x0  }
0x16: {  	s3 =	sld [smem:$0x3FDB];
	s0 =	simm.s32 @p2 $0x1  }
0x17: {  	s4 =	simm.s32 $0x1BF5;
	[smem:$0x3FA8] =	sst s0  }
0x18: {  	s0 =	sld [smem:$0x3F8B];
	_ =	swait.ge [sflag:s4], $0x0  }
0x19: {  	s7 =	sld [smem:$0x3F8C]  }
0x1a: {  	s8 =	sadd.s32 $0xFFFFE003, lr  }
0x1b: {  	s9 =	sadd.s32 $0xFFFFFEF7, lr;
	s5 =	simm.s32 $0xFFFFFFFF;
	p2 =	slt.u32 s8, $0xFFFFF086  }
0x1c: {  	p1 =	slt.u32 s9, $0xF7A;
	s5 =	simm.s32 @!p2 $0x0  }
0x1d: {  	s5 =	simm.s32 @p1 $0x1;
	p0 =	seq.s32 s7, s2  }
0x1e: {  	s7 =	smul.u32 @!p0 $0xF7A, s2;
	p2 =	seq.s32 @!p0 s5, $0x0  }
0x1f: {  	s9 =	smul.u32 $0xF7A, s1;
	s8 =	simm.s32 @!p0 $0x1BF5;
	p2 =	por !p2, p0  }
0x20: {  	[sflag:s8] =	ssyncset.s32 @!p0 $0xFFFFF086;
	s6 =	sadd.s32 @!p0 s3, s7;
	s7 =	simm.s32 @!p0 $0x108  }
0x21: {  	s3 =	sadd.s32 s3, s9;
	s6 =	sadd.s32 @!p0 $0x88, s6;
	s7 =	simm.s32 @p2 $0x1082  }
0x22: {  	[simem:s7], [sflag:s8] =	dma.local @!p0 [hbm:s6], $0xF7A  }
0x23: {  	s9 =	sor.u32 $0xD0000000, s2;
	s6 =	simm.s32 $0x108;
	_ =	swait.ge @!p0 [sflag:s8], $0x0  }
0x24: {  	s3 =	sadd.s32 $0x88, s3;
	s6 =	simm.s32 @!p1 $0x1082;
	[sflag:s4] =	ssyncset.s32 $0xFFFFF086  }
0x25: {  	[simem:s6], [sflag:s4] =	dma.local [hbm:s3], $0xF7A  }
0x26: {  	[smem:$0x3F8C] =	sst s1;
	(tag) =	ssettag s2;
	_ =	strace s9  }
0x27: {  	s1 =	sld [smem:$0x3F9C]  }
0x28: {  	s2 =	sld [smem:$0x3F9D]  }
0x29: {  	s4 =	sld [smem:$0x3F9F]  }
0x2a: {  	p0 =	seq.s32 s5, $0x0;
	s5 =	sld [smem:$0x3FA0]  }
0x2b: {  	s6 =	sld [smem:$0x3FA1]  }
0x2c: {  	s7 =	sld [smem:$0x3FA2]  }
0x2d: {  	s3 =	simm.s32 $0x108;
	s8 =	sld [smem:$0x3FA3]  }
0x2e: {  	s3 =	simm.s32 @!p0 $0x1082;
	s9 =	sld [smem:$0x3FA4]  }
0x2f: {  	lr =	sadd.s32 s0, s3;
	s0 =	sld [smem:$0x3F9B]  }
0x30: {  	s3 =	sld [smem:$0x3F9E]  }
0x31: {  	[smem:$0x3FA7] =	sst s10  }
0x32: {  	s10 =	sld [smem:$0x3FA5];
	_ =	sdelay $0x3  }
0x33: {  	p0 =	seq.s32 s10, $0x1;
	s10 =	sld [smem:$0x3FA7];
	_ =	sdelay $0x3  }
0x34: {  	[smem:$0x3FA7] =	sst s10  }
0x35: {  	s10 =	sld [smem:$0x3FA6];
	_ =	sdelay $0x3  }
0x36: {  	p1 =	seq.s32 s10, $0x1;
	s10 =	sld [smem:$0x3FA7];
	_ =	sdelay $0x3  }
0x37: {  	[smem:$0x3FA7] =	sst s10  }
0x38: {  	s10 =	sld [smem:$0x3FA8]  }
0x39: {  	_ = 	snop;
	(pc) =	sbr.ind lr, $3  }
0x3a: {  	_ = 	snop  }
0x3b: {  	_ = 	snop  }
0x3c: {  	p2 =	seq.s32 s10, $0x1;
	s10 =	sld [smem:$0x3FA7]  }
0x3d: {  	_ =	shalt  }
0x3e: {  	_ =	shalt  }
0x3f: {  	_ =	shalt  }
0x40: {  	_ =	shalt  }
0x41: {  	_ =	shalt  }
0x42: {  	_ =	shalt  }
0x43: {  	_ =	shalt  }
0x44: {  	_ =	shalt  }
0x45: {  	_ =	shalt  }
0x46: {  	_ =	shalt  }
0x47: {  	_ =	shalt  }
0x48: {  	_ =	shalt  }
0x49: {  	_ =	shalt  }
0x4a: {  	_ =	shalt  }
0x4b: {  	_ =	shalt  }
0x4c: {  	_ =	shalt  }
0x4d: {  	_ =	shalt  }
0x4e: {  	_ =	shalt  }
0x4f: {  	_ =	shalt  }
0x50: {  	_ =	shalt  }
0x51: {  	_ =	shalt  }
0x52: {  	_ =	shalt  }
0x53: {  	_ =	shalt  }
0x54: {  	_ =	shalt  }
0x55: {  	_ =	shalt  }
0x56: {  	_ =	shalt  }
0x57: {  	_ =	shalt  }
0x58: {  	_ =	shalt  }
0x59: {  	_ =	shalt  }
0x5a: {  	_ =	shalt  }
0x5b: {  	_ =	shalt  }
0x5c: {  	_ =	shalt  }
0x5d: {  	_ =	shalt  }
0x5e: {  	_ =	shalt  }
0x5f: {  	_ =	shalt  }
0x60: {  	_ =	shalt  }
0x61: {  	_ =	shalt  }
0x62: {  	_ =	shalt  }
0x63: {  	_ =	shalt  }
0x64: {  	_ =	shalt  }
0x65: {  	_ =	shalt  }
0x66: {  	_ =	shalt  }
0x67: {  	_ =	shalt  }
0x68: {  	_ =	shalt  }
0x69: {  	_ =	shalt  }
0x6a: {  	_ =	shalt  }
0x6b: {  	_ =	shalt  }
0x6c: {  	_ =	shalt  }
0x6d: {  	_ =	shalt  }
0x6e: {  	_ =	shalt  }
0x6f: {  	_ =	shalt  }
0x70: {  	_ =	shalt  }
0x71: {  	_ =	shalt  }
0x72: {  	_ =	shalt  }
0x73: {  	_ =	shalt  }
0x74: {  	_ =	shalt  }
0x75: {  	_ =	shalt  }
0x76: {  	_ =	shalt  }
0x77: {  	_ =	shalt  }
0x78: {  	_ =	shalt  }
0x79: {  	_ =	shalt  }
0x7a: {  	_ =	shalt  }
0x7b: {  	_ =	shalt  }
0x7c: {  	_ =	shalt  }
0x7d: {  	_ =	shalt  }
0x7e: {  	_ =	shalt  }
0x7f: {  	_ =	shalt  }
0x80: {  	_ =	shalt  }
0x81: {  	_ =	shalt  }
0x82: {  	_ =	shalt  }
0x83: {  	_ =	shalt  }
0x84: {  	_ =	shalt  }
0x85: {  	_ =	shalt  }
0x86: {  	_ =	shalt  }
0x87: {  	_ =	shalt  }
.Lfunc_end0:
.L_simem_size_0:
called_computation.2_lowered:
.L_overlay_start_0:
0x88: {  	s2 =	sld [smem:$0x3FD9]  }
0x89: {  	s3 =	sld [smem:$0x3FFE];
	_ =	sdelay $0x1  }
0x8a: {  	s1 =	srdreg.scid  }
0x8b: {  	s0 =	sand.u32 $0x1, s1  }
0x8c: {  	s16 =	sshll.u32 s0, $0xA;
	s2 =	sadd.s32 s3, s2  }
0x8d: {  	s2 =	sadd.s32 s2, s16  }
0x8e: {  	[smem:$0x3FB3] =	sst s2  }
0x8f: {  	_ = 	snop  }
0x90: {  	(tm) =	ssettm $0x1  }
0x91: {  	s17 =	sld [smem:$0x3FFB];
	_ =	sdelay $0x3  }
0x92: {  	_ =	strace s17  }
0x93: {  	s2 =	sld [smem:$0x3FFC];
	_ =	sdelay $0x3  }
0x94: {  	_ =	strace s2  }
0x95: {  	s2 =	sld [smem:$0x3FFD];
	_ =	sdelay $0x3  }
0x96: {  	_ =	strace s2  }
0x97: {  	_ =	strace $0x8FFFFFFF  }
0x98: {  	s18 =	sld [smem:$0x3FDB];
	_ =	sdelay $0x1  }
0x99: {  	s19 =	simm.s32 $_scs_section_size  }
0x9a: {  	s4 =	simm.s32 $_size__tile_overlayer_lowered;
	s5 =	simm.s32 $_tile_overlayer_lowered  }
0x9b: {  	s22 =	simm.s32 $0x1BFF;
	s21 =	sshll.u32 s5, $0x1;
	s2 =	sadd.s32 s19, s18  }
0x9c: {  	s6 =	simm.s32 $0x0;
	s20 =	sshll.u32 s4, $0x1;
	s4 =	sadd.s32 s21, s2  }
0x9d: {  	[timem:s6], [sflag:s22] =	dma.local [hbm:s4], s20  }
0x9e: {  	_ =	swait.ge [sflag:s22], s20  }
0x9f: {  	s3 =	ssub.s32 $0x0, s20;
	[sflag:s22] =	ssyncset.done $0x0  }
0xa0: {  	[sflag:s22] =	ssyncadd.s32 s3;
	_ =	sdelay $0x1  }
0xa1: {  	s23 =	simm.s32 $0x1B8B  }
0xa2: {  	_ =	swait.ge [sflag:s23], $0x1  }
0xa3: {  	[sflag:s23] =	ssyncset.done $0x0  }
0xa4: {  	s25 =	simm.s32 $0x1B8E;
	s24 =	sld [smem:$0x3FFE];
	[sflag:s23] =	ssyncadd.s32 $0xFFFFFFFF  }
0xa5: {  	s26 =	simm.s32 $execute0_lowered;
	[smem:$0x3FD2] =	sst s25  }
0xa6: {  	s4 =	sshll.u32 s26, $0x1;
	_ =	strace $0x8000004C;
	[dreg:$0x1] =	wrdreg $0xFFFFFFFF  }
0xa7: {  	s28 =	simm.s32 $_size_execute0_lowered;
	s2 =	sadd.s32 s2, s4;
	[dreg:$0x0] =	wrdreg $0x0  }
0xa8: {  	s4 =	sshll.u32 s28, $0x1;
	[dreg:$0x2] =	wrdreg s2  }
0xa9: {  	[dreg:$0x3] =	wrdreg s4  }
0xaa: {  	[dreg:$0x4] =	wrdreg $0xC0  }
0xab: {  	_ =	task [dreg:s6], $0x5FFFF  }
0xac: {  	[dreg:$0x1] =	wrdreg $0xFFFFFFFF  }
0xad: {  	[dreg:$0x0] =	wrdreg $0x60  }
0xae: {  	[dreg:$0x2] =	wrdreg s24  }
0xaf: {  	[dreg:$0x3] =	wrdreg $0x90000  }
0xb0: {  	[dreg:$0x4] =	wrdreg $0x9  }
0xb1: {  	_ =	task.clear_ibuf [dreg:s6], $0x5FFFF;
	_ =	strace $0x9000004C  }
0xb2: {  	s29 =	simm.s32 $0x9;
	_ =	strace $0x8000004E  }
0xb3: {  	_ =	swait.ge [sflag:s29], $0x1  }
0xb4: {  	[sflag:s29] =	ssyncadd.s32 $0xFFFFFFFF  }
0xb5: {  	_ =	strace $0x9000004E  }
0xb6: {  	_ =	sfence  }
0xb7: {  	s30 =	sld [smem:$0x0];
	_ =	sdelay $0x2  }
0xb8: {  	s31 =	sshll.u32 s1, $0xD;
	s1 =	sshrl.u32 s1, $0x2  }
0xb9: {  	s3 =	sand.u32 $0x4000, s31;
	s1 =	sadd.s32 s1, s30  }
0xba: {  	s0 =	sor.u32 s3, s0;
	s1 =	sshll.u32 s1, $0x11  }
0xbb: {  	s0 =	sor.u32 s1, s0  }
0xbc: {  	s0 =	sadd.s32 $0x8F2B, s0  }
0xbd: {  	[sflag:s0] =	ssyncadd.remote.s32 $0x1  }
0xbe: {  	_ =	sfence.sel $0xFFFF  }
0xbf: {  	[dreg:$0x0] =	wrdreg $0xFFFFFFFF;
	(pc) =	sbr.abs _section_cstart, $3  }
0xc0: {  	[dreg:$0x1] =	wrdreg $0xFFFFFFFF  }
0xc1: {  	_ =	task.clear_ibuf [dreg:s6], $0x2FFFF;
	_ =	strace $0x9FFFFFFF  }
0xc2: {  	(tm) =	ssettm $0x7FFFFFFF  }
0xc3: {  	_ =	shalt  }
tec
execute0_lowered:
.L_overlay_start_1:
0x0: {  	(tag) =	ssettag $0x1  }
0x1: {  	s0 =	srdreg.scid;
	s6 =	rddreg [dreg:$0x0]  }
0x2: {  	s2 =	rddreg [dreg:$0x1];
	s1 =	stileid.u32  }
0x3: {  	s3 =	simm.s32 $0x0;
	s16 =	simm.s32 $0x5000;
	s17 =	simm.s32 $0x1  }
0x4: {  	s7 =	sand.u32 $0x1, s0;
	s0 =	rddreg [dreg:$0x2];
	s10 =	smul.u32 $0x4F000, s1  }
0x5: {  	s20 =	simm.s32 $0x0;
	[smem:$0x7FF] =	sst s3;
	s25 =	smul.u32 $0x13800, s1  }
0x6: {  	s13 =	sadd.s32 $0x44600, s6;
	s14 =	smul.u32 $0x4E000, s1;
	s19 =	sadd.s32 $0x138000, s2  }
0x7: {  	s31 =	sshll.u32 s1, $0x6;
	p0 =	sne.s32 s1, $0xF;
	s4 =	sshll.u32 s7, $0x4  }
0x8: {  	_ =	strace $0x8000004D;
	s9 =	ssub.s32 $0x2, s7;
	s12 =	smul.u32 $0x138800, s7  }
0x9: {  	s19 =	sshrl.u32 @!p0 s19, $0x3;
	s4 =	sor.u32 s1, s4;
	s11 =	sshrl.u32 s9, $0x1  }
0xa: {  	s10 =	sshrl.u32 s10, $0x2;
	s28 =	sshrl.u32 s14, $0x2;
	s5 =	smul.u32 $0x500, s4  }
0xb: {  	s4 =	sadd.s32 $0x1AC00, s6;
	s11 =	ssub.s32 s9, s11;
	s15 =	sadd.s32 s10, s2  }
0xc: {  	s26 =	sadd.s32 s25, s12;
	s29 =	sshrl.u32 s12, $0x3;
	s18 =	sadd.s32 s28, s2  }
0xd: {  	s12 =	simm.s32 $0x2800;
	s30 =	sadd.s32 s13, s29;
	s10 =	smax.u32 s11, $0x1  }
0xe: {  	s11 =	simm.s32 $0x2;
	s14 =	sshrl.u32 s15, $0x3;
	s15 =	simm.s32 $0x80  }
0xf: {  	s18 =	sshrl.u32 s18, $0x3;
	s8 =	sadd.s32 s5, s6;
	s5 =	sadd.s32 $0x41E00, s6  }
0x10: {  	s6 =	sadd.s32 $0x10C00, s8;
	s7 =	sadd.s32 $0x6C00, s8;
	s8 =	sshrl.u32 s26, $0x3  }
0x11: {  	s9 =	sadd.s32 $0x27000, s30;
	s8 =	sadd.s32 s13, s8;
	s13 =	sor.u32 $0x1C02, s31  }
.LBB2_1:
0x12: {  	[tilespmem:s3], [sflag:$0x2] =	stream.linear.gather [hbm4b:s6+s3], $0x2780, $0x38;
	[tilespmem:$0x1CC00] =	vst v63  }
0x13: {  	_ =	swait.ge [sflag:s11], $0x2780  }
0x14: {  	[sflag:s11] =	ssyncset.done $0x0  }
0x15: {  	[sflag:s11] =	ssyncadd.s32 $0xFFFFD880  }
0x16: {  	[tilespmem:s12], [sflag:$0x2] =	stream.linear.gather [hbm4b:s7+s3], $0x2780, $0x38;
	[tilespmem:$0x1CC00] =	vst v63  }
0x17: {  	_ =	swait.ge [sflag:s11], $0x2780  }
0x18: {  	[sflag:s11] =	ssyncset.done $0x0  }
0x19: {  	[sflag:s11] =	ssyncadd.s32 $0xFFFFD880  }
0x1a: {  	[spmem:s14], [sflag:s13] =	dma.local [hbm:s5], $0x2780  }
0x1b: {  	_ =	swait.ge [sflag:s11], $0x2780  }
0x1c: {  	[sflag:s11] =	ssyncset.done $0x0  }
0x1d: {  	[sflag:s11] =	ssyncadd.s32 $0xFFFFD880  }
0x1e: {  	s21 =	simm.s32 $0x0;
	[bflag:$0x0] =	sbarrier.arrive $0xFFFF  }
0x1f: {  	[tilespmem:s16], [sflag:$0x1] =	stream.indirect.gather [hbm4b:s4+s15], $0x80, s21, s15, $0xb8;
	[tilespmem:$0x1CC00] =	vst v63  }
0x20: {  	_ =	swait.ge [sflag:s17], $0x4000  }
0x21: {  	[sflag:s17] =	ssyncset.done $0x0  }
0x22: {  	s31 =	simm.s32 $0x2800;
	[sflag:s17] =	ssyncadd.s32 $0xFFFFC000  }
0x23: {  	[spmem:s2] =	stream.indirect.scatter.add.f32 [tilespmem:s16], [sflag:$0x2], $0x80, s31, s15, $0xb8;
	[tilespmem:$0x1CC00] =	vst v63  }
0x24: {  	_ =	swait.ge [sflag:s11], $0x4000  }
0x25: {  	s22 =	simm.s32 $0x400;
	s21 =	simm.s32 $0x200;
	[sflag:s11] =	ssyncset.done $0x0  }
.LBB2_2:
0x26: {  	s23 =	sshra.s32 s21, $0x2  }
0x27: {  	[sflag:s11] =	ssyncadd.s32 $0xFFFFC000;
	s21 =	smov.u32 s22;
	s24 =	sadd.s32 $0x200, s22  }
0x28: {  	[tilespmem:s16], [sflag:$0x1] =	stream.indirect.gather [hbm4b:s4+s15], $0x80, s23, s15, $0xb8;
	[tilespmem:$0x1CC00] =	vst v63  }
0x29: {  	p1 =	sne.s32 s22, $0x9C00;
	_ =	swait.ge [sflag:s17], $0x4000  }
.Ltmp0:
0x2a: {  	[sflag:s17] =	ssyncset.done $0x0;
	(pc) =	sbr.rel @p1 .LBB2_2-.Ltmp0, $4  }
0x2b: {  	s22 =	sadd.s32 $0x2800, s23;
	[sflag:s17] =	ssyncadd.s32 $0xFFFFC000  }
0x2c: {  	[spmem:s2] =	stream.indirect.scatter.add.f32 [tilespmem:s16], [sflag:$0x2], $0x80, s22, s15, $0xb8;
	[tilespmem:$0x1CC00] =	vst v63  }
0x2d: {  	_ =	swait.ge [sflag:s11], $0x4000  }
0x2e: {  	s22 =	smov.u32 s24;
	[sflag:s11] =	ssyncset.done $0x0  }
0x2f: {  	s21 =	sshra.s32 s21, $0x2;
	[sflag:s11] =	ssyncadd.s32 $0xFFFFC000  }
0x30: {  	[tilespmem:s16], [sflag:$0x1] =	stream.indirect.gather [hbm4b:s4+s15], $0x80, s21, s15, $0xb8;
	[tilespmem:$0x1CC00] =	vst v63  }
0x31: {  	_ =	swait.ge [sflag:s17], $0x4000  }
0x32: {  	[sflag:s17] =	ssyncset.done $0x0  }
0x33: {  	s21 =	sadd.s32 $0x2800, s21;
	[sflag:s17] =	ssyncadd.s32 $0xFFFFC000  }
0x34: {  	[spmem:s2] =	stream.indirect.scatter.add.f32 [tilespmem:s16], [sflag:$0x2], $0x80, s21, s15, $0xb8;
	[tilespmem:$0x1CC00] =	vst v63  }
0x35: {  	_ =	swait.ge [sflag:s11], $0x4000  }
0x36: {  	[sflag:s11] =	ssyncset.done $0x0  }
0x37: {  	[sflag:s11] =	ssyncadd.s32 $0xFFFFC000  }
0x38: {  	[bflag:$0x0] =	sbarrier.arrive $0xFFFF  }
0x39: {  	[hbm:s8], [sflag:s13] =	dma.local [spmem:s18], $0x2700  }
0x3a: {  	s20 =	sadd.s32 $0x1, s20;
	_ =	swait.ge [sflag:s11], $0x2700  }
0x3b: {  	p1 =	sne.s32 s20, s10;
	[sflag:s11] =	ssyncset.done $0x0  }
.Ltmp1:
0x3c: {  	s21 =	simm.s32 @!p0 $0x2;
	[sflag:s11] =	ssyncadd.s32 $0xFFFFD900;
	(pc) =	sbr.rel @p1 .LBB2_1-.Ltmp1, $4  }
0x3d: {  	[hbm:s9], [sflag:s13] =	dma.local @!p0 [spmem:s19], $0x100  }
0x3e: {  	_ =	swait.ge @!p0 [sflag:s21], $0x100  }
0x3f: {  	[sflag:s21] =	ssyncset.done @!p0 $0x0  }
0x40: {  	[sflag:s21] =	ssyncadd.s32 @!p0 $0xFFFFFF00  }
0x41: {  	_ =	sfence.sel $0x180000  }
0x42: {  	[bflag:$0x0] =	sbarrier.arrive $0xFFFF  }
0x43: {  	p0 =	sne.s32 s1, $0x0;
	_ =	strace $0x9000004D  }
0x44: {  	s0 =	sadd.s32 @!p0 $0x100000, s0;
	[bflag:$0x2] =	sbarrier.arrive $0xFFFF  }
0x45: {  	[sflag:s0] =	ssyncadd.tile.s32 @!p0 $0x1;
	_ =	shalt  }
.Lfunc_end2:
_tile_overlayer_lowered:
.L_overlay_start_2:
0x46: {  	(tag) =	ssettag $0x2  }
0x47: {  	s0 =	rddreg [dreg:$0x0];
	s2 =	stileid.u32  }
0x48: {  	s1 =	rddreg [dreg:$0x1];
	p0 =	sne.s32 s2, $0x0  }
0x49: {  	s3 =	rddreg [dreg:$0x2];
	[bflag:$0x3] =	sbarrier.arrive $0xFFFF;
	s2 =	simm.s32 @!p0 $0x1C02  }
0x4a: {  	[timem:s3], [sflag:s2] =	dma.local @!p0 [hbm:s0], s1  }
0x4b: {  	s0 =	simm.s32 @!p0 $0x2  }
0x4c: {  	_ =	swait.ge @!p0 [sflag:s0], s1  }
0x4d: {  	s1 =	ssub.s32 @!p0 $0x0, s1;
	[sflag:s0] =	ssyncset.done @!p0 $0x0  }
0x4e: {  	[sflag:s0] =	ssyncadd.s32 @!p0 s1  }
0x4f: {  	[bflag:$0x3] =	sbarrier.arrive $0xFFFF  }
0x50: {  	_ =	shalt  }

// kernel: kernel.29.cloned.1.call-start
scs
__scs_entry_jumppad:
0x0: {  	(pc) =	sbr.rel $0x88, $3  }
0x1: {  	(tag) =	ssettag $0x0;
	lr =	simm.s32 $0x1  }
0x2: {  	[smem:$0x3F8C] =	sst lr;
	_ =	strace $0xD0000000  }
0x3: {  	_ = 	snop  }
0x4: {  	_ = 	snop  }
0x5: {  	_ = 	snop  }
0x6: {  	_ = 	snop  }
0x7: {  	_ = 	snop  }
__scs_overlays_trampoline_lowered:
0x8: {  	[smem:$0x3F9B] =	sst s0  }
0x9: {  	[smem:$0x3F9C] =	sst s1  }
0xa: {  	[smem:$0x3F9D] =	sst s2  }
0xb: {  	[smem:$0x3F9E] =	sst s3  }
0xc: {  	[smem:$0x3F9F] =	sst s4  }
0xd: {  	[smem:$0x3FA0] =	sst s5  }
0xe: {  	[smem:$0x3FA1] =	sst s6  }
0xf: {  	[smem:$0x3FA2] =	sst s7  }
0x10: {  	[smem:$0x3FA3] =	sst s8  }
0x11: {  	[smem:$0x3FA4] =	sst s9;
	s0 =	simm.s32 @!p0 $0x0  }
0x12: {  	s1 =	sld [smem:$0x3F8A];
	s0 =	simm.s32 @p0 $0x1  }
0x13: {  	[smem:$0x3FA5] =	sst s0;
	s0 =	simm.s32 @!p1 $0x0  }
0x14: {  	s2 =	sld [smem:$0x3F89];
	s0 =	simm.s32 @p1 $0x1  }
0x15: {  	[smem:$0x3FA6] =	sst s0;
	s0 =	simm.s32 @!p2 $0x0  }
0x16: {  	s3 =	sld [smem:$0x3FDB];
	s0 =	simm.s32 @p2 $0x1  }
0x17: {  	s4 =	simm.s32 $0x1BF5;
	[smem:$0x3FA8] =	sst s0  }
0x18: {  	s0 =	sld [smem:$0x3F8B];
	_ =	swait.ge [sflag:s4], $0x0  }
0x19: {  	s7 =	sld [smem:$0x3F8C]  }
0x1a: {  	s8 =	sadd.s32 $0xFFFFE003, lr  }
0x1b: {  	s9 =	sadd.s32 $0xFFFFFEF7, lr;
	s5 =	simm.s32 $0xFFFFFFFF;
	p2 =	slt.u32 s8, $0xFFFFF086  }
0x1c: {  	p1 =	slt.u32 s9, $0xF7A;
	s5 =	simm.s32 @!p2 $0x0  }
0x1d: {  	s5 =	simm.s32 @p1 $0x1;
	p0 =	seq.s32 s7, s2  }
0x1e: {  	s7 =	smul.u32 @!p0 $0xF7A, s2;
	p2 =	seq.s32 @!p0 s5, $0x0  }
0x1f: {  	s9 =	smul.u32 $0xF7A, s1;
	s8 =	simm.s32 @!p0 $0x1BF5;
	p2 =	por !p2, p0  }
0x20: {  	[sflag:s8] =	ssyncset.s32 @!p0 $0xFFFFF086;
	s6 =	sadd.s32 @!p0 s3, s7;
	s7 =	simm.s32 @!p0 $0x108  }
0x21: {  	s3 =	sadd.s32 s3, s9;
	s6 =	sadd.s32 @!p0 $0x88, s6;
	s7 =	simm.s32 @p2 $0x1082  }
0x22: {  	[simem:s7], [sflag:s8] =	dma.local @!p0 [hbm:s6], $0xF7A  }
0x23: {  	s9 =	sor.u32 $0xD0000000, s2;
	s6 =	simm.s32 $0x108;
	_ =	swait.ge @!p0 [sflag:s8], $0x0  }
0x24: {  	s3 =	sadd.s32 $0x88, s3;
	s6 =	simm.s32 @!p1 $0x1082;
	[sflag:s4] =	ssyncset.s32 $0xFFFFF086  }
0x25: {  	[simem:s6], [sflag:s4] =	dma.local [hbm:s3], $0xF7A  }
0x26: {  	[smem:$0x3F8C] =	sst s1;
	(tag) =	ssettag s2;
	_ =	strace s9  }
0x27: {  	s1 =	sld [smem:$0x3F9C]  }
0x28: {  	s2 =	sld [smem:$0x3F9D]  }
0x29: {  	s4 =	sld [smem:$0x3F9F]  }
0x2a: {  	p0 =	seq.s32 s5, $0x0;
	s5 =	sld [smem:$0x3FA0]  }
0x2b: {  	s6 =	sld [smem:$0x3FA1]  }
0x2c: {  	s7 =	sld [smem:$0x3FA2]  }
0x2d: {  	s3 =	simm.s32 $0x108;
	s8 =	sld [smem:$0x3FA3]  }
0x2e: {  	s3 =	simm.s32 @!p0 $0x1082;
	s9 =	sld [smem:$0x3FA4]  }
0x2f: {  	lr =	sadd.s32 s0, s3;
	s0 =	sld [smem:$0x3F9B]  }
0x30: {  	s3 =	sld [smem:$0x3F9E]  }
0x31: {  	[smem:$0x3FA7] =	sst s10  }
0x32: {  	s10 =	sld [smem:$0x3FA5];
	_ =	sdelay $0x3  }
0x33: {  	p0 =	seq.s32 s10, $0x1;
	s10 =	sld [smem:$0x3FA7];
	_ =	sdelay $0x3  }
0x34: {  	[smem:$0x3FA7] =	sst s10  }
0x35: {  	s10 =	sld [smem:$0x3FA6];
	_ =	sdelay $0x3  }
0x36: {  	p1 =	seq.s32 s10, $0x1;
	s10 =	sld [smem:$0x3FA7];
	_ =	sdelay $0x3  }
0x37: {  	[smem:$0x3FA7] =	sst s10  }
0x38: {  	s10 =	sld [smem:$0x3FA8]  }
0x39: {  	_ = 	snop;
	(pc) =	sbr.ind lr, $3  }
0x3a: {  	_ = 	snop  }
0x3b: {  	_ = 	snop  }
0x3c: {  	p2 =	seq.s32 s10, $0x1;
	s10 =	sld [smem:$0x3FA7]  }
0x3d: {  	_ =	shalt  }
0x3e: {  	_ =	shalt  }
0x3f: {  	_ =	shalt  }
0x40: {  	_ =	shalt  }
0x41: {  	_ =	shalt  }
0x42: {  	_ =	shalt  }
0x43: {  	_ =	shalt  }
0x44: {  	_ =	shalt  }
0x45: {  	_ =	shalt  }
0x46: {  	_ =	shalt  }
0x47: {  	_ =	shalt  }
0x48: {  	_ =	shalt  }
0x49: {  	_ =	shalt  }
0x4a: {  	_ =	shalt  }
0x4b: {  	_ =	shalt  }
0x4c: {  	_ =	shalt  }
0x4d: {  	_ =	shalt  }
0x4e: {  	_ =	shalt  }
0x4f: {  	_ =	shalt  }
0x50: {  	_ =	shalt  }
0x51: {  	_ =	shalt  }
0x52: {  	_ =	shalt  }
0x53: {  	_ =	shalt  }
0x54: {  	_ =	shalt  }
0x55: {  	_ =	shalt  }
0x56: {  	_ =	shalt  }
0x57: {  	_ =	shalt  }
0x58: {  	_ =	shalt  }
0x59: {  	_ =	shalt  }
0x5a: {  	_ =	shalt  }
0x5b: {  	_ =	shalt  }
0x5c: {  	_ =	shalt  }
0x5d: {  	_ =	shalt  }
0x5e: {  	_ =	shalt  }
0x5f: {  	_ =	shalt  }
0x60: {  	_ =	shalt  }
0x61: {  	_ =	shalt  }
0x62: {  	_ =	shalt  }
0x63: {  	_ =	shalt  }
0x64: {  	_ =	shalt  }
0x65: {  	_ =	shalt  }
0x66: {  	_ =	shalt  }
0x67: {  	_ =	shalt  }
0x68: {  	_ =	shalt  }
0x69: {  	_ =	shalt  }
0x6a: {  	_ =	shalt  }
0x6b: {  	_ =	shalt  }
0x6c: {  	_ =	shalt  }
0x6d: {  	_ =	shalt  }
0x6e: {  	_ =	shalt  }
0x6f: {  	_ =	shalt  }
0x70: {  	_ =	shalt  }
0x71: {  	_ =	shalt  }
0x72: {  	_ =	shalt  }
0x73: {  	_ =	shalt  }
0x74: {  	_ =	shalt  }
0x75: {  	_ =	shalt  }
0x76: {  	_ =	shalt  }
0x77: {  	_ =	shalt  }
0x78: {  	_ =	shalt  }
0x79: {  	_ =	shalt  }
0x7a: {  	_ =	shalt  }
0x7b: {  	_ =	shalt  }
0x7c: {  	_ =	shalt  }
0x7d: {  	_ =	shalt  }
0x7e: {  	_ =	shalt  }
0x7f: {  	_ =	shalt  }
0x80: {  	_ =	shalt  }
0x81: {  	_ =	shalt  }
0x82: {  	_ =	shalt  }
0x83: {  	_ =	shalt  }
0x84: {  	_ =	shalt  }
0x85: {  	_ =	shalt  }
0x86: {  	_ =	shalt  }
0x87: {  	_ =	shalt  }
.Lfunc_end0:
.L_simem_size_0:
called_computation.3_lowered:
.L_overlay_start_0:
0x88: {  	s2 =	sld [smem:$0x3FD9]  }
0x89: {  	s3 =	sld [smem:$0x3FFE];
	_ =	sdelay $0x1  }
0x8a: {  	s1 =	srdreg.scid  }
0x8b: {  	s0 =	sand.u32 $0x1, s1  }
0x8c: {  	s16 =	sshll.u32 s0, $0xA;
	s2 =	sadd.s32 s3, s2  }
0x8d: {  	s2 =	sadd.s32 s2, s16  }
0x8e: {  	[smem:$0x3FB3] =	sst s2  }
0x8f: {  	_ = 	snop  }
0x90: {  	(tm) =	ssettm $0x1  }
0x91: {  	s17 =	sld [smem:$0x3FFB];
	_ =	sdelay $0x3  }
0x92: {  	_ =	strace s17  }
0x93: {  	s2 =	sld [smem:$0x3FFC];
	_ =	sdelay $0x3  }
0x94: {  	_ =	strace s2  }
0x95: {  	s2 =	sld [smem:$0x3FFD];
	_ =	sdelay $0x3  }
0x96: {  	_ =	strace s2  }
0x97: {  	_ =	strace $0x8FFFFFFF  }
0x98: {  	s18 =	sld [smem:$0x3FDB];
	_ =	sdelay $0x1  }
0x99: {  	s19 =	simm.s32 $_scs_section_size  }
0x9a: {  	s4 =	simm.s32 $_size__tile_overlayer_lowered;
	s5 =	simm.s32 $_tile_overlayer_lowered  }
0x9b: {  	s22 =	simm.s32 $0x1BFF;
	s21 =	sshll.u32 s5, $0x1;
	s2 =	sadd.s32 s19, s18  }
0x9c: {  	s6 =	simm.s32 $0x0;
	s20 =	sshll.u32 s4, $0x1;
	s4 =	sadd.s32 s21, s2  }
0x9d: {  	[timem:s6], [sflag:s22] =	dma.local [hbm:s4], s20  }
0x9e: {  	_ =	swait.ge [sflag:s22], s20  }
0x9f: {  	s3 =	ssub.s32 $0x0, s20;
	[sflag:s22] =	ssyncset.done $0x0  }
0xa0: {  	[sflag:s22] =	ssyncadd.s32 s3;
	_ =	sdelay $0x1  }
0xa1: {  	s23 =	simm.s32 $0x1B8B  }
0xa2: {  	_ =	swait.ge [sflag:s23], $0x1  }
0xa3: {  	[sflag:s23] =	ssyncset.done $0x0  }
0xa4: {  	s25 =	simm.s32 $0x1B8E;
	s24 =	sld [smem:$0x3FFE];
	[sflag:s23] =	ssyncadd.s32 $0xFFFFFFFF  }
0xa5: {  	s26 =	simm.s32 $execute0_lowered;
	[smem:$0x3FD2] =	sst s25  }
0xa6: {  	s4 =	sshll.u32 s26, $0x1;
	_ =	strace $0x8000004F;
	[dreg:$0x1] =	wrdreg $0xFFFFFFFF  }
0xa7: {  	s28 =	simm.s32 $_size_execute0_lowered;
	s2 =	sadd.s32 s2, s4;
	[dreg:$0x0] =	wrdreg $0x0  }
0xa8: {  	s4 =	sshll.u32 s28, $0x1;
	[dreg:$0x2] =	wrdreg s2  }
0xa9: {  	[dreg:$0x3] =	wrdreg s4  }
0xaa: {  	[dreg:$0x4] =	wrdreg $0xC0  }
0xab: {  	_ =	task [dreg:s6], $0x5FFFF  }
0xac: {  	[dreg:$0x1] =	wrdreg $0xFFFFFFFF  }
0xad: {  	[dreg:$0x0] =	wrdreg $0x60  }
0xae: {  	[dreg:$0x2] =	wrdreg s24  }
0xaf: {  	[dreg:$0x3] =	wrdreg $0x90000  }
0xb0: {  	[dreg:$0x4] =	wrdreg $0x9  }
0xb1: {  	_ =	task.clear_ibuf [dreg:s6], $0x5FFFF;
	_ =	strace $0x9000004F  }
0xb2: {  	s29 =	simm.s32 $0x9;
	_ =	strace $0x80000051  }
0xb3: {  	_ =	swait.ge [sflag:s29], $0x1  }
0xb4: {  	[sflag:s29] =	ssyncadd.s32 $0xFFFFFFFF  }
0xb5: {  	_ =	strace $0x90000051  }
0xb6: {  	_ =	sfence  }
0xb7: {  	s30 =	sld [smem:$0x0];
	_ =	sdelay $0x2  }
0xb8: {  	s31 =	sshll.u32 s1, $0xD;
	s1 =	sshrl.u32 s1, $0x2  }
0xb9: {  	s3 =	sand.u32 $0x4000, s31;
	s1 =	sadd.s32 s1, s30  }
0xba: {  	s0 =	sor.u32 s3, s0;
	s1 =	sshll.u32 s1, $0x11  }
0xbb: {  	s0 =	sor.u32 s1, s0  }
0xbc: {  	s0 =	sadd.s32 $0x8F2B, s0  }
0xbd: {  	[sflag:s0] =	ssyncadd.remote.s32 $0x1  }
0xbe: {  	_ =	sfence.sel $0xFFFF  }
0xbf: {  	[dreg:$0x0] =	wrdreg $0xFFFFFFFF;
	(pc) =	sbr.abs _section_cstart, $3  }
0xc0: {  	[dreg:$0x1] =	wrdreg $0xFFFFFFFF  }
0xc1: {  	_ =	task.clear_ibuf [dreg:s6], $0x2FFFF;
	_ =	strace $0x9FFFFFFF  }
0xc2: {  	(tm) =	ssettm $0x7FFFFFFF  }
0xc3: {  	_ =	shalt  }
tec
execute0_lowered:
.L_overlay_start_1:
0x0: {  	(tag) =	ssettag $0x1  }
0x1: {  	s0 =	srdreg.scid;
	s6 =	rddreg [dreg:$0x0]  }
0x2: {  	s2 =	rddreg [dreg:$0x1];
	s1 =	stileid.u32  }
0x3: {  	s3 =	simm.s32 $0x0;
	s16 =	simm.s32 $0x5000;
	s17 =	simm.s32 $0x1  }
0x4: {  	s7 =	sand.u32 $0x1, s0;
	s0 =	rddreg [dreg:$0x2];
	s10 =	smul.u32 $0x4F000, s1  }
0x5: {  	s20 =	simm.s32 $0x0;
	[smem:$0x7FF] =	sst s3;
	s25 =	smul.u32 $0x13800, s1  }
0x6: {  	s13 =	sadd.s32 $0x44600, s6;
	s14 =	smul.u32 $0x4E000, s1;
	s19 =	sadd.s32 $0x138000, s2  }
0x7: {  	s31 =	sshll.u32 s1, $0x6;
	p0 =	sne.s32 s1, $0xF;
	s4 =	sshll.u32 s7, $0x4  }
0x8: {  	_ =	strace $0x80000050;
	s9 =	ssub.s32 $0x2, s7;
	s12 =	smul.u32 $0x138800, s7  }
0x9: {  	s19 =	sshrl.u32 @!p0 s19, $0x3;
	s4 =	sor.u32 s1, s4;
	s11 =	sshrl.u32 s9, $0x1  }
0xa: {  	s10 =	sshrl.u32 s10, $0x2;
	s28 =	sshrl.u32 s14, $0x2;
	s5 =	smul.u32 $0x500, s4  }
0xb: {  	s4 =	sadd.s32 $0x1AC00, s6;
	s11 =	ssub.s32 s9, s11;
	s15 =	sadd.s32 s10, s2  }
0xc: {  	s26 =	sadd.s32 s25, s12;
	s29 =	sshrl.u32 s12, $0x3;
	s18 =	sadd.s32 s28, s2  }
0xd: {  	s12 =	simm.s32 $0x2800;
	s30 =	sadd.s32 s13, s29;
	s10 =	smax.u32 s11, $0x1  }
0xe: {  	s11 =	simm.s32 $0x2;
	s14 =	sshrl.u32 s15, $0x3;
	s15 =	simm.s32 $0x80  }
0xf: {  	s18 =	sshrl.u32 s18, $0x3;
	s8 =	sadd.s32 s5, s6;
	s5 =	sadd.s32 $0x41E00, s6  }
0x10: {  	s6 =	sadd.s32 $0x10C00, s8;
	s7 =	sadd.s32 $0x6C00, s8;
	s8 =	sshrl.u32 s26, $0x3  }
0x11: {  	s9 =	sadd.s32 $0x27000, s30;
	s8 =	sadd.s32 s13, s8;
	s13 =	sor.u32 $0x1C02, s31  }
.LBB2_1:
0x12: {  	[tilespmem:s3], [sflag:$0x2] =	stream.linear.gather [hbm4b:s6+s3], $0x2780, $0x38;
	[tilespmem:$0x1CC00] =	vst v63  }
0x13: {  	_ =	swait.ge [sflag:s11], $0x2780  }
0x14: {  	[sflag:s11] =	ssyncset.done $0x0  }
0x15: {  	[sflag:s11] =	ssyncadd.s32 $0xFFFFD880  }
0x16: {  	[tilespmem:s12], [sflag:$0x2] =	stream.linear.gather [hbm4b:s7+s3], $0x2780, $0x38;
	[tilespmem:$0x1CC00] =	vst v63  }
0x17: {  	_ =	swait.ge [sflag:s11], $0x2780  }
0x18: {  	[sflag:s11] =	ssyncset.done $0x0  }
0x19: {  	[sflag:s11] =	ssyncadd.s32 $0xFFFFD880  }
0x1a: {  	[spmem:s14], [sflag:s13] =	dma.local [hbm:s5], $0x2780  }
0x1b: {  	_ =	swait.ge [sflag:s11], $0x2780  }
0x1c: {  	[sflag:s11] =	ssyncset.done $0x0  }
0x1d: {  	[sflag:s11] =	ssyncadd.s32 $0xFFFFD880  }
0x1e: {  	s21 =	simm.s32 $0x0;
	[bflag:$0x0] =	sbarrier.arrive $0xFFFF  }
0x1f: {  	[tilespmem:s16], [sflag:$0x1] =	stream.indirect.gather [hbm4b:s4+s15], $0x80, s21, s15, $0xb8;
	[tilespmem:$0x1CC00] =	vst v63  }
0x20: {  	_ =	swait.ge [sflag:s17], $0x4000  }
0x21: {  	[sflag:s17] =	ssyncset.done $0x0  }
0x22: {  	s31 =	simm.s32 $0x2800;
	[sflag:s17] =	ssyncadd.s32 $0xFFFFC000  }
0x23: {  	[spmem:s2] =	stream.indirect.scatter.add.f32 [tilespmem:s16], [sflag:$0x2], $0x80, s31, s15, $0xb8;
	[tilespmem:$0x1CC00] =	vst v63  }
0x24: {  	_ =	swait.ge [sflag:s11], $0x4000  }
0x25: {  	s22 =	simm.s32 $0x400;
	s21 =	simm.s32 $0x200;
	[sflag:s11] =	ssyncset.done $0x0  }
.LBB2_2:
0x26: {  	s23 =	sshra.s32 s21, $0x2  }
0x27: {  	[sflag:s11] =	ssyncadd.s32 $0xFFFFC000;
	s21 =	smov.u32 s22;
	s24 =	sadd.s32 $0x200, s22  }
0x28: {  	[tilespmem:s16], [sflag:$0x1] =	stream.indirect.gather [hbm4b:s4+s15], $0x80, s23, s15, $0xb8;
	[tilespmem:$0x1CC00] =	vst v63  }
0x29: {  	p1 =	sne.s32 s22, $0x9C00;
	_ =	swait.ge [sflag:s17], $0x4000  }
.Ltmp0:
0x2a: {  	[sflag:s17] =	ssyncset.done $0x0;
	(pc) =	sbr.rel @p1 .LBB2_2-.Ltmp0, $4  }
0x2b: {  	s22 =	sadd.s32 $0x2800, s23;
	[sflag:s17] =	ssyncadd.s32 $0xFFFFC000  }
0x2c: {  	[spmem:s2] =	stream.indirect.scatter.add.f32 [tilespmem:s16], [sflag:$0x2], $0x80, s22, s15, $0xb8;
	[tilespmem:$0x1CC00] =	vst v63  }
0x2d: {  	_ =	swait.ge [sflag:s11], $0x4000  }
0x2e: {  	s22 =	smov.u32 s24;
	[sflag:s11] =	ssyncset.done $0x0  }
0x2f: {  	s21 =	sshra.s32 s21, $0x2;
	[sflag:s11] =	ssyncadd.s32 $0xFFFFC000  }
0x30: {  	[tilespmem:s16], [sflag:$0x1] =	stream.indirect.gather [hbm4b:s4+s15], $0x80, s21, s15, $0xb8;
	[tilespmem:$0x1CC00] =	vst v63  }
0x31: {  	_ =	swait.ge [sflag:s17], $0x4000  }
0x32: {  	[sflag:s17] =	ssyncset.done $0x0  }
0x33: {  	s21 =	sadd.s32 $0x2800, s21;
	[sflag:s17] =	ssyncadd.s32 $0xFFFFC000  }
0x34: {  	[spmem:s2] =	stream.indirect.scatter.add.f32 [tilespmem:s16], [sflag:$0x2], $0x80, s21, s15, $0xb8;
	[tilespmem:$0x1CC00] =	vst v63  }
0x35: {  	_ =	swait.ge [sflag:s11], $0x4000  }
0x36: {  	[sflag:s11] =	ssyncset.done $0x0  }
0x37: {  	[sflag:s11] =	ssyncadd.s32 $0xFFFFC000  }
0x38: {  	[bflag:$0x0] =	sbarrier.arrive $0xFFFF  }
0x39: {  	[hbm:s8], [sflag:s13] =	dma.local [spmem:s18], $0x2700  }
0x3a: {  	s20 =	sadd.s32 $0x1, s20;
	_ =	swait.ge [sflag:s11], $0x2700  }
0x3b: {  	p1 =	sne.s32 s20, s10;
	[sflag:s11] =	ssyncset.done $0x0  }
.Ltmp1:
0x3c: {  	s21 =	simm.s32 @!p0 $0x2;
	[sflag:s11] =	ssyncadd.s32 $0xFFFFD900;
	(pc) =	sbr.rel @p1 .LBB2_1-.Ltmp1, $4  }
0x3d: {  	[hbm:s9], [sflag:s13] =	dma.local @!p0 [spmem:s19], $0x100  }
0x3e: {  	_ =	swait.ge @!p0 [sflag:s21], $0x100  }
0x3f: {  	[sflag:s21] =	ssyncset.done @!p0 $0x0  }
0x40: {  	[sflag:s21] =	ssyncadd.s32 @!p0 $0xFFFFFF00  }
0x41: {  	_ =	sfence.sel $0x180000  }
0x42: {  	[bflag:$0x0] =	sbarrier.arrive $0xFFFF  }
0x43: {  	p0 =	sne.s32 s1, $0x0;
	_ =	strace $0x90000050  }
0x44: {  	s0 =	sadd.s32 @!p0 $0x100000, s0;
	[bflag:$0x2] =	sbarrier.arrive $0xFFFF  }
0x45: {  	[sflag:s0] =	ssyncadd.tile.s32 @!p0 $0x1;
	_ =	shalt  }
.Lfunc_end2:
_tile_overlayer_lowered:
.L_overlay_start_2:
0x46: {  	(tag) =	ssettag $0x2  }
0x47: {  	s0 =	rddreg [dreg:$0x0];
	s2 =	stileid.u32  }
0x48: {  	s1 =	rddreg [dreg:$0x1];
	p0 =	sne.s32 s2, $0x0  }
0x49: {  	s3 =	rddreg [dreg:$0x2];
	[bflag:$0x3] =	sbarrier.arrive $0xFFFF;
	s2 =	simm.s32 @!p0 $0x1C02  }
0x4a: {  	[timem:s3], [sflag:s2] =	dma.local @!p0 [hbm:s0], s1  }
0x4b: {  	s0 =	simm.s32 @!p0 $0x2  }
0x4c: {  	_ =	swait.ge @!p0 [sflag:s0], s1  }
0x4d: {  	s1 =	ssub.s32 @!p0 $0x0, s1;
	[sflag:s0] =	ssyncset.done @!p0 $0x0  }
0x4e: {  	[sflag:s0] =	ssyncadd.s32 @!p0 s1  }
0x4f: {  	[bflag:$0x3] =	sbarrier.arrive $0xFFFF  }
0x50: {  	_ =	shalt  }

// kernel: kernel.32.cloned.1.call-start
scs
__scs_entry_jumppad:
0x0: {  	(pc) =	sbr.rel $0x88, $3  }
0x1: {  	(tag) =	ssettag $0x0;
	lr =	simm.s32 $0x1  }
0x2: {  	[smem:$0x3F8C] =	sst lr;
	_ =	strace $0xD0000000  }
0x3: {  	_ = 	snop  }
0x4: {  	_ = 	snop  }
0x5: {  	_ = 	snop  }
0x6: {  	_ = 	snop  }
0x7: {  	_ = 	snop  }
__scs_overlays_trampoline_lowered:
0x8: {  	[smem:$0x3F9B] =	sst s0  }
0x9: {  	[smem:$0x3F9C] =	sst s1  }
0xa: {  	[smem:$0x3F9D] =	sst s2  }
0xb: {  	[smem:$0x3F9E] =	sst s3  }
0xc: {  	[smem:$0x3F9F] =	sst s4  }
0xd: {  	[smem:$0x3FA0] =	sst s5  }
0xe: {  	[smem:$0x3FA1] =	sst s6  }
0xf: {  	[smem:$0x3FA2] =	sst s7  }
0x10: {  	[smem:$0x3FA3] =	sst s8  }
0x11: {  	[smem:$0x3FA4] =	sst s9;
	s0 =	simm.s32 @!p0 $0x0  }
0x12: {  	s1 =	sld [smem:$0x3F8A];
	s0 =	simm.s32 @p0 $0x1  }
0x13: {  	[smem:$0x3FA5] =	sst s0;
	s0 =	simm.s32 @!p1 $0x0  }
0x14: {  	s2 =	sld [smem:$0x3F89];
	s0 =	simm.s32 @p1 $0x1  }
0x15: {  	[smem:$0x3FA6] =	sst s0;
	s0 =	simm.s32 @!p2 $0x0  }
0x16: {  	s3 =	sld [smem:$0x3FDB];
	s0 =	simm.s32 @p2 $0x1  }
0x17: {  	s4 =	simm.s32 $0x1BF5;
	[smem:$0x3FA8] =	sst s0  }
0x18: {  	s0 =	sld [smem:$0x3F8B];
	_ =	swait.ge [sflag:s4], $0x0  }
0x19: {  	s7 =	sld [smem:$0x3F8C]  }
0x1a: {  	s8 =	sadd.s32 $0xFFFFE003, lr  }
0x1b: {  	s9 =	sadd.s32 $0xFFFFFEF7, lr;
	s5 =	simm.s32 $0xFFFFFFFF;
	p2 =	slt.u32 s8, $0xFFFFF086  }
0x1c: {  	p1 =	slt.u32 s9, $0xF7A;
	s5 =	simm.s32 @!p2 $0x0  }
0x1d: {  	s5 =	simm.s32 @p1 $0x1;
	p0 =	seq.s32 s7, s2  }
0x1e: {  	s7 =	smul.u32 @!p0 $0xF7A, s2;
	p2 =	seq.s32 @!p0 s5, $0x0  }
0x1f: {  	s9 =	smul.u32 $0xF7A, s1;
	s8 =	simm.s32 @!p0 $0x1BF5;
	p2 =	por !p2, p0  }
0x20: {  	[sflag:s8] =	ssyncset.s32 @!p0 $0xFFFFF086;
	s6 =	sadd.s32 @!p0 s3, s7;
	s7 =	simm.s32 @!p0 $0x108  }
0x21: {  	s3 =	sadd.s32 s3, s9;
	s6 =	sadd.s32 @!p0 $0x88, s6;
	s7 =	simm.s32 @p2 $0x1082  }
0x22: {  	[simem:s7], [sflag:s8] =	dma.local @!p0 [hbm:s6], $0xF7A  }
0x23: {  	s9 =	sor.u32 $0xD0000000, s2;
	s6 =	simm.s32 $0x108;
	_ =	swait.ge @!p0 [sflag:s8], $0x0  }
0x24: {  	s3 =	sadd.s32 $0x88, s3;
	s6 =	simm.s32 @!p1 $0x1082;
	[sflag:s4] =	ssyncset.s32 $0xFFFFF086  }
0x25: {  	[simem:s6], [sflag:s4] =	dma.local [hbm:s3], $0xF7A  }
0x26: {  	[smem:$0x3F8C] =	sst s1;
	(tag) =	ssettag s2;
	_ =	strace s9  }
0x27: {  	s1 =	sld [smem:$0x3F9C]  }
0x28: {  	s2 =	sld [smem:$0x3F9D]  }
0x29: {  	s4 =	sld [smem:$0x3F9F]  }
0x2a: {  	p0 =	seq.s32 s5, $0x0;
	s5 =	sld [smem:$0x3FA0]  }
0x2b: {  	s6 =	sld [smem:$0x3FA1]  }
0x2c: {  	s7 =	sld [smem:$0x3FA2]  }
0x2d: {  	s3 =	simm.s32 $0x108;
	s8 =	sld [smem:$0x3FA3]  }
0x2e: {  	s3 =	simm.s32 @!p0 $0x1082;
	s9 =	sld [smem:$0x3FA4]  }
0x2f: {  	lr =	sadd.s32 s0, s3;
	s0 =	sld [smem:$0x3F9B]  }
0x30: {  	s3 =	sld [smem:$0x3F9E]  }
0x31: {  	[smem:$0x3FA7] =	sst s10  }
0x32: {  	s10 =	sld [smem:$0x3FA5];
	_ =	sdelay $0x3  }
0x33: {  	p0 =	seq.s32 s10, $0x1;
	s10 =	sld [smem:$0x3FA7];
	_ =	sdelay $0x3  }
0x34: {  	[smem:$0x3FA7] =	sst s10  }
0x35: {  	s10 =	sld [smem:$0x3FA6];
	_ =	sdelay $0x3  }
0x36: {  	p1 =	seq.s32 s10, $0x1;
	s10 =	sld [smem:$0x3FA7];
	_ =	sdelay $0x3  }
0x37: {  	[smem:$0x3FA7] =	sst s10  }
0x38: {  	s10 =	sld [smem:$0x3FA8]  }
0x39: {  	_ = 	snop;
	(pc) =	sbr.ind lr, $3  }
0x3a: {  	_ = 	snop  }
0x3b: {  	_ = 	snop  }
0x3c: {  	p2 =	seq.s32 s10, $0x1;
	s10 =	sld [smem:$0x3FA7]  }
0x3d: {  	_ =	shalt  }
0x3e: {  	_ =	shalt  }
0x3f: {  	_ =	shalt  }
0x40: {  	_ =	shalt  }
0x41: {  	_ =	shalt  }
0x42: {  	_ =	shalt  }
0x43: {  	_ =	shalt  }
0x44: {  	_ =	shalt  }
0x45: {  	_ =	shalt  }
0x46: {  	_ =	shalt  }
0x47: {  	_ =	shalt  }
0x48: {  	_ =	shalt  }
0x49: {  	_ =	shalt  }
0x4a: {  	_ =	shalt  }
0x4b: {  	_ =	shalt  }
0x4c: {  	_ =	shalt  }
0x4d: {  	_ =	shalt  }
0x4e: {  	_ =	shalt  }
0x4f: {  	_ =	shalt  }
0x50: {  	_ =	shalt  }
0x51: {  	_ =	shalt  }
0x52: {  	_ =	shalt  }
0x53: {  	_ =	shalt  }
0x54: {  	_ =	shalt  }
0x55: {  	_ =	shalt  }
0x56: {  	_ =	shalt  }
0x57: {  	_ =	shalt  }
0x58: {  	_ =	shalt  }
0x59: {  	_ =	shalt  }
0x5a: {  	_ =	shalt  }
0x5b: {  	_ =	shalt  }
0x5c: {  	_ =	shalt  }
0x5d: {  	_ =	shalt  }
0x5e: {  	_ =	shalt  }
0x5f: {  	_ =	shalt  }
0x60: {  	_ =	shalt  }
0x61: {  	_ =	shalt  }
0x62: {  	_ =	shalt  }
0x63: {  	_ =	shalt  }
0x64: {  	_ =	shalt  }
0x65: {  	_ =	shalt  }
0x66: {  	_ =	shalt  }
0x67: {  	_ =	shalt  }
0x68: {  	_ =	shalt  }
0x69: {  	_ =	shalt  }
0x6a: {  	_ =	shalt  }
0x6b: {  	_ =	shalt  }
0x6c: {  	_ =	shalt  }
0x6d: {  	_ =	shalt  }
0x6e: {  	_ =	shalt  }
0x6f: {  	_ =	shalt  }
0x70: {  	_ =	shalt  }
0x71: {  	_ =	shalt  }
0x72: {  	_ =	shalt  }
0x73: {  	_ =	shalt  }
0x74: {  	_ =	shalt  }
0x75: {  	_ =	shalt  }
0x76: {  	_ =	shalt  }
0x77: {  	_ =	shalt  }
0x78: {  	_ =	shalt  }
0x79: {  	_ =	shalt  }
0x7a: {  	_ =	shalt  }
0x7b: {  	_ =	shalt  }
0x7c: {  	_ =	shalt  }
0x7d: {  	_ =	shalt  }
0x7e: {  	_ =	shalt  }
0x7f: {  	_ =	shalt  }
0x80: {  	_ =	shalt  }
0x81: {  	_ =	shalt  }
0x82: {  	_ =	shalt  }
0x83: {  	_ =	shalt  }
0x84: {  	_ =	shalt  }
0x85: {  	_ =	shalt  }
0x86: {  	_ =	shalt  }
0x87: {  	_ =	shalt  }
.Lfunc_end0:
.L_simem_size_0:
called_computation.4_lowered:
.L_overlay_start_0:
0x88: {  	s2 =	sld [smem:$0x3FD9]  }
0x89: {  	s3 =	sld [smem:$0x3FFE];
	_ =	sdelay $0x1  }
0x8a: {  	s1 =	srdreg.scid  }
0x8b: {  	s0 =	sand.u32 $0x1, s1  }
0x8c: {  	s16 =	sshll.u32 s0, $0xA;
	s2 =	sadd.s32 s3, s2  }
0x8d: {  	s2 =	sadd.s32 s2, s16  }
0x8e: {  	[smem:$0x3FB3] =	sst s2  }
0x8f: {  	_ = 	snop  }
0x90: {  	(tm) =	ssettm $0x1  }
0x91: {  	s17 =	sld [smem:$0x3FFB];
	_ =	sdelay $0x3  }
0x92: {  	_ =	strace s17  }
0x93: {  	s2 =	sld [smem:$0x3FFC];
	_ =	sdelay $0x3  }
0x94: {  	_ =	strace s2  }
0x95: {  	s2 =	sld [smem:$0x3FFD];
	_ =	sdelay $0x3  }
0x96: {  	_ =	strace s2  }
0x97: {  	_ =	strace $0x8FFFFFFF  }
0x98: {  	s18 =	sld [smem:$0x3FDB];
	_ =	sdelay $0x1  }
0x99: {  	s19 =	simm.s32 $_scs_section_size  }
0x9a: {  	s4 =	simm.s32 $_size__tile_overlayer_lowered;
	s5 =	simm.s32 $_tile_overlayer_lowered  }
0x9b: {  	s22 =	simm.s32 $0x1BFF;
	s21 =	sshll.u32 s5, $0x1;
	s2 =	sadd.s32 s19, s18  }
0x9c: {  	s6 =	simm.s32 $0x0;
	s20 =	sshll.u32 s4, $0x1;
	s4 =	sadd.s32 s21, s2  }
0x9d: {  	[timem:s6], [sflag:s22] =	dma.local [hbm:s4], s20  }
0x9e: {  	_ =	swait.ge [sflag:s22], s20  }
0x9f: {  	s3 =	ssub.s32 $0x0, s20;
	[sflag:s22] =	ssyncset.done $0x0  }
0xa0: {  	[sflag:s22] =	ssyncadd.s32 s3;
	_ =	sdelay $0x1  }
0xa1: {  	s23 =	simm.s32 $0x1B8B  }
0xa2: {  	_ =	swait.ge [sflag:s23], $0x1  }
0xa3: {  	[sflag:s23] =	ssyncset.done $0x0  }
0xa4: {  	s25 =	simm.s32 $0x1B8E;
	s24 =	sld [smem:$0x3FFE];
	[sflag:s23] =	ssyncadd.s32 $0xFFFFFFFF  }
0xa5: {  	s26 =	simm.s32 $execute0_lowered;
	[smem:$0x3FD2] =	sst s25  }
0xa6: {  	s4 =	sshll.u32 s26, $0x1;
	_ =	strace $0x80000052;
	[dreg:$0x1] =	wrdreg $0xFFFFFFFF  }
0xa7: {  	s28 =	simm.s32 $_size_execute0_lowered;
	s2 =	sadd.s32 s2, s4;
	[dreg:$0x0] =	wrdreg $0x0  }
0xa8: {  	s4 =	sshll.u32 s28, $0x1;
	[dreg:$0x2] =	wrdreg s2  }
0xa9: {  	[dreg:$0x3] =	wrdreg s4  }
0xaa: {  	[dreg:$0x4] =	wrdreg $0xC0  }
0xab: {  	_ =	task [dreg:s6], $0x5FFFF  }
0xac: {  	[dreg:$0x1] =	wrdreg $0xFFFFFFFF  }
0xad: {  	[dreg:$0x0] =	wrdreg $0x60  }
0xae: {  	[dreg:$0x2] =	wrdreg s24  }
0xaf: {  	[dreg:$0x3] =	wrdreg $0x90000  }
0xb0: {  	[dreg:$0x4] =	wrdreg $0x9  }
0xb1: {  	_ =	task.clear_ibuf [dreg:s6], $0x5FFFF;
	_ =	strace $0x90000052  }
0xb2: {  	s29 =	simm.s32 $0x9;
	_ =	strace $0x80000054  }
0xb3: {  	_ =	swait.ge [sflag:s29], $0x1  }
0xb4: {  	[sflag:s29] =	ssyncadd.s32 $0xFFFFFFFF  }
0xb5: {  	_ =	strace $0x90000054  }
0xb6: {  	_ =	sfence  }
0xb7: {  	s30 =	sld [smem:$0x0];
	_ =	sdelay $0x2  }
0xb8: {  	s31 =	sshll.u32 s1, $0xD;
	s1 =	sshrl.u32 s1, $0x2  }
0xb9: {  	s3 =	sand.u32 $0x4000, s31;
	s1 =	sadd.s32 s1, s30  }
0xba: {  	s0 =	sor.u32 s3, s0;
	s1 =	sshll.u32 s1, $0x11  }
0xbb: {  	s0 =	sor.u32 s1, s0  }
0xbc: {  	s0 =	sadd.s32 $0x8F2B, s0  }
0xbd: {  	[sflag:s0] =	ssyncadd.remote.s32 $0x1  }
0xbe: {  	_ =	sfence.sel $0xFFFF  }
0xbf: {  	[dreg:$0x0] =	wrdreg $0xFFFFFFFF;
	(pc) =	sbr.abs _section_cstart, $3  }
0xc0: {  	[dreg:$0x1] =	wrdreg $0xFFFFFFFF  }
0xc1: {  	_ =	task.clear_ibuf [dreg:s6], $0x2FFFF;
	_ =	strace $0x9FFFFFFF  }
0xc2: {  	(tm) =	ssettm $0x7FFFFFFF  }
0xc3: {  	_ =	shalt  }
tec
execute0_lowered:
.L_overlay_start_1:
0x0: {  	(tag) =	ssettag $0x1  }
0x1: {  	s0 =	srdreg.scid;
	s6 =	rddreg [dreg:$0x0]  }
0x2: {  	s2 =	rddreg [dreg:$0x1];
	s1 =	stileid.u32  }
0x3: {  	s3 =	simm.s32 $0x0;
	s16 =	simm.s32 $0x5000;
	s17 =	simm.s32 $0x1  }
0x4: {  	s7 =	sand.u32 $0x1, s0;
	s0 =	rddreg [dreg:$0x2];
	s10 =	smul.u32 $0x4F000, s1  }
0x5: {  	s20 =	simm.s32 $0x0;
	[smem:$0x7FF] =	sst s3;
	s25 =	smul.u32 $0x13800, s1  }
0x6: {  	s13 =	sadd.s32 $0x44600, s6;
	s14 =	smul.u32 $0x4E000, s1;
	s19 =	sadd.s32 $0x138000, s2  }
0x7: {  	s31 =	sshll.u32 s1, $0x6;
	p0 =	sne.s32 s1, $0xF;
	s4 =	sshll.u32 s7, $0x4  }
0x8: {  	_ =	strace $0x80000053;
	s9 =	ssub.s32 $0x2, s7;
	s12 =	smul.u32 $0x138800, s7  }
0x9: {  	s19 =	sshrl.u32 @!p0 s19, $0x3;
	s4 =	sor.u32 s1, s4;
	s11 =	sshrl.u32 s9, $0x1  }
0xa: {  	s10 =	sshrl.u32 s10, $0x2;
	s28 =	sshrl.u32 s14, $0x2;
	s5 =	smul.u32 $0x500, s4  }
0xb: {  	s4 =	sadd.s32 $0x1AC00, s6;
	s11 =	ssub.s32 s9, s11;
	s15 =	sadd.s32 s10, s2  }
0xc: {  	s26 =	sadd.s32 s25, s12;
	s29 =	sshrl.u32 s12, $0x3;
	s18 =	sadd.s32 s28, s2  }
0xd: {  	s12 =	simm.s32 $0x2800;
	s30 =	sadd.s32 s13, s29;
	s10 =	smax.u32 s11, $0x1  }
0xe: {  	s11 =	simm.s32 $0x2;
	s14 =	sshrl.u32 s15, $0x3;
	s15 =	simm.s32 $0x80  }
0xf: {  	s18 =	sshrl.u32 s18, $0x3;
	s8 =	sadd.s32 s5, s6;
	s5 =	sadd.s32 $0x41E00, s6  }
0x10: {  	s6 =	sadd.s32 $0x10C00, s8;
	s7 =	sadd.s32 $0x6C00, s8;
	s8 =	sshrl.u32 s26, $0x3  }
0x11: {  	s9 =	sadd.s32 $0x27000, s30;
	s8 =	sadd.s32 s13, s8;
	s13 =	sor.u32 $0x1C02, s31  }
.LBB2_1:
0x12: {  	[tilespmem:s3], [sflag:$0x2] =	stream.linear.gather [hbm4b:s6+s3], $0x2780, $0x38;
	[tilespmem:$0x1CC00] =	vst v63  }
0x13: {  	_ =	swait.ge [sflag:s11], $0x2780  }
0x14: {  	[sflag:s11] =	ssyncset.done $0x0  }
0x15: {  	[sflag:s11] =	ssyncadd.s32 $0xFFFFD880  }
0x16: {  	[tilespmem:s12], [sflag:$0x2] =	stream.linear.gather [hbm4b:s7+s3], $0x2780, $0x38;
	[tilespmem:$0x1CC00] =	vst v63  }
0x17: {  	_ =	swait.ge [sflag:s11], $0x2780  }
0x18: {  	[sflag:s11] =	ssyncset.done $0x0  }
0x19: {  	[sflag:s11] =	ssyncadd.s32 $0xFFFFD880  }
0x1a: {  	[spmem:s14], [sflag:s13] =	dma.local [hbm:s5], $0x2780  }
0x1b: {  	_ =	swait.ge [sflag:s11], $0x2780  }
0x1c: {  	[sflag:s11] =	ssyncset.done $0x0  }
0x1d: {  	[sflag:s11] =	ssyncadd.s32 $0xFFFFD880  }
0x1e: {  	s21 =	simm.s32 $0x0;
	[bflag:$0x0] =	sbarrier.arrive $0xFFFF  }
0x1f: {  	[tilespmem:s16], [sflag:$0x1] =	stream.indirect.gather [hbm4b:s4+s15], $0x80, s21, s15, $0xb8;
	[tilespmem:$0x1CC00] =	vst v63  }
0x20: {  	_ =	swait.ge [sflag:s17], $0x4000  }
0x21: {  	[sflag:s17] =	ssyncset.done $0x0  }
0x22: {  	s31 =	simm.s32 $0x2800;
	[sflag:s17] =	ssyncadd.s32 $0xFFFFC000  }
0x23: {  	[spmem:s2] =	stream.indirect.scatter.add.f32 [tilespmem:s16], [sflag:$0x2], $0x80, s31, s15, $0xb8;
	[tilespmem:$0x1CC00] =	vst v63  }
0x24: {  	_ =	swait.ge [sflag:s11], $0x4000  }
0x25: {  	s22 =	simm.s32 $0x400;
	s21 =	simm.s32 $0x200;
	[sflag:s11] =	ssyncset.done $0x0  }
.LBB2_2:
0x26: {  	s23 =	sshra.s32 s21, $0x2  }
0x27: {  	[sflag:s11] =	ssyncadd.s32 $0xFFFFC000;
	s21 =	smov.u32 s22;
	s24 =	sadd.s32 $0x200, s22  }
0x28: {  	[tilespmem:s16], [sflag:$0x1] =	stream.indirect.gather [hbm4b:s4+s15], $0x80, s23, s15, $0xb8;
	[tilespmem:$0x1CC00] =	vst v63  }
0x29: {  	p1 =	sne.s32 s22, $0x9C00;
	_ =	swait.ge [sflag:s17], $0x4000  }
.Ltmp0:
0x2a: {  	[sflag:s17] =	ssyncset.done $0x0;
	(pc) =	sbr.rel @p1 .LBB2_2-.Ltmp0, $4  }
0x2b: {  	s22 =	sadd.s32 $0x2800, s23;
	[sflag:s17] =	ssyncadd.s32 $0xFFFFC000  }
0x2c: {  	[spmem:s2] =	stream.indirect.scatter.add.f32 [tilespmem:s16], [sflag:$0x2], $0x80, s22, s15, $0xb8;
	[tilespmem:$0x1CC00] =	vst v63  }
0x2d: {  	_ =	swait.ge [sflag:s11], $0x4000  }
0x2e: {  	s22 =	smov.u32 s24;
	[sflag:s11] =	ssyncset.done $0x0  }
0x2f: {  	s21 =	sshra.s32 s21, $0x2;
	[sflag:s11] =	ssyncadd.s32 $0xFFFFC000  }
0x30: {  	[tilespmem:s16], [sflag:$0x1] =	stream.indirect.gather [hbm4b:s4+s15], $0x80, s21, s15, $0xb8;
	[tilespmem:$0x1CC00] =	vst v63  }
0x31: {  	_ =	swait.ge [sflag:s17], $0x4000  }
0x32: {  	[sflag:s17] =	ssyncset.done $0x0  }
0x33: {  	s21 =	sadd.s32 $0x2800, s21;
	[sflag:s17] =	ssyncadd.s32 $0xFFFFC000  }
0x34: {  	[spmem:s2] =	stream.indirect.scatter.add.f32 [tilespmem:s16], [sflag:$0x2], $0x80, s21, s15, $0xb8;
	[tilespmem:$0x1CC00] =	vst v63  }
0x35: {  	_ =	swait.ge [sflag:s11], $0x4000  }
0x36: {  	[sflag:s11] =	ssyncset.done $0x0  }
0x37: {  	[sflag:s11] =	ssyncadd.s32 $0xFFFFC000  }
0x38: {  	[bflag:$0x0] =	sbarrier.arrive $0xFFFF  }
0x39: {  	[hbm:s8], [sflag:s13] =	dma.local [spmem:s18], $0x2700  }
0x3a: {  	s20 =	sadd.s32 $0x1, s20;
	_ =	swait.ge [sflag:s11], $0x2700  }
0x3b: {  	p1 =	sne.s32 s20, s10;
	[sflag:s11] =	ssyncset.done $0x0  }
.Ltmp1:
0x3c: {  	s21 =	simm.s32 @!p0 $0x2;
	[sflag:s11] =	ssyncadd.s32 $0xFFFFD900;
	(pc) =	sbr.rel @p1 .LBB2_1-.Ltmp1, $4  }
0x3d: {  	[hbm:s9], [sflag:s13] =	dma.local @!p0 [spmem:s19], $0x100  }
0x3e: {  	_ =	swait.ge @!p0 [sflag:s21], $0x100  }
0x3f: {  	[sflag:s21] =	ssyncset.done @!p0 $0x0  }
0x40: {  	[sflag:s21] =	ssyncadd.s32 @!p0 $0xFFFFFF00  }
0x41: {  	_ =	sfence.sel $0x180000  }
0x42: {  	[bflag:$0x0] =	sbarrier.arrive $0xFFFF  }
0x43: {  	p0 =	sne.s32 s1, $0x0;
	_ =	strace $0x90000053  }
0x44: {  	s0 =	sadd.s32 @!p0 $0x100000, s0;
	[bflag:$0x2] =	sbarrier.arrive $0xFFFF  }
0x45: {  	[sflag:s0] =	ssyncadd.tile.s32 @!p0 $0x1;
	_ =	shalt  }
.Lfunc_end2:
_tile_overlayer_lowered:
.L_overlay_start_2:
0x46: {  	(tag) =	ssettag $0x2  }
0x47: {  	s0 =	rddreg [dreg:$0x0];
	s2 =	stileid.u32  }
0x48: {  	s1 =	rddreg [dreg:$0x1];
	p0 =	sne.s32 s2, $0x0  }
0x49: {  	s3 =	rddreg [dreg:$0x2];
	[bflag:$0x3] =	sbarrier.arrive $0xFFFF;
	s2 =	simm.s32 @!p0 $0x1C02  }
0x4a: {  	[timem:s3], [sflag:s2] =	dma.local @!p0 [hbm:s0], s1  }
0x4b: {  	s0 =	simm.s32 @!p0 $0x2  }
0x4c: {  	_ =	swait.ge @!p0 [sflag:s0], s1  }
0x4d: {  	s1 =	ssub.s32 @!p0 $0x0, s1;
	[sflag:s0] =	ssyncset.done @!p0 $0x0  }
0x4e: {  	[sflag:s0] =	ssyncadd.s32 @!p0 s1  }
0x4f: {  	[bflag:$0x3] =	sbarrier.arrive $0xFFFF  }
0x50: {  	_ =	shalt  }

// kernel: kernel.35.cloned.1.call-start
scs
__scs_entry_jumppad:
0x0: {  	(pc) =	sbr.rel $0x88, $3  }
0x1: {  	(tag) =	ssettag $0x0;
	lr =	simm.s32 $0x1  }
0x2: {  	[smem:$0x3F8C] =	sst lr;
	_ =	strace $0xD0000000  }
0x3: {  	_ = 	snop  }
0x4: {  	_ = 	snop  }
0x5: {  	_ = 	snop  }
0x6: {  	_ = 	snop  }
0x7: {  	_ = 	snop  }
__scs_overlays_trampoline_lowered:
0x8: {  	[smem:$0x3F9B] =	sst s0  }
0x9: {  	[smem:$0x3F9C] =	sst s1  }
0xa: {  	[smem:$0x3F9D] =	sst s2  }
0xb: {  	[smem:$0x3F9E] =	sst s3  }
0xc: {  	[smem:$0x3F9F] =	sst s4  }
0xd: {  	[smem:$0x3FA0] =	sst s5  }
0xe: {  	[smem:$0x3FA1] =	sst s6  }
0xf: {  	[smem:$0x3FA2] =	sst s7  }
0x10: {  	[smem:$0x3FA3] =	sst s8  }
0x11: {  	[smem:$0x3FA4] =	sst s9;
	s0 =	simm.s32 @!p0 $0x0  }
0x12: {  	s1 =	sld [smem:$0x3F8A];
	s0 =	simm.s32 @p0 $0x1  }
0x13: {  	[smem:$0x3FA5] =	sst s0;
	s0 =	simm.s32 @!p1 $0x0  }
0x14: {  	s2 =	sld [smem:$0x3F89];
	s0 =	simm.s32 @p1 $0x1  }
0x15: {  	[smem:$0x3FA6] =	sst s0;
	s0 =	simm.s32 @!p2 $0x0  }
0x16: {  	s3 =	sld [smem:$0x3FDB];
	s0 =	simm.s32 @p2 $0x1  }
0x17: {  	s4 =	simm.s32 $0x1BF5;
	[smem:$0x3FA8] =	sst s0  }
0x18: {  	s0 =	sld [smem:$0x3F8B];
	_ =	swait.ge [sflag:s4], $0x0  }
0x19: {  	s7 =	sld [smem:$0x3F8C]  }
0x1a: {  	s8 =	sadd.s32 $0xFFFFE003, lr  }
0x1b: {  	s9 =	sadd.s32 $0xFFFFFEF7, lr;
	s5 =	simm.s32 $0xFFFFFFFF;
	p2 =	slt.u32 s8, $0xFFFFF086  }
0x1c: {  	p1 =	slt.u32 s9, $0xF7A;
	s5 =	simm.s32 @!p2 $0x0  }
0x1d: {  	s5 =	simm.s32 @p1 $0x1;
	p0 =	seq.s32 s7, s2  }
0x1e: {  	s7 =	smul.u32 @!p0 $0xF7A, s2;
	p2 =	seq.s32 @!p0 s5, $0x0  }
0x1f: {  	s9 =	smul.u32 $0xF7A, s1;
	s8 =	simm.s32 @!p0 $0x1BF5;
	p2 =	por !p2, p0  }
0x20: {  	[sflag:s8] =	ssyncset.s32 @!p0 $0xFFFFF086;
	s6 =	sadd.s32 @!p0 s3, s7;
	s7 =	simm.s32 @!p0 $0x108  }
0x21: {  	s3 =	sadd.s32 s3, s9;
	s6 =	sadd.s32 @!p0 $0x88, s6;
	s7 =	simm.s32 @p2 $0x1082  }
0x22: {  	[simem:s7], [sflag:s8] =	dma.local @!p0 [hbm:s6], $0xF7A  }
0x23: {  	s9 =	sor.u32 $0xD0000000, s2;
	s6 =	simm.s32 $0x108;
	_ =	swait.ge @!p0 [sflag:s8], $0x0  }
0x24: {  	s3 =	sadd.s32 $0x88, s3;
	s6 =	simm.s32 @!p1 $0x1082;
	[sflag:s4] =	ssyncset.s32 $0xFFFFF086  }
0x25: {  	[simem:s6], [sflag:s4] =	dma.local [hbm:s3], $0xF7A  }
0x26: {  	[smem:$0x3F8C] =	sst s1;
	(tag) =	ssettag s2;
	_ =	strace s9  }
0x27: {  	s1 =	sld [smem:$0x3F9C]  }
0x28: {  	s2 =	sld [smem:$0x3F9D]  }
0x29: {  	s4 =	sld [smem:$0x3F9F]  }
0x2a: {  	p0 =	seq.s32 s5, $0x0;
	s5 =	sld [smem:$0x3FA0]  }
0x2b: {  	s6 =	sld [smem:$0x3FA1]  }
0x2c: {  	s7 =	sld [smem:$0x3FA2]  }
0x2d: {  	s3 =	simm.s32 $0x108;
	s8 =	sld [smem:$0x3FA3]  }
0x2e: {  	s3 =	simm.s32 @!p0 $0x1082;
	s9 =	sld [smem:$0x3FA4]  }
0x2f: {  	lr =	sadd.s32 s0, s3;
	s0 =	sld [smem:$0x3F9B]  }
0x30: {  	s3 =	sld [smem:$0x3F9E]  }
0x31: {  	[smem:$0x3FA7] =	sst s10  }
0x32: {  	s10 =	sld [smem:$0x3FA5];
	_ =	sdelay $0x3  }
0x33: {  	p0 =	seq.s32 s10, $0x1;
	s10 =	sld [smem:$0x3FA7];
	_ =	sdelay $0x3  }
0x34: {  	[smem:$0x3FA7] =	sst s10  }
0x35: {  	s10 =	sld [smem:$0x3FA6];
	_ =	sdelay $0x3  }
0x36: {  	p1 =	seq.s32 s10, $0x1;
	s10 =	sld [smem:$0x3FA7];
	_ =	sdelay $0x3  }
0x37: {  	[smem:$0x3FA7] =	sst s10  }
0x38: {  	s10 =	sld [smem:$0x3FA8]  }
0x39: {  	_ = 	snop;
	(pc) =	sbr.ind lr, $3  }
0x3a: {  	_ = 	snop  }
0x3b: {  	_ = 	snop  }
0x3c: {  	p2 =	seq.s32 s10, $0x1;
	s10 =	sld [smem:$0x3FA7]  }
0x3d: {  	_ =	shalt  }
0x3e: {  	_ =	shalt  }
0x3f: {  	_ =	shalt  }
0x40: {  	_ =	shalt  }
0x41: {  	_ =	shalt  }
0x42: {  	_ =	shalt  }
0x43: {  	_ =	shalt  }
0x44: {  	_ =	shalt  }
0x45: {  	_ =	shalt  }
0x46: {  	_ =	shalt  }
0x47: {  	_ =	shalt  }
0x48: {  	_ =	shalt  }
0x49: {  	_ =	shalt  }
0x4a: {  	_ =	shalt  }
0x4b: {  	_ =	shalt  }
0x4c: {  	_ =	shalt  }
0x4d: {  	_ =	shalt  }
0x4e: {  	_ =	shalt  }
0x4f: {  	_ =	shalt  }
0x50: {  	_ =	shalt  }
0x51: {  	_ =	shalt  }
0x52: {  	_ =	shalt  }
0x53: {  	_ =	shalt  }
0x54: {  	_ =	shalt  }
0x55: {  	_ =	shalt  }
0x56: {  	_ =	shalt  }
0x57: {  	_ =	shalt  }
0x58: {  	_ =	shalt  }
0x59: {  	_ =	shalt  }
0x5a: {  	_ =	shalt  }
0x5b: {  	_ =	shalt  }
0x5c: {  	_ =	shalt  }
0x5d: {  	_ =	shalt  }
0x5e: {  	_ =	shalt  }
0x5f: {  	_ =	shalt  }
0x60: {  	_ =	shalt  }
0x61: {  	_ =	shalt  }
0x62: {  	_ =	shalt  }
0x63: {  	_ =	shalt  }
0x64: {  	_ =	shalt  }
0x65: {  	_ =	shalt  }
0x66: {  	_ =	shalt  }
0x67: {  	_ =	shalt  }
0x68: {  	_ =	shalt  }
0x69: {  	_ =	shalt  }
0x6a: {  	_ =	shalt  }
0x6b: {  	_ =	shalt  }
0x6c: {  	_ =	shalt  }
0x6d: {  	_ =	shalt  }
0x6e: {  	_ =	shalt  }
0x6f: {  	_ =	shalt  }
0x70: {  	_ =	shalt  }
0x71: {  	_ =	shalt  }
0x72: {  	_ =	shalt  }
0x73: {  	_ =	shalt  }
0x74: {  	_ =	shalt  }
0x75: {  	_ =	shalt  }
0x76: {  	_ =	shalt  }
0x77: {  	_ =	shalt  }
0x78: {  	_ =	shalt  }
0x79: {  	_ =	shalt  }
0x7a: {  	_ =	shalt  }
0x7b: {  	_ =	shalt  }
0x7c: {  	_ =	shalt  }
0x7d: {  	_ =	shalt  }
0x7e: {  	_ =	shalt  }
0x7f: {  	_ =	shalt  }
0x80: {  	_ =	shalt  }
0x81: {  	_ =	shalt  }
0x82: {  	_ =	shalt  }
0x83: {  	_ =	shalt  }
0x84: {  	_ =	shalt  }
0x85: {  	_ =	shalt  }
0x86: {  	_ =	shalt  }
0x87: {  	_ =	shalt  }
.Lfunc_end0:
.L_simem_size_0:
called_computation.5_lowered:
.L_overlay_start_0:
0x88: {  	s2 =	sld [smem:$0x3FD9]  }
0x89: {  	s3 =	sld [smem:$0x3FFE];
	_ =	sdelay $0x1  }
0x8a: {  	s1 =	srdreg.scid  }
0x8b: {  	s0 =	sand.u32 $0x1, s1  }
0x8c: {  	s16 =	sshll.u32 s0, $0xA;
	s2 =	sadd.s32 s3, s2  }
0x8d: {  	s2 =	sadd.s32 s2, s16  }
0x8e: {  	[smem:$0x3FB3] =	sst s2  }
0x8f: {  	_ = 	snop  }
0x90: {  	(tm) =	ssettm $0x1  }
0x91: {  	s17 =	sld [smem:$0x3FFB];
	_ =	sdelay $0x3  }
0x92: {  	_ =	strace s17  }
0x93: {  	s2 =	sld [smem:$0x3FFC];
	_ =	sdelay $0x3  }
0x94: {  	_ =	strace s2  }
0x95: {  	s2 =	sld [smem:$0x3FFD];
	_ =	sdelay $0x3  }
0x96: {  	_ =	strace s2  }
0x97: {  	_ =	strace $0x8FFFFFFF  }
0x98: {  	s18 =	sld [smem:$0x3FDB];
	_ =	sdelay $0x1  }
0x99: {  	s19 =	simm.s32 $_scs_section_size  }
0x9a: {  	s4 =	simm.s32 $_size__tile_overlayer_lowered;
	s5 =	simm.s32 $_tile_overlayer_lowered  }
0x9b: {  	s22 =	simm.s32 $0x1BFF;
	s21 =	sshll.u32 s5, $0x1;
	s2 =	sadd.s32 s19, s18  }
0x9c: {  	s6 =	simm.s32 $0x0;
	s20 =	sshll.u32 s4, $0x1;
	s4 =	sadd.s32 s21, s2  }
0x9d: {  	[timem:s6], [sflag:s22] =	dma.local [hbm:s4], s20  }
0x9e: {  	_ =	swait.ge [sflag:s22], s20  }
0x9f: {  	s3 =	ssub.s32 $0x0, s20;
	[sflag:s22] =	ssyncset.done $0x0  }
0xa0: {  	[sflag:s22] =	ssyncadd.s32 s3;
	_ =	sdelay $0x1  }
0xa1: {  	s23 =	simm.s32 $0x1B8B  }
0xa2: {  	_ =	swait.ge [sflag:s23], $0x1  }
0xa3: {  	[sflag:s23] =	ssyncset.done $0x0  }
0xa4: {  	s25 =	simm.s32 $0x1B8E;
	s24 =	sld [smem:$0x3FFE];
	[sflag:s23] =	ssyncadd.s32 $0xFFFFFFFF  }
0xa5: {  	s26 =	simm.s32 $execute0_lowered;
	[smem:$0x3FD2] =	sst s25  }
0xa6: {  	s4 =	sshll.u32 s26, $0x1;
	_ =	strace $0x80000055;
	[dreg:$0x1] =	wrdreg $0xFFFFFFFF  }
0xa7: {  	s28 =	simm.s32 $_size_execute0_lowered;
	s2 =	sadd.s32 s2, s4;
	[dreg:$0x0] =	wrdreg $0x0  }
0xa8: {  	s4 =	sshll.u32 s28, $0x1;
	[dreg:$0x2] =	wrdreg s2  }
0xa9: {  	[dreg:$0x3] =	wrdreg s4  }
0xaa: {  	[dreg:$0x4] =	wrdreg $0xC0  }
0xab: {  	_ =	task [dreg:s6], $0x5FFFF  }
0xac: {  	[dreg:$0x1] =	wrdreg $0xFFFFFFFF  }
0xad: {  	[dreg:$0x0] =	wrdreg $0x60  }
0xae: {  	[dreg:$0x2] =	wrdreg s24  }
0xaf: {  	[dreg:$0x3] =	wrdreg $0x90000  }
0xb0: {  	[dreg:$0x4] =	wrdreg $0x9  }
0xb1: {  	_ =	task.clear_ibuf [dreg:s6], $0x5FFFF;
	_ =	strace $0x90000055  }
0xb2: {  	s29 =	simm.s32 $0x9;
	_ =	strace $0x80000057  }
0xb3: {  	_ =	swait.ge [sflag:s29], $0x1  }
0xb4: {  	[sflag:s29] =	ssyncadd.s32 $0xFFFFFFFF  }
0xb5: {  	_ =	strace $0x90000057  }
0xb6: {  	_ =	sfence  }
0xb7: {  	s30 =	sld [smem:$0x0];
	_ =	sdelay $0x2  }
0xb8: {  	s31 =	sshll.u32 s1, $0xD;
	s1 =	sshrl.u32 s1, $0x2  }
0xb9: {  	s3 =	sand.u32 $0x4000, s31;
	s1 =	sadd.s32 s1, s30  }
0xba: {  	s0 =	sor.u32 s3, s0;
	s1 =	sshll.u32 s1, $0x11  }
0xbb: {  	s0 =	sor.u32 s1, s0  }
0xbc: {  	s0 =	sadd.s32 $0x8F2B, s0  }
0xbd: {  	[sflag:s0] =	ssyncadd.remote.s32 $0x1  }
0xbe: {  	_ =	sfence.sel $0xFFFF  }
0xbf: {  	[dreg:$0x0] =	wrdreg $0xFFFFFFFF;
	(pc) =	sbr.abs _section_cstart, $3  }
0xc0: {  	[dreg:$0x1] =	wrdreg $0xFFFFFFFF  }
0xc1: {  	_ =	task.clear_ibuf [dreg:s6], $0x2FFFF;
	_ =	strace $0x9FFFFFFF  }
0xc2: {  	(tm) =	ssettm $0x7FFFFFFF  }
0xc3: {  	_ =	shalt  }
tec
execute0_lowered:
.L_overlay_start_1:
0x0: {  	(tag) =	ssettag $0x1  }
0x1: {  	s0 =	srdreg.scid;
	s6 =	rddreg [dreg:$0x0]  }
0x2: {  	s2 =	rddreg [dreg:$0x1];
	s1 =	stileid.u32  }
0x3: {  	s3 =	simm.s32 $0x0;
	s16 =	simm.s32 $0x5000;
	s17 =	simm.s32 $0x1  }
0x4: {  	s7 =	sand.u32 $0x1, s0;
	s0 =	rddreg [dreg:$0x2];
	s10 =	smul.u32 $0x4F000, s1  }
0x5: {  	s20 =	simm.s32 $0x0;
	[smem:$0x7FF] =	sst s3;
	s25 =	smul.u32 $0x13800, s1  }
0x6: {  	s13 =	sadd.s32 $0x44600, s6;
	s14 =	smul.u32 $0x4E000, s1;
	s19 =	sadd.s32 $0x138000, s2  }
0x7: {  	s31 =	sshll.u32 s1, $0x6;
	p0 =	sne.s32 s1, $0xF;
	s4 =	sshll.u32 s7, $0x4  }
0x8: {  	_ =	strace $0x80000056;
	s9 =	ssub.s32 $0x2, s7;
	s12 =	smul.u32 $0x138800, s7  }
0x9: {  	s19 =	sshrl.u32 @!p0 s19, $0x3;
	s4 =	sor.u32 s1, s4;
	s11 =	sshrl.u32 s9, $0x1  }
0xa: {  	s10 =	sshrl.u32 s10, $0x2;
	s28 =	sshrl.u32 s14, $0x2;
	s5 =	smul.u32 $0x500, s4  }
0xb: {  	s4 =	sadd.s32 $0x1AC00, s6;
	s11 =	ssub.s32 s9, s11;
	s15 =	sadd.s32 s10, s2  }
0xc: {  	s26 =	sadd.s32 s25, s12;
	s29 =	sshrl.u32 s12, $0x3;
	s18 =	sadd.s32 s28, s2  }
0xd: {  	s12 =	simm.s32 $0x2800;
	s30 =	sadd.s32 s13, s29;
	s10 =	smax.u32 s11, $0x1  }
0xe: {  	s11 =	simm.s32 $0x2;
	s14 =	sshrl.u32 s15, $0x3;
	s15 =	simm.s32 $0x80  }
0xf: {  	s18 =	sshrl.u32 s18, $0x3;
	s8 =	sadd.s32 s5, s6;
	s5 =	sadd.s32 $0x41E00, s6  }
0x10: {  	s6 =	sadd.s32 $0x10C00, s8;
	s7 =	sadd.s32 $0x6C00, s8;
	s8 =	sshrl.u32 s26, $0x3  }
0x11: {  	s9 =	sadd.s32 $0x27000, s30;
	s8 =	sadd.s32 s13, s8;
	s13 =	sor.u32 $0x1C02, s31  }
.LBB2_1:
0x12: {  	[tilespmem:s3], [sflag:$0x2] =	stream.linear.gather [hbm4b:s6+s3], $0x2780, $0x38;
	[tilespmem:$0x1CC00] =	vst v63  }
0x13: {  	_ =	swait.ge [sflag:s11], $0x2780  }
0x14: {  	[sflag:s11] =	ssyncset.done $0x0  }
0x15: {  	[sflag:s11] =	ssyncadd.s32 $0xFFFFD880  }
0x16: {  	[tilespmem:s12], [sflag:$0x2] =	stream.linear.gather [hbm4b:s7+s3], $0x2780, $0x38;
	[tilespmem:$0x1CC00] =	vst v63  }
0x17: {  	_ =	swait.ge [sflag:s11], $0x2780  }
0x18: {  	[sflag:s11] =	ssyncset.done $0x0  }
0x19: {  	[sflag:s11] =	ssyncadd.s32 $0xFFFFD880  }
0x1a: {  	[spmem:s14], [sflag:s13] =	dma.local [hbm:s5], $0x2780  }
0x1b: {  	_ =	swait.ge [sflag:s11], $0x2780  }
0x1c: {  	[sflag:s11] =	ssyncset.done $0x0  }
0x1d: {  	[sflag:s11] =	ssyncadd.s32 $0xFFFFD880  }
0x1e: {  	s21 =	simm.s32 $0x0;
	[bflag:$0x0] =	sbarrier.arrive $0xFFFF  }
0x1f: {  	[tilespmem:s16], [sflag:$0x1] =	stream.indirect.gather [hbm4b:s4+s15], $0x80, s21, s15, $0xb8;
	[tilespmem:$0x1CC00] =	vst v63  }
0x20: {  	_ =	swait.ge [sflag:s17], $0x4000  }
0x21: {  	[sflag:s17] =	ssyncset.done $0x0  }
0x22: {  	s31 =	simm.s32 $0x2800;
	[sflag:s17] =	ssyncadd.s32 $0xFFFFC000  }
0x23: {  	[spmem:s2] =	stream.indirect.scatter.add.f32 [tilespmem:s16], [sflag:$0x2], $0x80, s31, s15, $0xb8;
	[tilespmem:$0x1CC00] =	vst v63  }
0x24: {  	_ =	swait.ge [sflag:s11], $0x4000  }
0x25: {  	s22 =	simm.s32 $0x400;
	s21 =	simm.s32 $0x200;
	[sflag:s11] =	ssyncset.done $0x0  }
.LBB2_2:
0x26: {  	s23 =	sshra.s32 s21, $0x2  }
0x27: {  	[sflag:s11] =	ssyncadd.s32 $0xFFFFC000;
	s21 =	smov.u32 s22;
	s24 =	sadd.s32 $0x200, s22  }
0x28: {  	[tilespmem:s16], [sflag:$0x1] =	stream.indirect.gather [hbm4b:s4+s15], $0x80, s23, s15, $0xb8;
	[tilespmem:$0x1CC00] =	vst v63  }
0x29: {  	p1 =	sne.s32 s22, $0x9C00;
	_ =	swait.ge [sflag:s17], $0x4000  }
.Ltmp0:
0x2a: {  	[sflag:s17] =	ssyncset.done $0x0;
	(pc) =	sbr.rel @p1 .LBB2_2-.Ltmp0, $4  }
0x2b: {  	s22 =	sadd.s32 $0x2800, s23;
	[sflag:s17] =	ssyncadd.s32 $0xFFFFC000  }
0x2c: {  	[spmem:s2] =	stream.indirect.scatter.add.f32 [tilespmem:s16], [sflag:$0x2], $0x80, s22, s15, $0xb8;
	[tilespmem:$0x1CC00] =	vst v63  }
0x2d: {  	_ =	swait.ge [sflag:s11], $0x4000  }
0x2e: {  	s22 =	smov.u32 s24;
	[sflag:s11] =	ssyncset.done $0x0  }
0x2f: {  	s21 =	sshra.s32 s21, $0x2;
	[sflag:s11] =	ssyncadd.s32 $0xFFFFC000  }
0x30: {  	[tilespmem:s16], [sflag:$0x1] =	stream.indirect.gather [hbm4b:s4+s15], $0x80, s21, s15, $0xb8;
	[tilespmem:$0x1CC00] =	vst v63  }
0x31: {  	_ =	swait.ge [sflag:s17], $0x4000  }
0x32: {  	[sflag:s17] =	ssyncset.done $0x0  }
0x33: {  	s21 =	sadd.s32 $0x2800, s21;
	[sflag:s17] =	ssyncadd.s32 $0xFFFFC000  }
0x34: {  	[spmem:s2] =	stream.indirect.scatter.add.f32 [tilespmem:s16], [sflag:$0x2], $0x80, s21, s15, $0xb8;
	[tilespmem:$0x1CC00] =	vst v63  }
0x35: {  	_ =	swait.ge [sflag:s11], $0x4000  }
0x36: {  	[sflag:s11] =	ssyncset.done $0x0  }
0x37: {  	[sflag:s11] =	ssyncadd.s32 $0xFFFFC000  }
0x38: {  	[bflag:$0x0] =	sbarrier.arrive $0xFFFF  }
0x39: {  	[hbm:s8], [sflag:s13] =	dma.local [spmem:s18], $0x2700  }
0x3a: {  	s20 =	sadd.s32 $0x1, s20;
	_ =	swait.ge [sflag:s11], $0x2700  }
0x3b: {  	p1 =	sne.s32 s20, s10;
	[sflag:s11] =	ssyncset.done $0x0  }
.Ltmp1:
0x3c: {  	s21 =	simm.s32 @!p0 $0x2;
	[sflag:s11] =	ssyncadd.s32 $0xFFFFD900;
	(pc) =	sbr.rel @p1 .LBB2_1-.Ltmp1, $4  }
0x3d: {  	[hbm:s9], [sflag:s13] =	dma.local @!p0 [spmem:s19], $0x100  }
0x3e: {  	_ =	swait.ge @!p0 [sflag:s21], $0x100  }
0x3f: {  	[sflag:s21] =	ssyncset.done @!p0 $0x0  }
0x40: {  	[sflag:s21] =	ssyncadd.s32 @!p0 $0xFFFFFF00  }
0x41: {  	_ =	sfence.sel $0x180000  }
0x42: {  	[bflag:$0x0] =	sbarrier.arrive $0xFFFF  }
0x43: {  	p0 =	sne.s32 s1, $0x0;
	_ =	strace $0x90000056  }
0x44: {  	s0 =	sadd.s32 @!p0 $0x100000, s0;
	[bflag:$0x2] =	sbarrier.arrive $0xFFFF  }
0x45: {  	[sflag:s0] =	ssyncadd.tile.s32 @!p0 $0x1;
	_ =	shalt  }
.Lfunc_end2:
_tile_overlayer_lowered:
.L_overlay_start_2:
0x46: {  	(tag) =	ssettag $0x2  }
0x47: {  	s0 =	rddreg [dreg:$0x0];
	s2 =	stileid.u32  }
0x48: {  	s1 =	rddreg [dreg:$0x1];
	p0 =	sne.s32 s2, $0x0  }
0x49: {  	s3 =	rddreg [dreg:$0x2];
	[bflag:$0x3] =	sbarrier.arrive $0xFFFF;
	s2 =	simm.s32 @!p0 $0x1C02  }
0x4a: {  	[timem:s3], [sflag:s2] =	dma.local @!p0 [hbm:s0], s1  }
0x4b: {  	s0 =	simm.s32 @!p0 $0x2  }
0x4c: {  	_ =	swait.ge @!p0 [sflag:s0], s1  }
0x4d: {  	s1 =	ssub.s32 @!p0 $0x0, s1;
	[sflag:s0] =	ssyncset.done @!p0 $0x0  }
0x4e: {  	[sflag:s0] =	ssyncadd.s32 @!p0 s1  }
0x4f: {  	[bflag:$0x3] =	sbarrier.arrive $0xFFFF  }
0x50: {  	_ =	shalt  }

</sc_bundles>
